<compile_context>
chip_gen: v7x
topology: tpu7x:2x2x1
jax: 0.10.2.dev20260603
libtpu: 0.0.44.dev20260713+nightly
codegen_flags: <defaults>
</compile_context>

<pallas_src>
import functools

import jax
import jax.numpy as jnp
from jax import lax
from jax.experimental import pallas as pl
from jax.experimental.pallas import tpu as pltpu
from jax.experimental.pallas import tpu_sc as plsc

K = 16
AD = 6
CD = 16
L = 16
GC = 4
QB = 16
NQ = 4
NW = 32
BLKH = 512
HIGH = jax.lax.Precision.HIGHEST


def _lrelu(x):
    return jnp.where(x >= 0, x, 0.2 * x)



def _prep_body(aty_ref, W1_ref, b1_ref, W2_ref, b2_ref, W3_ref, b3_ref,
               at_ref):
    at = aty_ref[...]
    at = _lrelu(jnp.dot(at, W1_ref[...].T, preferred_element_type=jnp.float32) + b1_ref[...])
    at = _lrelu(jnp.dot(at, W2_ref[...].T, preferred_element_type=jnp.float32) + b2_ref[...])
    at = _lrelu(jnp.dot(at, W3_ref[...].T, preferred_element_type=jnp.float32) + b3_ref[...])
    at_ref[...] = at



def _sc_body(qx_hbm, qy_hbm, qz_hbm, ax_hbm, ay_hbm, az_hbm, at_hbm,
             watt_hbm, ss_hbm,
             axv, ayv, azv, wattv, qxv, qyv, qzv, atq, ssbuf, sem):
    wid = lax.axis_index("s") * 2 + lax.axis_index("c")
    Mp = ax_hbm.shape[0]
    per_w = qx_hbm.shape[0] // NW
    nbatches = per_w // QB
    ngroups = Mp // (GC * L)

    pltpu.sync_copy(ax_hbm, axv)
    pltpu.sync_copy(ay_hbm, ayv)
    pltpu.sync_copy(az_hbm, azv)
    pltpu.sync_copy(watt_hbm, wattv)
    watt_reg = wattv[...]
    iota = lax.iota(jnp.int32, 16)

    _gdn = lax.GatherDimensionNumbers(offset_dims=(),
                                      collapsed_slice_dims=(0,),
                                      start_index_map=(0,))

    def _lane(vec, j):
        idx = jnp.full((16, 1), j, jnp.int32)
        return lax.gather(vec, idx, _gdn, slice_sizes=(1,),
                          mode=lax.GatherScatterMode.PROMISE_IN_BOUNDS)

    def _any(m):
        cnt = plsc.all_reduce_population_count(m)
        return lax.squeeze(lax.slice(cnt, (0,), (1,)), dimensions=(0,)) > 0

    def _merge(bd, bi, dc, ic):
        rd, ri = plsc.sort_key_val(dc, ic, descending=True)
        m = bd <= rd
        nd = jnp.where(m, bd, rd)
        ni = jnp.where(m, bi, ri)
        nd, ni = plsc.sort_key_val(nd, ni)
        return nd, ni

    qbase0 = wid * per_w

    def batch_body(b, carry_b):
        qbase = qbase0 + b * QB
        pltpu.sync_copy(qx_hbm.at[pl.ds(qbase, QB)], qxv)
        pltpu.sync_copy(qy_hbm.at[pl.ds(qbase, QB)], qyv)
        pltpu.sync_copy(qz_hbm.at[pl.ds(qbase, QB)], qzv)
        qxr = qxv[...]
        qyr = qyv[...]
        qzr = qzv[...]

        def qg_body(jg, carry_q):
            j0 = jg * NQ
            qxs = [_lane(qxr, j0 + i) for i in range(NQ)]
            qys = [_lane(qyr, j0 + i) for i in range(NQ)]
            qzs = [_lane(qzr, j0 + i) for i in range(NQ)]

            def group_body(g, carry):
                bds = list(carry[0])
                bis = list(carry[1])
                base = g * (GC * L)
                for c in range(GC):
                    off = base + c * L
                    axc = axv[pl.ds(off, L)]
                    ayc = ayv[pl.ds(off, L)]
                    azc = azv[pl.ds(off, L)]
                    ic = iota + off
                    for i in range(NQ):
                        dx = axc - qxs[i]
                        dy = ayc - qys[i]
                        dz = azc - qzs[i]
                        dc = dx * dx + dy * dy + dz * dz
                        bds[i], bis[i] = _merge(bds[i], bis[i], dc, ic)
                return (tuple(bds), tuple(bis))

            init = (tuple(jnp.full((16,), 1e30, jnp.float32)
                          for _ in range(NQ)),
                    tuple(jnp.zeros((16,), jnp.int32) for _ in range(NQ)))
            bds, bis = lax.fori_loop(0, ngroups, group_body, init)

            copies = [pltpu.async_copy(at_hbm.at[bis[i]],
                                       atq.at[pl.ds(i * K, K)], sem)
                      for i in range(NQ)]
            for cp in copies:
                cp.wait()

            for i in range(NQ):
                xd = bds[i] + 1e-8
                r = 1.0 / xd
                r = r * (2.0 - xd * r)
                w = watt_reg * r
                axg = plsc.load_gather(axv, [bis[i]])
                ayg = plsc.load_gather(ayv, [bis[i]])
                azg = plsc.load_gather(azv, [bis[i]])
                u0 = w * (qxs[i] - axg)
                u1 = w * (qys[i] - ayg)
                u2 = w * (qzs[i] - azg)
                acc0 = jnp.zeros((16,), jnp.float32)
                acc1 = jnp.zeros((16,), jnp.float32)
                acc2 = jnp.zeros((16,), jnp.float32)
                for k in range(K):
                    kf = jnp.full((16,), i * K + k, jnp.int32)
                    row = plsc.load_gather(atq, [kf, iota])
                    acc0 = acc0 + _lane(u0, k) * row
                    acc1 = acc1 + _lane(u1, k) * row
                    acc2 = acc2 + _lane(u2, k) * row
                ss = acc0 * acc0 + acc1 * acc1 + acc2 * acc2
                ssbuf[pl.ds((j0 + i) * CD, CD)] = ss
            return carry_q

        lax.fori_loop(0, QB // NQ, qg_body, 0)
        pltpu.sync_copy(ssbuf, ss_hbm.at[pl.ds(qbase * CD, QB * CD)])
        return carry_b

    lax.fori_loop(0, nbatches, batch_body, 0)



def _head_body(ss_ref, W4_ref, b4_ref, W5_ref, b5_ref, W6_ref, b6_ref,
               out_ref):
    fx = jnp.sqrt(ss_ref[...])
    h = _lrelu(jnp.dot(fx, W4_ref[...].T, preferred_element_type=jnp.float32) + b4_ref[...])
    h = _lrelu(jnp.dot(h, W5_ref[...].T, preferred_element_type=jnp.float32) + b5_ref[...])
    out_ref[...] = (jnp.dot(h, W6_ref[...].T,
                            preferred_element_type=jnp.float32) + b6_ref[...])


def kernel(xyz, atom_xyz, atomtypes, batch, atom_batch,
           W1, b1, W2, b2, W3, b3, watt, W4, b4, W5, b5, W6, b6):
    N = xyz.shape[0]
    M = atom_xyz.shape[0]
    Mp = ((M + GC * L - 1) // (GC * L)) * (GC * L)
    per_w = ((N + NW * QB - 1) // (NW * QB)) * QB
    Np = NW * per_w

    Mp8 = ((Mp + 7) // 8) * 8
    aty_p = jnp.pad(atomtypes[:, :AD], ((0, Mp8 - M), (0, 0)))
    axyz_p = jnp.pad(atom_xyz, ((0, Mp - M), (0, 0)), constant_values=1e6)
    ax, ay, az = axyz_p[:, 0], axyz_p[:, 1], axyz_p[:, 2]
    x_p = jnp.pad(xyz, ((0, Np - N), (0, 0)))
    qx, qy, qz = x_p[:, 0], x_p[:, 1], x_p[:, 2]
    b1r, b2r, b3r = b1.reshape(1, CD), b2.reshape(1, CD), b3.reshape(1, CD)
    b4r, b5r, b6r = b4.reshape(1, CD), b5.reshape(1, CD), b6.reshape(1, CD)

    at = pl.pallas_call(
        _prep_body,
        out_shape=jax.ShapeDtypeStruct((Mp8, CD), jnp.float32),
    )(aty_p, W1, b1r, W2, b2r, W3, b3r)
    at = at[:Mp]

    mesh = plsc.VectorSubcoreMesh(core_axis_name="c", subcore_axis_name="s")
    sc = functools.partial(
        pl.kernel,
        out_type=jax.ShapeDtypeStruct((Np * CD,), jnp.float32),
        mesh=mesh,
        compiler_params=pltpu.CompilerParams(needs_layout_passes=False, use_tc_tiling_on_sc=False),
        scratch_types=[
            pltpu.VMEM((Mp,), jnp.float32),
            pltpu.VMEM((Mp,), jnp.float32),
            pltpu.VMEM((Mp,), jnp.float32),
            pltpu.VMEM((K,), jnp.float32),
            pltpu.VMEM((QB,), jnp.float32),
            pltpu.VMEM((QB,), jnp.float32),
            pltpu.VMEM((QB,), jnp.float32),
            pltpu.VMEM((NQ * K, CD), jnp.float32),
            pltpu.VMEM((QB * CD,), jnp.float32),
            pltpu.SemaphoreType.DMA,
        ],
    )(_sc_body)
    ss = sc(qx, qy, qz, ax, ay, az, at, watt)
    ss2 = ss.reshape(Np, CD)

    grid = (Np // BLKH,)
    full = lambda i: (0, 0)
    out = pl.pallas_call(
        _head_body,
        grid=grid,
        in_specs=[
            pl.BlockSpec((BLKH, CD), lambda i: (i, 0)),
            pl.BlockSpec((CD, CD), full),
            pl.BlockSpec((1, CD), full),
            pl.BlockSpec((CD, CD), full),
            pl.BlockSpec((1, CD), full),
            pl.BlockSpec((CD, CD), full),
            pl.BlockSpec((1, CD), full),
        ],
        out_specs=pl.BlockSpec((BLKH, CD), lambda i: (i, 0)),
        out_shape=jax.ShapeDtypeStruct((Np, CD), jnp.float32),
    )(ss2, W4, b4r, W5, b5r, W6, b6r)
    return out[:N]

# --- scband reference (transcript-rebuilt; emitter-appended) ---
"""Pipeline reference for scband-atom-net-v-19988777795858 (READ-ONLY COPY).

The authoritative reference and input builder live on the scoring server;
editing this copy changes nothing except your own understanding.
"""

import jax, jax.numpy as jnp
import numpy as np

N = 50000
M = 10000
K = 16
AD = 6
CD = 16
CHUNK = 1000


def lrelu(x):
    return jnp.where(x >= 0, x, 0.2 * x)


def knn_idx(x, y, k):
    xs = x.reshape(-1, CHUNK, 3)

    def chunk_fn(xc):
        d = jnp.sum((xc[:, None, :] - y[None, :, :]) ** 2, axis=-1)
        _, idx = jax.lax.top_k(-d, k)
        return idx

    return jax.lax.map(chunk_fn, xs).reshape(-1, k)


def setup_inputs(seed: int = 0) -> dict:
    key = jax.random.key(seed)
    ks = jax.random.split(key, 16)
    xyz = jax.random.normal(ks[0], (N, 3), dtype=jnp.float32) * 5.0
    atom_xyz = jax.random.normal(ks[1], (M, 3), dtype=jnp.float32) * 5.0
    atomtypes = jax.random.uniform(ks[2], (M, AD), dtype=jnp.float32)
    batch = jnp.zeros((N,), dtype=jnp.int32)
    atom_batch = jnp.zeros((M,), dtype=jnp.int32)
    W1 = jax.random.normal(ks[3], (CD, AD), dtype=jnp.float32) * 0.3
    b1 = jnp.zeros((CD,), dtype=jnp.float32)
    W2 = jax.random.normal(ks[4], (CD, CD), dtype=jnp.float32) * 0.2
    b2 = jnp.zeros((CD,), dtype=jnp.float32)
    W3 = jax.random.normal(ks[5], (CD, CD), dtype=jnp.float32) * 0.2
    b3 = jnp.zeros((CD,), dtype=jnp.float32)
    watt = jax.random.normal(ks[6], (K,), dtype=jnp.float32) * 0.2
    W4 = jax.random.normal(ks[7], (CD, CD), dtype=jnp.float32) * 0.2
    b4 = jnp.zeros((CD,), dtype=jnp.float32)
    W5 = jax.random.normal(ks[8], (CD, CD), dtype=jnp.float32) * 0.2
    b5 = jnp.zeros((CD,), dtype=jnp.float32)
    W6 = jax.random.normal(ks[9], (CD, CD), dtype=jnp.float32) * 0.2
    b6 = jnp.zeros((CD,), dtype=jnp.float32)
    return {"xyz": xyz, "atom_xyz": atom_xyz, "atomtypes": atomtypes,
            "batch": batch, "atom_batch": atom_batch,
            "W1": W1, "b1": b1, "W2": W2, "b2": b2, "W3": W3, "b3": b3,
            "watt": watt, "W4": W4, "b4": b4, "W5": W5, "b5": b5,
            "W6": W6, "b6": b6}


def reference(xyz, atom_xyz, atomtypes, batch, atom_batch,
              W1, b1, W2, b2, W3, b3, watt, W4, b4, W5, b5, W6, b6):
    # transform_types MLP on atom chemical features
    at = atomtypes[:, :AD]
    at = lrelu(at @ W1.T + b1)
    at = lrelu(at @ W2.T + b2)
    at = lrelu(at @ W3.T + b3)
    # kNN: for each surface point, K nearest atoms (single batch => full kNN)
    idx = knn_idx(xyz, atom_xyz, K)        # [N, K] int32
    idxf = idx.reshape(-1)
    x_ik = atom_xyz[idxf].reshape(N, K, 3)
    vecs = xyz[:, None, :] - x_ik          # [N, K, 3]
    d = jnp.sum(vecs ** 2, axis=-1)
    d = jnp.power(d + 1e-8, -1.0)          # gamma=1 -> exponent -(1+1)/2 = -1
    norm_vec = vecs * d[:, :, None]        # [N, K, 3]
    feat = at[idxf].reshape(N, K, CD)      # [N, K, CD]
    feature = norm_vec[:, :, :, None] * feat[:, :, None, :]  # [N, K, 3, CD]
    fx = jnp.transpose(feature, (0, 3, 2, 1))                # [N, CD, 3, K]
    # dropout p=0 -> identity; att: Linear(K, 1, bias=False) then squeeze
    fx = jnp.einsum('ncdk,k->ncd', fx, watt)                 # [N, CD, 3]
    fx = jnp.sqrt(jnp.sum(jnp.square(fx), axis=-1))          # [N, CD]
    fx = lrelu(fx @ W4.T + b4)
    fx = lrelu(fx @ W5.T + b5)
    fx = fx @ W6.T + b6
    return fx

if __name__ == "__main__":
    import jax
    _d = setup_inputs()
    print(jax.jit(kernel)(*tuple(_d.values())))

</pallas_src>

<mosaic_0001>
#map = affine_map<(d0, d1) -> (0)>
#map1 = affine_map<(d0, d1) -> (0, 0)>
module attributes {stable_mosaic.version = 14 : i64} {
  func.func @_sc_body(%arg0: i32, %arg1: i32, %arg2: memref<50176xf32, #tpu.memory_space<hbm>>, %arg3: memref<50176xf32, #tpu.memory_space<hbm>>, %arg4: memref<50176xf32, #tpu.memory_space<hbm>>, %arg5: memref<10048xf32, #tpu.memory_space<hbm>>, %arg6: memref<10048xf32, #tpu.memory_space<hbm>>, %arg7: memref<10048xf32, #tpu.memory_space<hbm>>, %arg8: memref<10048x16xf32, #tpu.memory_space<hbm>>, %arg9: memref<16xf32, #tpu.memory_space<hbm>>, %arg10: memref<802816xf32, #tpu.memory_space<hbm>>, %arg11: memref<10048xf32, #tpu.memory_space<vmem>>, %arg12: memref<10048xf32, #tpu.memory_space<vmem>>, %arg13: memref<10048xf32, #tpu.memory_space<vmem>>, %arg14: memref<16xf32, #tpu.memory_space<vmem>>, %arg15: memref<16xf32, #tpu.memory_space<vmem>>, %arg16: memref<16xf32, #tpu.memory_space<vmem>>, %arg17: memref<16xf32, #tpu.memory_space<vmem>>, %arg18: memref<64x16xf32, #tpu.memory_space<vmem>>, %arg19: memref<256xf32, #tpu.memory_space<vmem>>, %arg20: memref<!tpu.dma_semaphore, #tpu.memory_space<semaphore_mem>>) attributes {dimension_semantics = [#tpu.dimension_semantics<core_parallel>, #tpu.dimension_semantics<subcore_parallel>], iteration_bounds = array<i64: 2, 16>, scalar_prefetch = 0 : i64, scratch_operands = 10 : i64, tpu.core_type = #tpu.core_type<sc_vector_subcore>, window_params = [{transform_indices = #map}, {transform_indices = #map}, {transform_indices = #map}, {transform_indices = #map}, {transform_indices = #map}, {transform_indices = #map}, {transform_indices = #map1}, {transform_indices = #map}, {transform_indices = #map}]} {
    %mul3A = arith.constant 2 : i32
    %mul3A_0 = arith.muli %arg1, %mul3A : i32
    %add3A = arith.addi %mul3A_0, %arg0 : i32
    "tpu.region"() ({
      %run_scoped3A = tpu.sem_alloc : memref<!tpu.dma_semaphore, #tpu.memory_space<semaphore_mem>>
      tpu.enqueue_dma source(%arg5 : memref<10048xf32, #tpu.memory_space<hbm>>) target(%arg11 : memref<10048xf32, #tpu.memory_space<vmem>>) target_semaphore(%run_scoped3A : memref<!tpu.dma_semaphore, #tpu.memory_space<semaphore_mem>>)
      tpu.wait_dma2 semaphore(%run_scoped3A : memref<!tpu.dma_semaphore, #tpu.memory_space<semaphore_mem>>) src(%arg5 : memref<10048xf32, #tpu.memory_space<hbm>>) dst(%arg11 : memref<10048xf32, #tpu.memory_space<vmem>>)
      tpu.yield
    }) : () -> ()
    "tpu.region"() ({
      %run_scoped3A = tpu.sem_alloc : memref<!tpu.dma_semaphore, #tpu.memory_space<semaphore_mem>>
      tpu.enqueue_dma source(%arg6 : memref<10048xf32, #tpu.memory_space<hbm>>) target(%arg12 : memref<10048xf32, #tpu.memory_space<vmem>>) target_semaphore(%run_scoped3A : memref<!tpu.dma_semaphore, #tpu.memory_space<semaphore_mem>>)
      tpu.wait_dma2 semaphore(%run_scoped3A : memref<!tpu.dma_semaphore, #tpu.memory_space<semaphore_mem>>) src(%arg6 : memref<10048xf32, #tpu.memory_space<hbm>>) dst(%arg12 : memref<10048xf32, #tpu.memory_space<vmem>>)
      tpu.yield
    }) : () -> ()
    "tpu.region"() ({
      %run_scoped3A = tpu.sem_alloc : memref<!tpu.dma_semaphore, #tpu.memory_space<semaphore_mem>>
      tpu.enqueue_dma source(%arg7 : memref<10048xf32, #tpu.memory_space<hbm>>) target(%arg13 : memref<10048xf32, #tpu.memory_space<vmem>>) target_semaphore(%run_scoped3A : memref<!tpu.dma_semaphore, #tpu.memory_space<semaphore_mem>>)
      tpu.wait_dma2 semaphore(%run_scoped3A : memref<!tpu.dma_semaphore, #tpu.memory_space<semaphore_mem>>) src(%arg7 : memref<10048xf32, #tpu.memory_space<hbm>>) dst(%arg13 : memref<10048xf32, #tpu.memory_space<vmem>>)
      tpu.yield
    }) : () -> ()
    "tpu.region"() ({
      %run_scoped3A = tpu.sem_alloc : memref<!tpu.dma_semaphore, #tpu.memory_space<semaphore_mem>>
      tpu.enqueue_dma source(%arg9 : memref<16xf32, #tpu.memory_space<hbm>>) target(%arg14 : memref<16xf32, #tpu.memory_space<vmem>>) target_semaphore(%run_scoped3A : memref<!tpu.dma_semaphore, #tpu.memory_space<semaphore_mem>>)
      tpu.wait_dma2 semaphore(%run_scoped3A : memref<!tpu.dma_semaphore, #tpu.memory_space<semaphore_mem>>) src(%arg9 : memref<16xf32, #tpu.memory_space<hbm>>) dst(%arg14 : memref<16xf32, #tpu.memory_space<vmem>>)
      tpu.yield
    }) : () -> ()
    %get3A = arith.constant 0 : index
    %get3A_1 = tpu.vector_load %arg14[%get3A] {strides = array<i32>} : memref<16xf32, #tpu.memory_space<vmem>>, vector<16xf32>,
    %iota3A = tpu.iota {dimensions = array<i32: 0>} : vector<16xi32>
    %mul3A_2 = arith.constant 1568 : i32
    %mul3A_3 = arith.muli %add3A, %mul3A_2 : i32
    %scan3A = arith.constant 0 : i32
    %scan3A_4 = arith.constant 0 : i32
    %scan3A_5 = arith.constant 98 : i32
    %scan3A_6 = arith.addi %scan3A_4, %scan3A_5 : i32
    %scan3A_7 = arith.constant 1 : i32
    scf.for %scan3A_9 = %scan3A_4 to %scan3A_6 step %scan3A_7  : i32 {
      %mul3A_10 = arith.constant 16 : i32
      %mul3A_11 = arith.muli %scan3A_9, %mul3A_10 : i32
      %add3A_12 = arith.addi %mul3A_3, %mul3A_11 : i32
      "tpu.region"() ({
        %run_scoped3A = tpu.sem_alloc : memref<!tpu.dma_semaphore, #tpu.memory_space<semaphore_mem>>
        %dma_start3A = tpu.memref_slice %arg2[%add3A_12] : memref<50176xf32, #tpu.memory_space<hbm>> -> memref<16xf32, #tpu.memory_space<hbm>>
        %dma_start3A_27 = tpu.memref_slice %arg2[%add3A_12] : memref<50176xf32, #tpu.memory_space<hbm>> -> memref<16xf32, #tpu.memory_space<hbm>>
        tpu.enqueue_dma source(%dma_start3A_27 : memref<16xf32, #tpu.memory_space<hbm>>) target(%arg15 : memref<16xf32, #tpu.memory_space<vmem>>) target_semaphore(%run_scoped3A : memref<!tpu.dma_semaphore, #tpu.memory_space<semaphore_mem>>)
        %dma_wait3A = tpu.memref_slice %arg2[%add3A_12] : memref<50176xf32, #tpu.memory_space<hbm>> -> memref<16xf32, #tpu.memory_space<hbm>>
        %dma_wait3A_28 = tpu.memref_slice %arg2[%add3A_12] : memref<50176xf32, #tpu.memory_space<hbm>> -> memref<16xf32, #tpu.memory_space<hbm>>
        tpu.wait_dma2 semaphore(%run_scoped3A : memref<!tpu.dma_semaphore, #tpu.memory_space<semaphore_mem>>) src(%dma_wait3A_28 : memref<16xf32, #tpu.memory_space<hbm>>) dst(%arg15 : memref<16xf32, #tpu.memory_space<vmem>>)
        tpu.yield
      }) : () -> ()
      "tpu.region"() ({
        %run_scoped3A = tpu.sem_alloc : memref<!tpu.dma_semaphore, #tpu.memory_space<semaphore_mem>>
        %dma_start3A = tpu.memref_slice %arg3[%add3A_12] : memref<50176xf32, #tpu.memory_space<hbm>> -> memref<16xf32, #tpu.memory_space<hbm>>
        %dma_start3A_27 = tpu.memref_slice %arg3[%add3A_12] : memref<50176xf32, #tpu.memory_space<hbm>> -> memref<16xf32, #tpu.memory_space<hbm>>
        tpu.enqueue_dma source(%dma_start3A_27 : memref<16xf32, #tpu.memory_space<hbm>>) target(%arg16 : memref<16xf32, #tpu.memory_space<vmem>>) target_semaphore(%run_scoped3A : memref<!tpu.dma_semaphore, #tpu.memory_space<semaphore_mem>>)
        %dma_wait3A = tpu.memref_slice %arg3[%add3A_12] : memref<50176xf32, #tpu.memory_space<hbm>> -> memref<16xf32, #tpu.memory_space<hbm>>
        %dma_wait3A_28 = tpu.memref_slice %arg3[%add3A_12] : memref<50176xf32, #tpu.memory_space<hbm>> -> memref<16xf32, #tpu.memory_space<hbm>>
        tpu.wait_dma2 semaphore(%run_scoped3A : memref<!tpu.dma_semaphore, #tpu.memory_space<semaphore_mem>>) src(%dma_wait3A_28 : memref<16xf32, #tpu.memory_space<hbm>>) dst(%arg16 : memref<16xf32, #tpu.memory_space<vmem>>)
        tpu.yield
      }) : () -> ()
      "tpu.region"() ({
        %run_scoped3A = tpu.sem_alloc : memref<!tpu.dma_semaphore, #tpu.memory_space<semaphore_mem>>
        %dma_start3A = tpu.memref_slice %arg4[%add3A_12] : memref<50176xf32, #tpu.memory_space<hbm>> -> memref<16xf32, #tpu.memory_space<hbm>>
        %dma_start3A_27 = tpu.memref_slice %arg4[%add3A_12] : memref<50176xf32, #tpu.memory_space<hbm>> -> memref<16xf32, #tpu.memory_space<hbm>>
        tpu.enqueue_dma source(%dma_start3A_27 : memref<16xf32, #tpu.memory_space<hbm>>) target(%arg17 : memref<16xf32, #tpu.memory_space<vmem>>) target_semaphore(%run_scoped3A : memref<!tpu.dma_semaphore, #tpu.memory_space<semaphore_mem>>)
        %dma_wait3A = tpu.memref_slice %arg4[%add3A_12] : memref<50176xf32, #tpu.memory_space<hbm>> -> memref<16xf32, #tpu.memory_space<hbm>>
        %dma_wait3A_28 = tpu.memref_slice %arg4[%add3A_12] : memref<50176xf32, #tpu.memory_space<hbm>> -> memref<16xf32, #tpu.memory_space<hbm>>
        tpu.wait_dma2 semaphore(%run_scoped3A : memref<!tpu.dma_semaphore, #tpu.memory_space<semaphore_mem>>) src(%dma_wait3A_28 : memref<16xf32, #tpu.memory_space<hbm>>) dst(%arg17 : memref<16xf32, #tpu.memory_space<vmem>>)
        tpu.yield
      }) : () -> ()
      %get3A_13 = arith.constant 0 : index
      %get3A_14 = tpu.vector_load %arg15[%get3A_13] {strides = array<i32>} : memref<16xf32, #tpu.memory_space<vmem>>, vector<16xf32>,
      %get3A_15 = arith.constant 0 : index
      %get3A_16 = tpu.vector_load %arg16[%get3A_15] {strides = array<i32>} : memref<16xf32, #tpu.memory_space<vmem>>, vector<16xf32>,
      %get3A_17 = arith.constant 0 : index
      %get3A_18 = tpu.vector_load %arg17[%get3A_17] {strides = array<i32>} : memref<16xf32, #tpu.memory_space<vmem>>, vector<16xf32>,
      %scan3A_19 = arith.constant 0 : i32
      %scan3A_20 = arith.constant 0 : i32
      %scan3A_21 = arith.constant 4 : i32
      %scan3A_22 = arith.addi %scan3A_20, %scan3A_21 : i32
      %scan3A_23 = arith.constant 1 : i32
      scf.for %scan3A_27 = %scan3A_20 to %scan3A_22 step %scan3A_23  : i32 {
        %mul3A_28 = arith.constant 4 : i32
        %mul3A_29 = arith.muli %scan3A_27, %mul3A_28 : i32
        %add3A_30 = arith.constant 0 : i32
        %add3A_31 = arith.addi %mul3A_29, %add3A_30 : i32
        %broadcast_in_dim3A = vector.broadcast %add3A_31 : i32 to vector<16x1xi32>
        %gather3A = vector.shape_cast %broadcast_in_dim3A : vector<16x1xi32> to vector<16xi32>
        %gather3A_32 = tpu.dynamic_gather %get3A_14[%gather3A] in [0] : vector<16xf32>, vector<16xi32> -> vector<16xf32>
        %add3A_33 = arith.constant 1 : i32
        %add3A_34 = arith.addi %mul3A_29, %add3A_33 : i32
        %broadcast_in_dim3A_35 = vector.broadcast %add3A_34 : i32 to vector<16x1xi32>
        %gather3A_36 = vector.shape_cast %broadcast_in_dim3A_35 : vector<16x1xi32> to vector<16xi32>
        %gather3A_37 = tpu.dynamic_gather %get3A_14[%gather3A_36] in [0] : vector<16xf32>, vector<16xi32> -> vector<16xf32>
        %add3A_38 = arith.constant 2 : i32
        %add3A_39 = arith.addi %mul3A_29, %add3A_38 : i32
        %broadcast_in_dim3A_40 = vector.broadcast %add3A_39 : i32 to vector<16x1xi32>
        %gather3A_41 = vector.shape_cast %broadcast_in_dim3A_40 : vector<16x1xi32> to vector<16xi32>
        %gather3A_42 = tpu.dynamic_gather %get3A_14[%gather3A_41] in [0] : vector<16xf32>, vector<16xi32> -> vector<16xf32>
        %add3A_43 = arith.constant 3 : i32
        %add3A_44 = arith.addi %mul3A_29, %add3A_43 : i32
        %broadcast_in_dim3A_45 = vector.broadcast %add3A_44 : i32 to vector<16x1xi32>
        %gather3A_46 = vector.shape_cast %broadcast_in_dim3A_45 : vector<16x1xi32> to vector<16xi32>
        %gather3A_47 = tpu.dynamic_gather %get3A_14[%gather3A_46] in [0] : vector<16xf32>, vector<16xi32> -> vector<16xf32>
        %add3A_48 = arith.constant 0 : i32
        %add3A_49 = arith.addi %mul3A_29, %add3A_48 : i32
        %broadcast_in_dim3A_50 = vector.broadcast %add3A_49 : i32 to vector<16x1xi32>
        %gather3A_51 = vector.shape_cast %broadcast_in_dim3A_50 : vector<16x1xi32> to vector<16xi32>
        %gather3A_52 = tpu.dynamic_gather %get3A_16[%gather3A_51] in [0] : vector<16xf32>, vector<16xi32> -> vector<16xf32>
        %add3A_53 = arith.constant 1 : i32
        %add3A_54 = arith.addi %mul3A_29, %add3A_53 : i32
        %broadcast_in_dim3A_55 = vector.broadcast %add3A_54 : i32 to vector<16x1xi32>
        %gather3A_56 = vector.shape_cast %broadcast_in_dim3A_55 : vector<16x1xi32> to vector<16xi32>
        %gather3A_57 = tpu.dynamic_gather %get3A_16[%gather3A_56] in [0] : vector<16xf32>, vector<16xi32> -> vector<16xf32>
        %add3A_58 = arith.constant 2 : i32
        %add3A_59 = arith.addi %mul3A_29, %add3A_58 : i32
        %broadcast_in_dim3A_60 = vector.broadcast %add3A_59 : i32 to vector<16x1xi32>
        %gather3A_61 = vector.shape_cast %broadcast_in_dim3A_60 : vector<16x1xi32> to vector<16xi32>
        %gather3A_62 = tpu.dynamic_gather %get3A_16[%gather3A_61] in [0] : vector<16xf32>, vector<16xi32> -> vector<16xf32>
        %add3A_63 = arith.constant 3 : i32
        %add3A_64 = arith.addi %mul3A_29, %add3A_63 : i32
        %broadcast_in_dim3A_65 = vector.broadcast %add3A_64 : i32 to vector<16x1xi32>
        %gather3A_66 = vector.shape_cast %broadcast_in_dim3A_65 : vector<16x1xi32> to vector<16xi32>
        %gather3A_67 = tpu.dynamic_gather %get3A_16[%gather3A_66] in [0] : vector<16xf32>, vector<16xi32> -> vector<16xf32>
        %add3A_68 = arith.constant 0 : i32
        %add3A_69 = arith.addi %mul3A_29, %add3A_68 : i32
        %broadcast_in_dim3A_70 = vector.broadcast %add3A_69 : i32 to vector<16x1xi32>
        %gather3A_71 = vector.shape_cast %broadcast_in_dim3A_70 : vector<16x1xi32> to vector<16xi32>
        %gather3A_72 = tpu.dynamic_gather %get3A_18[%gather3A_71] in [0] : vector<16xf32>, vector<16xi32> -> vector<16xf32>
        %add3A_73 = arith.constant 1 : i32
        %add3A_74 = arith.addi %mul3A_29, %add3A_73 : i32
        %broadcast_in_dim3A_75 = vector.broadcast %add3A_74 : i32 to vector<16x1xi32>
        %gather3A_76 = vector.shape_cast %broadcast_in_dim3A_75 : vector<16x1xi32> to vector<16xi32>
        %gather3A_77 = tpu.dynamic_gather %get3A_18[%gather3A_76] in [0] : vector<16xf32>, vector<16xi32> -> vector<16xf32>
        %add3A_78 = arith.constant 2 : i32
        %add3A_79 = arith.addi %mul3A_29, %add3A_78 : i32
        %broadcast_in_dim3A_80 = vector.broadcast %add3A_79 : i32 to vector<16x1xi32>
        %gather3A_81 = vector.shape_cast %broadcast_in_dim3A_80 : vector<16x1xi32> to vector<16xi32>
        %gather3A_82 = tpu.dynamic_gather %get3A_18[%gather3A_81] in [0] : vector<16xf32>, vector<16xi32> -> vector<16xf32>
        %add3A_83 = arith.constant 3 : i32
        %add3A_84 = arith.addi %mul3A_29, %add3A_83 : i32
        %broadcast_in_dim3A_85 = vector.broadcast %add3A_84 : i32 to vector<16x1xi32>
        %gather3A_86 = vector.shape_cast %broadcast_in_dim3A_85 : vector<16x1xi32> to vector<16xi32>
        %gather3A_87 = tpu.dynamic_gather %get3A_18[%gather3A_86] in [0] : vector<16xf32>, vector<16xi32> -> vector<16xf32>
        %broadcast_in_dim3A_88 = arith.constant 1.000000e+30 : f32
        %broadcast_in_dim3A_89 = vector.broadcast %broadcast_in_dim3A_88 : f32 to vector<16xf32>
        %broadcast_in_dim3A_90 = arith.constant 1.000000e+30 : f32
        %broadcast_in_dim3A_91 = vector.broadcast %broadcast_in_dim3A_90 : f32 to vector<16xf32>
        %broadcast_in_dim3A_92 = arith.constant 1.000000e+30 : f32
        %broadcast_in_dim3A_93 = vector.broadcast %broadcast_in_dim3A_92 : f32 to vector<16xf32>
        %broadcast_in_dim3A_94 = arith.constant 1.000000e+30 : f32
        %broadcast_in_dim3A_95 = vector.broadcast %broadcast_in_dim3A_94 : f32 to vector<16xf32>
        %broadcast_in_dim3A_96 = arith.constant 0 : i32
        %broadcast_in_dim3A_97 = vector.broadcast %broadcast_in_dim3A_96 : i32 to vector<16xi32>
        %broadcast_in_dim3A_98 = arith.constant 0 : i32
        %broadcast_in_dim3A_99 = vector.broadcast %broadcast_in_dim3A_98 : i32 to vector<16xi32>
        %broadcast_in_dim3A_100 = arith.constant 0 : i32
        %broadcast_in_dim3A_101 = vector.broadcast %broadcast_in_dim3A_100 : i32 to vector<16xi32>
        %broadcast_in_dim3A_102 = arith.constant 0 : i32
        %broadcast_in_dim3A_103 = vector.broadcast %broadcast_in_dim3A_102 : i32 to vector<16xi32>
        %scan3A_104 = arith.constant 0 : i32
        %scan3A_105 = arith.constant 157 : i32
        %scan3A_106 = arith.addi %scan3A_104, %scan3A_105 : i32
        %scan3A_107 = arith.constant 1 : i32
        %scan3A_108:8 = scf.for %scan3A_1649 = %scan3A_104 to %scan3A_106 step %scan3A_107 iter_args(%scan3A_1650 = %broadcast_in_dim3A_89, %scan3A_1651 = %broadcast_in_dim3A_91, %scan3A_1652 = %broadcast_in_dim3A_93, %scan3A_1653 = %broadcast_in_dim3A_95, %scan3A_1654 = %broadcast_in_dim3A_97, %scan3A_1655 = %broadcast_in_dim3A_99, %scan3A_1656 = %broadcast_in_dim3A_101, %scan3A_1657 = %broadcast_in_dim3A_103) -> (vector<16xf32>, vector<16xf32>, vector<16xf32>, vector<16xf32>, vector<16xi32>, vector<16xi32>, vector<16xi32>, vector<16xi32>)  : i32 {
          %mul3A_1658 = arith.constant 64 : i32
          %mul3A_1659 = arith.muli %scan3A_1649, %mul3A_1658 : i32
          %add3A_1660 = arith.constant 0 : i32
          %add3A_1661 = arith.addi %mul3A_1659, %add3A_1660 : i32
          %get3A_1662 = arith.index_cast %add3A_1661 : i32 to index
          %get3A_1663 = tpu.vector_load %arg11[%get3A_1662] {strides = array<i32>} : memref<10048xf32, #tpu.memory_space<vmem>>, vector<16xf32>,
          %get3A_1664 = arith.index_cast %add3A_1661 : i32 to index
          %get3A_1665 = tpu.vector_load %arg12[%get3A_1664] {strides = array<i32>} : memref<10048xf32, #tpu.memory_space<vmem>>, vector<16xf32>,
          %get3A_1666 = arith.index_cast %add3A_1661 : i32 to index
          %get3A_1667 = tpu.vector_load %arg13[%get3A_1666] {strides = array<i32>} : memref<10048xf32, #tpu.memory_space<vmem>>, vector<16xf32>,
          %add3A_1668 = vector.broadcast %add3A_1661 : i32 to vector<16xi32>
          %add3A_1669 = arith.addi %iota3A, %add3A_1668 : vector<16xi32>
          %sub3A_1670 = arith.subf %get3A_1663, %gather3A_32 : vector<16xf32>
          %sub3A_1671 = arith.subf %get3A_1665, %gather3A_52 : vector<16xf32>
          %sub3A_1672 = arith.subf %get3A_1667, %gather3A_72 : vector<16xf32>
          %mul3A_1673 = arith.mulf %sub3A_1670, %sub3A_1670 : vector<16xf32>
          %mul3A_1674 = arith.mulf %sub3A_1671, %sub3A_1671 : vector<16xf32>
          %add3A_1675 = arith.addf %mul3A_1673, %mul3A_1674 : vector<16xf32>
          %mul3A_1676 = arith.mulf %sub3A_1672, %sub3A_1672 : vector<16xf32>
          %add3A_1677 = arith.addf %add3A_1675, %mul3A_1676 : vector<16xf32>
          %masked_sort3A = arith.constant dense<true> : vector<16xi1>
          %masked_sort3A_1678, %masked_sort3A_1679, %masked_sort3A_1680 = tpu.sort %add3A_1677, %add3A_1669 masked %masked_sort3A {descending = true} : (vector<16xf32>, vector<16xi32>, vector<16xi1>) -> (vector<16xi1>, vector<16xf32>, vector<16xi32>)
          %le3A = arith.cmpf ole, %scan3A_1650, %masked_sort3A_1679 : vector<16xf32>
          %select_n3A = arith.select %le3A, %scan3A_1650, %masked_sort3A_1679 : vector<16xi1>, vector<16xf32>
          %select_n3A_1681 = arith.select %le3A, %scan3A_1654, %masked_sort3A_1680 : vector<16xi1>, vector<16xi32>
          %masked_sort3A_1682 = arith.constant dense<true> : vector<16xi1>
          %masked_sort3A_1683, %masked_sort3A_1684, %masked_sort3A_1685 = tpu.sort %select_n3A, %select_n3A_1681 masked %masked_sort3A_1682 : (vector<16xf32>, vector<16xi32>, vector<16xi1>) -> (vector<16xi1>, vector<16xf32>, vector<16xi32>)
          %sub3A_1686 = arith.subf %get3A_1663, %gather3A_37 : vector<16xf32>
          %sub3A_1687 = arith.subf %get3A_1665, %gather3A_57 : vector<16xf32>
          %sub3A_1688 = arith.subf %get3A_1667, %gather3A_77 : vector<16xf32>
          %mul3A_1689 = arith.mulf %sub3A_1686, %sub3A_1686 : vector<16xf32>
          %mul3A_1690 = arith.mulf %sub3A_1687, %sub3A_1687 : vector<16xf32>
          %add3A_1691 = arith.addf %mul3A_1689, %mul3A_1690 : vector<16xf32>
          %mul3A_1692 = arith.mulf %sub3A_1688, %sub3A_1688 : vector<16xf32>
          %add3A_1693 = arith.addf %add3A_1691, %mul3A_1692 : vector<16xf32>
          %masked_sort3A_1694 = arith.constant dense<true> : vector<16xi1>
          %masked_sort3A_1695, %masked_sort3A_1696, %masked_sort3A_1697 = tpu.sort %add3A_1693, %add3A_1669 masked %masked_sort3A_1694 {descending = true} : (vector<16xf32>, vector<16xi32>, vector<16xi1>) -> (vector<16xi1>, vector<16xf32>, vector<16xi32>)
          %le3A_1698 = arith.cmpf ole, %scan3A_1651, %masked_sort3A_1696 : vector<16xf32>
          %select_n3A_1699 = arith.select %le3A_1698, %scan3A_1651, %masked_sort3A_1696 : vector<16xi1>, vector<16xf32>
          %select_n3A_1700 = arith.select %le3A_1698, %scan3A_1655, %masked_sort3A_1697 : vector<16xi1>, vector<16xi32>
          %masked_sort3A_1701 = arith.constant dense<true> : vector<16xi1>
          %masked_sort3A_1702, %masked_sort3A_1703, %masked_sort3A_1704 = tpu.sort %select_n3A_1699, %select_n3A_1700 masked %masked_sort3A_1701 : (vector<16xf32>, vector<16xi32>, vector<16xi1>) -> (vector<16xi1>, vector<16xf32>, vector<16xi32>)
          %sub3A_1705 = arith.subf %get3A_1663, %gather3A_42 : vector<16xf32>
          %sub3A_1706 = arith.subf %get3A_1665, %gather3A_62 : vector<16xf32>
          %sub3A_1707 = arith.subf %get3A_1667, %gather3A_82 : vector<16xf32>
          %mul3A_1708 = arith.mulf %sub3A_1705, %sub3A_1705 : vector<16xf32>
          %mul3A_1709 = arith.mulf %sub3A_1706, %sub3A_1706 : vector<16xf32>
          %add3A_1710 = arith.addf %mul3A_1708, %mul3A_1709 : vector<16xf32>
          %mul3A_1711 = arith.mulf %sub3A_1707, %sub3A_1707 : vector<16xf32>
          %add3A_1712 = arith.addf %add3A_1710, %mul3A_1711 : vector<16xf32>
          %masked_sort3A_1713 = arith.constant dense<true> : vector<16xi1>
          %masked_sort3A_1714, %masked_sort3A_1715, %masked_sort3A_1716 = tpu.sort %add3A_1712, %add3A_1669 masked %masked_sort3A_1713 {descending = true} : (vector<16xf32>, vector<16xi32>, vector<16xi1>) -> (vector<16xi1>, vector<16xf32>, vector<16xi32>)
          %le3A_1717 = arith.cmpf ole, %scan3A_1652, %masked_sort3A_1715 : vector<16xf32>
          %select_n3A_1718 = arith.select %le3A_1717, %scan3A_1652, %masked_sort3A_1715 : vector<16xi1>, vector<16xf32>
          %select_n3A_1719 = arith.select %le3A_1717, %scan3A_1656, %masked_sort3A_1716 : vector<16xi1>, vector<16xi32>
          %masked_sort3A_1720 = arith.constant dense<true> : vector<16xi1>
          %masked_sort3A_1721, %masked_sort3A_1722, %masked_sort3A_1723 = tpu.sort %select_n3A_1718, %select_n3A_1719 masked %masked_sort3A_1720 : (vector<16xf32>, vector<16xi32>, vector<16xi1>) -> (vector<16xi1>, vector<16xf32>, vector<16xi32>)
          %sub3A_1724 = arith.subf %get3A_1663, %gather3A_47 : vector<16xf32>
          %sub3A_1725 = arith.subf %get3A_1665, %gather3A_67 : vector<16xf32>
          %sub3A_1726 = arith.subf %get3A_1667, %gather3A_87 : vector<16xf32>
          %mul3A_1727 = arith.mulf %sub3A_1724, %sub3A_1724 : vector<16xf32>
          %mul3A_1728 = arith.mulf %sub3A_1725, %sub3A_1725 : vector<16xf32>
          %add3A_1729 = arith.addf %mul3A_1727, %mul3A_1728 : vector<16xf32>
          %mul3A_1730 = arith.mulf %sub3A_1726, %sub3A_1726 : vector<16xf32>
          %add3A_1731 = arith.addf %add3A_1729, %mul3A_1730 : vector<16xf32>
          %masked_sort3A_1732 = arith.constant dense<true> : vector<16xi1>
          %masked_sort3A_1733, %masked_sort3A_1734, %masked_sort3A_1735 = tpu.sort %add3A_1731, %add3A_1669 masked %masked_sort3A_1732 {descending = true} : (vector<16xf32>, vector<16xi32>, vector<16xi1>) -> (vector<16xi1>, vector<16xf32>, vector<16xi32>)
          %le3A_1736 = arith.cmpf ole, %scan3A_1653, %masked_sort3A_1734 : vector<16xf32>
          %select_n3A_1737 = arith.select %le3A_1736, %scan3A_1653, %masked_sort3A_1734 : vector<16xi1>, vector<16xf32>
          %select_n3A_1738 = arith.select %le3A_1736, %scan3A_1657, %masked_sort3A_1735 : vector<16xi1>, vector<16xi32>
          %masked_sort3A_1739 = arith.constant dense<true> : vector<16xi1>
          %masked_sort3A_1740, %masked_sort3A_1741, %masked_sort3A_1742 = tpu.sort %select_n3A_1737, %select_n3A_1738 masked %masked_sort3A_1739 : (vector<16xf32>, vector<16xi32>, vector<16xi1>) -> (vector<16xi1>, vector<16xf32>, vector<16xi32>)
          %add3A_1743 = arith.constant 16 : i32
          %add3A_1744 = arith.addi %mul3A_1659, %add3A_1743 : i32
          %get3A_1745 = arith.index_cast %add3A_1744 : i32 to index
          %get3A_1746 = tpu.vector_load %arg11[%get3A_1745] {strides = array<i32>} : memref<10048xf32, #tpu.memory_space<vmem>>, vector<16xf32>,
          %get3A_1747 = arith.index_cast %add3A_1744 : i32 to index
          %get3A_1748 = tpu.vector_load %arg12[%get3A_1747] {strides = array<i32>} : memref<10048xf32, #tpu.memory_space<vmem>>, vector<16xf32>,
          %get3A_1749 = arith.index_cast %add3A_1744 : i32 to index
          %get3A_1750 = tpu.vector_load %arg13[%get3A_1749] {strides = array<i32>} : memref<10048xf32, #tpu.memory_space<vmem>>, vector<16xf32>,
          %add3A_1751 = vector.broadcast %add3A_1744 : i32 to vector<16xi32>
          %add3A_1752 = arith.addi %iota3A, %add3A_1751 : vector<16xi32>
          %sub3A_1753 = arith.subf %get3A_1746, %gather3A_32 : vector<16xf32>
          %sub3A_1754 = arith.subf %get3A_1748, %gather3A_52 : vector<16xf32>
          %sub3A_1755 = arith.subf %get3A_1750, %gather3A_72 : vector<16xf32>
          %mul3A_1756 = arith.mulf %sub3A_1753, %sub3A_1753 : vector<16xf32>
          %mul3A_1757 = arith.mulf %sub3A_1754, %sub3A_1754 : vector<16xf32>
          %add3A_1758 = arith.addf %mul3A_1756, %mul3A_1757 : vector<16xf32>
          %mul3A_1759 = arith.mulf %sub3A_1755, %sub3A_1755 : vector<16xf32>
          %add3A_1760 = arith.addf %add3A_1758, %mul3A_1759 : vector<16xf32>
          %masked_sort3A_1761 = arith.constant dense<true> : vector<16xi1>
          %masked_sort3A_1762, %masked_sort3A_1763, %masked_sort3A_1764 = tpu.sort %add3A_1760, %add3A_1752 masked %masked_sort3A_1761 {descending = true} : (vector<16xf32>, vector<16xi32>, vector<16xi1>) -> (vector<16xi1>, vector<16xf32>, vector<16xi32>)
          %le3A_1765 = arith.cmpf ole, %masked_sort3A_1684, %masked_sort3A_1763 : vector<16xf32>
          %select_n3A_1766 = arith.select %le3A_1765, %masked_sort3A_1684, %masked_sort3A_1763 : vector<16xi1>, vector<16xf32>
          %select_n3A_1767 = arith.select %le3A_1765, %masked_sort3A_1685, %masked_sort3A_1764 : vector<16xi1>, vector<16xi32>
          %masked_sort3A_1768 = arith.constant dense<true> : vector<16xi1>
          %masked_sort3A_1769, %masked_sort3A_1770, %masked_sort3A_1771 = tpu.sort %select_n3A_1766, %select_n3A_1767 masked %masked_sort3A_1768 : (vector<16xf32>, vector<16xi32>, vector<16xi1>) -> (vector<16xi1>, vector<16xf32>, vector<16xi32>)
          %sub3A_1772 = arith.subf %get3A_1746, %gather3A_37 : vector<16xf32>
          %sub3A_1773 = arith.subf %get3A_1748, %gather3A_57 : vector<16xf32>
          %sub3A_1774 = arith.subf %get3A_1750, %gather3A_77 : vector<16xf32>
          %mul3A_1775 = arith.mulf %sub3A_1772, %sub3A_1772 : vector<16xf32>
          %mul3A_1776 = arith.mulf %sub3A_1773, %sub3A_1773 : vector<16xf32>
          %add3A_1777 = arith.addf %mul3A_1775, %mul3A_1776 : vector<16xf32>
          %mul3A_1778 = arith.mulf %sub3A_1774, %sub3A_1774 : vector<16xf32>
          %add3A_1779 = arith.addf %add3A_1777, %mul3A_1778 : vector<16xf32>
          %masked_sort3A_1780 = arith.constant dense<true> : vector<16xi1>
          %masked_sort3A_1781, %masked_sort3A_1782, %masked_sort3A_1783 = tpu.sort %add3A_1779, %add3A_1752 masked %masked_sort3A_1780 {descending = true} : (vector<16xf32>, vector<16xi32>, vector<16xi1>) -> (vector<16xi1>, vector<16xf32>, vector<16xi32>)
          %le3A_1784 = arith.cmpf ole, %masked_sort3A_1703, %masked_sort3A_1782 : vector<16xf32>
          %select_n3A_1785 = arith.select %le3A_1784, %masked_sort3A_1703, %masked_sort3A_1782 : vector<16xi1>, vector<16xf32>
          %select_n3A_1786 = arith.select %le3A_1784, %masked_sort3A_1704, %masked_sort3A_1783 : vector<16xi1>, vector<16xi32>
          %masked_sort3A_1787 = arith.constant dense<true> : vector<16xi1>
          %masked_sort3A_1788, %masked_sort3A_1789, %masked_sort3A_1790 = tpu.sort %select_n3A_1785, %select_n3A_1786 masked %masked_sort3A_1787 : (vector<16xf32>, vector<16xi32>, vector<16xi1>) -> (vector<16xi1>, vector<16xf32>, vector<16xi32>)
          %sub3A_1791 = arith.subf %get3A_1746, %gather3A_42 : vector<16xf32>
          %sub3A_1792 = arith.subf %get3A_1748, %gather3A_62 : vector<16xf32>
          %sub3A_1793 = arith.subf %get3A_1750, %gather3A_82 : vector<16xf32>
          %mul3A_1794 = arith.mulf %sub3A_1791, %sub3A_1791 : vector<16xf32>
          %mul3A_1795 = arith.mulf %sub3A_1792, %sub3A_1792 : vector<16xf32>
          %add3A_1796 = arith.addf %mul3A_1794, %mul3A_1795 : vector<16xf32>
          %mul3A_1797 = arith.mulf %sub3A_1793, %sub3A_1793 : vector<16xf32>
          %add3A_1798 = arith.addf %add3A_1796, %mul3A_1797 : vector<16xf32>
          %masked_sort3A_1799 = arith.constant dense<true> : vector<16xi1>
          %masked_sort3A_1800, %masked_sort3A_1801, %masked_sort3A_1802 = tpu.sort %add3A_1798, %add3A_1752 masked %masked_sort3A_1799 {descending = true} : (vector<16xf32>, vector<16xi32>, vector<16xi1>) -> (vector<16xi1>, vector<16xf32>, vector<16xi32>)
          %le3A_1803 = arith.cmpf ole, %masked_sort3A_1722, %masked_sort3A_1801 : vector<16xf32>
          %select_n3A_1804 = arith.select %le3A_1803, %masked_sort3A_1722, %masked_sort3A_1801 : vector<16xi1>, vector<16xf32>
          %select_n3A_1805 = arith.select %le3A_1803, %masked_sort3A_1723, %masked_sort3A_1802 : vector<16xi1>, vector<16xi32>
          %masked_sort3A_1806 = arith.constant dense<true> : vector<16xi1>
          %masked_sort3A_1807, %masked_sort3A_1808, %masked_sort3A_1809 = tpu.sort %select_n3A_1804, %select_n3A_1805 masked %masked_sort3A_1806 : (vector<16xf32>, vector<16xi32>, vector<16xi1>) -> (vector<16xi1>, vector<16xf32>, vector<16xi32>)
          %sub3A_1810 = arith.subf %get3A_1746, %gather3A_47 : vector<16xf32>
          %sub3A_1811 = arith.subf %get3A_1748, %gather3A_67 : vector<16xf32>
          %sub3A_1812 = arith.subf %get3A_1750, %gather3A_87 : vector<16xf32>
          %mul3A_1813 = arith.mulf %sub3A_1810, %sub3A_1810 : vector<16xf32>
          %mul3A_1814 = arith.mulf %sub3A_1811, %sub3A_1811 : vector<16xf32>
          %add3A_1815 = arith.addf %mul3A_1813, %mul3A_1814 : vector<16xf32>
          %mul3A_1816 = arith.mulf %sub3A_1812, %sub3A_1812 : vector<16xf32>
          %add3A_1817 = arith.addf %add3A_1815, %mul3A_1816 : vector<16xf32>
          %masked_sort3A_1818 = arith.constant dense<true> : vector<16xi1>
          %masked_sort3A_1819, %masked_sort3A_1820, %masked_sort3A_1821 = tpu.sort %add3A_1817, %add3A_1752 masked %masked_sort3A_1818 {descending = true} : (vector<16xf32>, vector<16xi32>, vector<16xi1>) -> (vector<16xi1>, vector<16xf32>, vector<16xi32>)
          %le3A_1822 = arith.cmpf ole, %masked_sort3A_1741, %masked_sort3A_1820 : vector<16xf32>
          %select_n3A_1823 = arith.select %le3A_1822, %masked_sort3A_1741, %masked_sort3A_1820 : vector<16xi1>, vector<16xf32>
          %select_n3A_1824 = arith.select %le3A_1822, %masked_sort3A_1742, %masked_sort3A_1821 : vector<16xi1>, vector<16xi32>
          %masked_sort3A_1825 = arith.constant dense<true> : vector<16xi1>
          %masked_sort3A_1826, %masked_sort3A_1827, %masked_sort3A_1828 = tpu.sort %select_n3A_1823, %select_n3A_1824 masked %masked_sort3A_1825 : (vector<16xf32>, vector<16xi32>, vector<16xi1>) -> (vector<16xi1>, vector<16xf32>, vector<16xi32>)
          %add3A_1829 = arith.constant 32 : i32
          %add3A_1830 = arith.addi %mul3A_1659, %add3A_1829 : i32
          %get3A_1831 = arith.index_cast %add3A_1830 : i32 to index
          %get3A_1832 = tpu.vector_load %arg11[%get3A_1831] {strides = array<i32>} : memref<10048xf32, #tpu.memory_space<vmem>>, vector<16xf32>,
          %get3A_1833 = arith.index_cast %add3A_1830 : i32 to index
          %get3A_1834 = tpu.vector_load %arg12[%get3A_1833] {strides = array<i32>} : memref<10048xf32, #tpu.memory_space<vmem>>, vector<16xf32>,
          %get3A_1835 = arith.index_cast %add3A_1830 : i32 to index
          %get3A_1836 = tpu.vector_load %arg13[%get3A_1835] {strides = array<i32>} : memref<10048xf32, #tpu.memory_space<vmem>>, vector<16xf32>,
          %add3A_1837 = vector.broadcast %add3A_1830 : i32 to vector<16xi32>
          %add3A_1838 = arith.addi %iota3A, %add3A_1837 : vector<16xi32>
          %sub3A_1839 = arith.subf %get3A_1832, %gather3A_32 : vector<16xf32>
          %sub3A_1840 = arith.subf %get3A_1834, %gather3A_52 : vector<16xf32>
          %sub3A_1841 = arith.subf %get3A_1836, %gather3A_72 : vector<16xf32>
          %mul3A_1842 = arith.mulf %sub3A_1839, %sub3A_1839 : vector<16xf32>
          %mul3A_1843 = arith.mulf %sub3A_1840, %sub3A_1840 : vector<16xf32>
          %add3A_1844 = arith.addf %mul3A_1842, %mul3A_1843 : vector<16xf32>
          %mul3A_1845 = arith.mulf %sub3A_1841, %sub3A_1841 : vector<16xf32>
          %add3A_1846 = arith.addf %add3A_1844, %mul3A_1845 : vector<16xf32>
          %masked_sort3A_1847 = arith.constant dense<true> : vector<16xi1>
          %masked_sort3A_1848, %masked_sort3A_1849, %masked_sort3A_1850 = tpu.sort %add3A_1846, %add3A_1838 masked %masked_sort3A_1847 {descending = true} : (vector<16xf32>, vector<16xi32>, vector<16xi1>) -> (vector<16xi1>, vector<16xf32>, vector<16xi32>)
          %le3A_1851 = arith.cmpf ole, %masked_sort3A_1770, %masked_sort3A_1849 : vector<16xf32>
          %select_n3A_1852 = arith.select %le3A_1851, %masked_sort3A_1770, %masked_sort3A_1849 : vector<16xi1>, vector<16xf32>
          %select_n3A_1853 = arith.select %le3A_1851, %masked_sort3A_1771, %masked_sort3A_1850 : vector<16xi1>, vector<16xi32>
          %masked_sort3A_1854 = arith.constant dense<true> : vector<16xi1>
          %masked_sort3A_1855, %masked_sort3A_1856, %masked_sort3A_1857 = tpu.sort %select_n3A_1852, %select_n3A_1853 masked %masked_sort3A_1854 : (vector<16xf32>, vector<16xi32>, vector<16xi1>) -> (vector<16xi1>, vector<16xf32>, vector<16xi32>)
          %sub3A_1858 = arith.subf %get3A_1832, %gather3A_37 : vector<16xf32>
          %sub3A_1859 = arith.subf %get3A_1834, %gather3A_57 : vector<16xf32>
          %sub3A_1860 = arith.subf %get3A_1836, %gather3A_77 : vector<16xf32>
          %mul3A_1861 = arith.mulf %sub3A_1858, %sub3A_1858 : vector<16xf32>
          %mul3A_1862 = arith.mulf %sub3A_1859, %sub3A_1859 : vector<16xf32>
          %add3A_1863 = arith.addf %mul3A_1861, %mul3A_1862 : vector<16xf32>
          %mul3A_1864 = arith.mulf %sub3A_1860, %sub3A_1860 : vector<16xf32>
          %add3A_1865 = arith.addf %add3A_1863, %mul3A_1864 : vector<16xf32>
          %masked_sort3A_1866 = arith.constant dense<true> : vector<16xi1>
          %masked_sort3A_1867, %masked_sort3A_1868, %masked_sort3A_1869 = tpu.sort %add3A_1865, %add3A_1838 masked %masked_sort3A_1866 {descending = true} : (vector<16xf32>, vector<16xi32>, vector<16xi1>) -> (vector<16xi1>, vector<16xf32>, vector<16xi32>)
          %le3A_1870 = arith.cmpf ole, %masked_sort3A_1789, %masked_sort3A_1868 : vector<16xf32>
          %select_n3A_1871 = arith.select %le3A_1870, %masked_sort3A_1789, %masked_sort3A_1868 : vector<16xi1>, vector<16xf32>
          %select_n3A_1872 = arith.select %le3A_1870, %masked_sort3A_1790, %masked_sort3A_1869 : vector<16xi1>, vector<16xi32>
          %masked_sort3A_1873 = arith.constant dense<true> : vector<16xi1>
          %masked_sort3A_1874, %masked_sort3A_1875, %masked_sort3A_1876 = tpu.sort %select_n3A_1871, %select_n3A_1872 masked %masked_sort3A_1873 : (vector<16xf32>, vector<16xi32>, vector<16xi1>) -> (vector<16xi1>, vector<16xf32>, vector<16xi32>)
          %sub3A_1877 = arith.subf %get3A_1832, %gather3A_42 : vector<16xf32>
          %sub3A_1878 = arith.subf %get3A_1834, %gather3A_62 : vector<16xf32>
          %sub3A_1879 = arith.subf %get3A_1836, %gather3A_82 : vector<16xf32>
          %mul3A_1880 = arith.mulf %sub3A_1877, %sub3A_1877 : vector<16xf32>
          %mul3A_1881 = arith.mulf %sub3A_1878, %sub3A_1878 : vector<16xf32>
          %add3A_1882 = arith.addf %mul3A_1880, %mul3A_1881 : vector<16xf32>
          %mul3A_1883 = arith.mulf %sub3A_1879, %sub3A_1879 : vector<16xf32>
          %add3A_1884 = arith.addf %add3A_1882, %mul3A_1883 : vector<16xf32>
          %masked_sort3A_1885 = arith.constant dense<true> : vector<16xi1>
          %masked_sort3A_1886, %masked_sort3A_1887, %masked_sort3A_1888 = tpu.sort %add3A_1884, %add3A_1838 masked %masked_sort3A_1885 {descending = true} : (vector<16xf32>, vector<16xi32>, vector<16xi1>) -> (vector<16xi1>, vector<16xf32>, vector<16xi32>)
          %le3A_1889 = arith.cmpf ole, %masked_sort3A_1808, %masked_sort3A_1887 : vector<16xf32>
          %select_n3A_1890 = arith.select %le3A_1889, %masked_sort3A_1808, %masked_sort3A_1887 : vector<16xi1>, vector<16xf32>
          %select_n3A_1891 = arith.select %le3A_1889, %masked_sort3A_1809, %masked_sort3A_1888 : vector<16xi1>, vector<16xi32>
          %masked_sort3A_1892 = arith.constant dense<true> : vector<16xi1>
          %masked_sort3A_1893, %masked_sort3A_1894, %masked_sort3A_1895 = tpu.sort %select_n3A_1890, %select_n3A_1891 masked %masked_sort3A_1892 : (vector<16xf32>, vector<16xi32>, vector<16xi1>) -> (vector<16xi1>, vector<16xf32>, vector<16xi32>)
          %sub3A_1896 = arith.subf %get3A_1832, %gather3A_47 : vector<16xf32>
          %sub3A_1897 = arith.subf %get3A_1834, %gather3A_67 : vector<16xf32>
          %sub3A_1898 = arith.subf %get3A_1836, %gather3A_87 : vector<16xf32>
          %mul3A_1899 = arith.mulf %sub3A_1896, %sub3A_1896 : vector<16xf32>
          %mul3A_1900 = arith.mulf %sub3A_1897, %sub3A_1897 : vector<16xf32>
          %add3A_1901 = arith.addf %mul3A_1899, %mul3A_1900 : vector<16xf32>
          %mul3A_1902 = arith.mulf %sub3A_1898, %sub3A_1898 : vector<16xf32>
          %add3A_1903 = arith.addf %add3A_1901, %mul3A_1902 : vector<16xf32>
          %masked_sort3A_1904 = arith.constant dense<true> : vector<16xi1>
          %masked_sort3A_1905, %masked_sort3A_1906, %masked_sort3A_1907 = tpu.sort %add3A_1903, %add3A_1838 masked %masked_sort3A_1904 {descending = true} : (vector<16xf32>, vector<16xi32>, vector<16xi1>) -> (vector<16xi1>, vector<16xf32>, vector<16xi32>)
          %le3A_1908 = arith.cmpf ole, %masked_sort3A_1827, %masked_sort3A_1906 : vector<16xf32>
          %select_n3A_1909 = arith.select %le3A_1908, %masked_sort3A_1827, %masked_sort3A_1906 : vector<16xi1>, vector<16xf32>
          %select_n3A_1910 = arith.select %le3A_1908, %masked_sort3A_1828, %masked_sort3A_1907 : vector<16xi1>, vector<16xi32>
          %masked_sort3A_1911 = arith.constant dense<true> : vector<16xi1>
          %masked_sort3A_1912, %masked_sort3A_1913, %masked_sort3A_1914 = tpu.sort %select_n3A_1909, %select_n3A_1910 masked %masked_sort3A_1911 : (vector<16xf32>, vector<16xi32>, vector<16xi1>) -> (vector<16xi1>, vector<16xf32>, vector<16xi32>)
          %add3A_1915 = arith.constant 48 : i32
          %add3A_1916 = arith.addi %mul3A_1659, %add3A_1915 : i32
          %get3A_1917 = arith.index_cast %add3A_1916 : i32 to index
          %get3A_1918 = tpu.vector_load %arg11[%get3A_1917] {strides = array<i32>} : memref<10048xf32, #tpu.memory_space<vmem>>, vector<16xf32>,
          %get3A_1919 = arith.index_cast %add3A_1916 : i32 to index
          %get3A_1920 = tpu.vector_load %arg12[%get3A_1919] {strides = array<i32>} : memref<10048xf32, #tpu.memory_space<vmem>>, vector<16xf32>,
          %get3A_1921 = arith.index_cast %add3A_1916 : i32 to index
          %get3A_1922 = tpu.vector_load %arg13[%get3A_1921] {strides = array<i32>} : memref<10048xf32, #tpu.memory_space<vmem>>, vector<16xf32>,
          %add3A_1923 = vector.broadcast %add3A_1916 : i32 to vector<16xi32>
          %add3A_1924 = arith.addi %iota3A, %add3A_1923 : vector<16xi32>
          %sub3A_1925 = arith.subf %get3A_1918, %gather3A_32 : vector<16xf32>
          %sub3A_1926 = arith.subf %get3A_1920, %gather3A_52 : vector<16xf32>
          %sub3A_1927 = arith.subf %get3A_1922, %gather3A_72 : vector<16xf32>
          %mul3A_1928 = arith.mulf %sub3A_1925, %sub3A_1925 : vector<16xf32>
          %mul3A_1929 = arith.mulf %sub3A_1926, %sub3A_1926 : vector<16xf32>
          %add3A_1930 = arith.addf %mul3A_1928, %mul3A_1929 : vector<16xf32>
          %mul3A_1931 = arith.mulf %sub3A_1927, %sub3A_1927 : vector<16xf32>
          %add3A_1932 = arith.addf %add3A_1930, %mul3A_1931 : vector<16xf32>
          %masked_sort3A_1933 = arith.constant dense<true> : vector<16xi1>
          %masked_sort3A_1934, %masked_sort3A_1935, %masked_sort3A_1936 = tpu.sort %add3A_1932, %add3A_1924 masked %masked_sort3A_1933 {descending = true} : (vector<16xf32>, vector<16xi32>, vector<16xi1>) -> (vector<16xi1>, vector<16xf32>, vector<16xi32>)
          %le3A_1937 = arith.cmpf ole, %masked_sort3A_1856, %masked_sort3A_1935 : vector<16xf32>
          %select_n3A_1938 = arith.select %le3A_1937, %masked_sort3A_1856, %masked_sort3A_1935 : vector<16xi1>, vector<16xf32>
          %select_n3A_1939 = arith.select %le3A_1937, %masked_sort3A_1857, %masked_sort3A_1936 : vector<16xi1>, vector<16xi32>
          %masked_sort3A_1940 = arith.constant dense<true> : vector<16xi1>
          %masked_sort3A_1941, %masked_sort3A_1942, %masked_sort3A_1943 = tpu.sort %select_n3A_1938, %select_n3A_1939 masked %masked_sort3A_1940 : (vector<16xf32>, vector<16xi32>, vector<16xi1>) -> (vector<16xi1>, vector<16xf32>, vector<16xi32>)
          %sub3A_1944 = arith.subf %get3A_1918, %gather3A_37 : vector<16xf32>
          %sub3A_1945 = arith.subf %get3A_1920, %gather3A_57 : vector<16xf32>
          %sub3A_1946 = arith.subf %get3A_1922, %gather3A_77 : vector<16xf32>
          %mul3A_1947 = arith.mulf %sub3A_1944, %sub3A_1944 : vector<16xf32>
          %mul3A_1948 = arith.mulf %sub3A_1945, %sub3A_1945 : vector<16xf32>
          %add3A_1949 = arith.addf %mul3A_1947, %mul3A_1948 : vector<16xf32>
          %mul3A_1950 = arith.mulf %sub3A_1946, %sub3A_1946 : vector<16xf32>
          %add3A_1951 = arith.addf %add3A_1949, %mul3A_1950 : vector<16xf32>
          %masked_sort3A_1952 = arith.constant dense<true> : vector<16xi1>
          %masked_sort3A_1953, %masked_sort3A_1954, %masked_sort3A_1955 = tpu.sort %add3A_1951, %add3A_1924 masked %masked_sort3A_1952 {descending = true} : (vector<16xf32>, vector<16xi32>, vector<16xi1>) -> (vector<16xi1>, vector<16xf32>, vector<16xi32>)
          %le3A_1956 = arith.cmpf ole, %masked_sort3A_1875, %masked_sort3A_1954 : vector<16xf32>
          %select_n3A_1957 = arith.select %le3A_1956, %masked_sort3A_1875, %masked_sort3A_1954 : vector<16xi1>, vector<16xf32>
          %select_n3A_1958 = arith.select %le3A_1956, %masked_sort3A_1876, %masked_sort3A_1955 : vector<16xi1>, vector<16xi32>
          %masked_sort3A_1959 = arith.constant dense<true> : vector<16xi1>
          %masked_sort3A_1960, %masked_sort3A_1961, %masked_sort3A_1962 = tpu.sort %select_n3A_1957, %select_n3A_1958 masked %masked_sort3A_1959 : (vector<16xf32>, vector<16xi32>, vector<16xi1>) -> (vector<16xi1>, vector<16xf32>, vector<16xi32>)
          %sub3A_1963 = arith.subf %get3A_1918, %gather3A_42 : vector<16xf32>
          %sub3A_1964 = arith.subf %get3A_1920, %gather3A_62 : vector<16xf32>
          %sub3A_1965 = arith.subf %get3A_1922, %gather3A_82 : vector<16xf32>
          %mul3A_1966 = arith.mulf %sub3A_1963, %sub3A_1963 : vector<16xf32>
          %mul3A_1967 = arith.mulf %sub3A_1964, %sub3A_1964 : vector<16xf32>
          %add3A_1968 = arith.addf %mul3A_1966, %mul3A_1967 : vector<16xf32>
          %mul3A_1969 = arith.mulf %sub3A_1965, %sub3A_1965 : vector<16xf32>
          %add3A_1970 = arith.addf %add3A_1968, %mul3A_1969 : vector<16xf32>
          %masked_sort3A_1971 = arith.constant dense<true> : vector<16xi1>
          %masked_sort3A_1972, %masked_sort3A_1973, %masked_sort3A_1974 = tpu.sort %add3A_1970, %add3A_1924 masked %masked_sort3A_1971 {descending = true} : (vector<16xf32>, vector<16xi32>, vector<16xi1>) -> (vector<16xi1>, vector<16xf32>, vector<16xi32>)
          %le3A_1975 = arith.cmpf ole, %masked_sort3A_1894, %masked_sort3A_1973 : vector<16xf32>
          %select_n3A_1976 = arith.select %le3A_1975, %masked_sort3A_1894, %masked_sort3A_1973 : vector<16xi1>, vector<16xf32>
          %select_n3A_1977 = arith.select %le3A_1975, %masked_sort3A_1895, %masked_sort3A_1974 : vector<16xi1>, vector<16xi32>
          %masked_sort3A_1978 = arith.constant dense<true> : vector<16xi1>
          %masked_sort3A_1979, %masked_sort3A_1980, %masked_sort3A_1981 = tpu.sort %select_n3A_1976, %select_n3A_1977 masked %masked_sort3A_1978 : (vector<16xf32>, vector<16xi32>, vector<16xi1>) -> (vector<16xi1>, vector<16xf32>, vector<16xi32>)
          %sub3A_1982 = arith.subf %get3A_1918, %gather3A_47 : vector<16xf32>
          %sub3A_1983 = arith.subf %get3A_1920, %gather3A_67 : vector<16xf32>
          %sub3A_1984 = arith.subf %get3A_1922, %gather3A_87 : vector<16xf32>
          %mul3A_1985 = arith.mulf %sub3A_1982, %sub3A_1982 : vector<16xf32>
          %mul3A_1986 = arith.mulf %sub3A_1983, %sub3A_1983 : vector<16xf32>
          %add3A_1987 = arith.addf %mul3A_1985, %mul3A_1986 : vector<16xf32>
          %mul3A_1988 = arith.mulf %sub3A_1984, %sub3A_1984 : vector<16xf32>
          %add3A_1989 = arith.addf %add3A_1987, %mul3A_1988 : vector<16xf32>
          %masked_sort3A_1990 = arith.constant dense<true> : vector<16xi1>
          %masked_sort3A_1991, %masked_sort3A_1992, %masked_sort3A_1993 = tpu.sort %add3A_1989, %add3A_1924 masked %masked_sort3A_1990 {descending = true} : (vector<16xf32>, vector<16xi32>, vector<16xi1>) -> (vector<16xi1>, vector<16xf32>, vector<16xi32>)
          %le3A_1994 = arith.cmpf ole, %masked_sort3A_1913, %masked_sort3A_1992 : vector<16xf32>
          %select_n3A_1995 = arith.select %le3A_1994, %masked_sort3A_1913, %masked_sort3A_1992 : vector<16xi1>, vector<16xf32>
          %select_n3A_1996 = arith.select %le3A_1994, %masked_sort3A_1914, %masked_sort3A_1993 : vector<16xi1>, vector<16xi32>
          %masked_sort3A_1997 = arith.constant dense<true> : vector<16xi1>
          %masked_sort3A_1998, %masked_sort3A_1999, %masked_sort3A_2000 = tpu.sort %select_n3A_1995, %select_n3A_1996 masked %masked_sort3A_1997 : (vector<16xf32>, vector<16xi32>, vector<16xi1>) -> (vector<16xi1>, vector<16xf32>, vector<16xi32>)
          scf.yield %masked_sort3A_1942, %masked_sort3A_1961, %masked_sort3A_1980, %masked_sort3A_1999, %masked_sort3A_1943, %masked_sort3A_1962, %masked_sort3A_1981, %masked_sort3A_2000 : vector<16xf32>, vector<16xf32>, vector<16xf32>, vector<16xf32>, vector<16xi32>, vector<16xi32>, vector<16xi32>, vector<16xi32>
        }
        %scan3A_109 = arith.constant 157 : i32
        %dma_start3A = arith.constant 0 : i32
        %dma_start3A_110 = arith.constant 0 : i32
        %dma_start3A_111 = tpu.memref_slice %arg18[%dma_start3A, %dma_start3A_110] : memref<64x16xf32, #tpu.memory_space<vmem>> -> memref<16x16xf32, #tpu.memory_space<vmem>>
        %dma_start3A_112 = arith.constant 0 : i32
        %dma_start3A_113 = arith.constant 0 : i32
        %dma_start3A_114 = tpu.memref_slice %arg8[%dma_start3A_112, %dma_start3A_113] : memref<10048x16xf32, #tpu.memory_space<hbm>> -> memref<10048x16xf32, #tpu.memory_space<hbm>>
        tpu.enqueue_indirect_dma source(%dma_start3A_114 : memref<10048x16xf32, #tpu.memory_space<hbm>>) target(%dma_start3A_111 : memref<16x16xf32, #tpu.memory_space<vmem>>) offsets(%scan3A_108#4 : vector<16xi32>) semaphore(%arg20 : memref<!tpu.dma_semaphore, #tpu.memory_space<semaphore_mem>>)
        %dma_start3A_115 = arith.constant 16 : i32
        %dma_start3A_116 = arith.constant 0 : i32
        %dma_start3A_117 = tpu.memref_slice %arg18[%dma_start3A_115, %dma_start3A_116] : memref<64x16xf32, #tpu.memory_space<vmem>> -> memref<16x16xf32, #tpu.memory_space<vmem>>
        %dma_start3A_118 = arith.constant 0 : i32
        %dma_start3A_119 = arith.constant 0 : i32
        %dma_start3A_120 = tpu.memref_slice %arg8[%dma_start3A_118, %dma_start3A_119] : memref<10048x16xf32, #tpu.memory_space<hbm>> -> memref<10048x16xf32, #tpu.memory_space<hbm>>
        tpu.enqueue_indirect_dma source(%dma_start3A_120 : memref<10048x16xf32, #tpu.memory_space<hbm>>) target(%dma_start3A_117 : memref<16x16xf32, #tpu.memory_space<vmem>>) offsets(%scan3A_108#5 : vector<16xi32>) semaphore(%arg20 : memref<!tpu.dma_semaphore, #tpu.memory_space<semaphore_mem>>)
        %dma_start3A_121 = arith.constant 32 : i32
        %dma_start3A_122 = arith.constant 0 : i32
        %dma_start3A_123 = tpu.memref_slice %arg18[%dma_start3A_121, %dma_start3A_122] : memref<64x16xf32, #tpu.memory_space<vmem>> -> memref<16x16xf32, #tpu.memory_space<vmem>>
        %dma_start3A_124 = arith.constant 0 : i32
        %dma_start3A_125 = arith.constant 0 : i32
        %dma_start3A_126 = tpu.memref_slice %arg8[%dma_start3A_124, %dma_start3A_125] : memref<10048x16xf32, #tpu.memory_space<hbm>> -> memref<10048x16xf32, #tpu.memory_space<hbm>>
        tpu.enqueue_indirect_dma source(%dma_start3A_126 : memref<10048x16xf32, #tpu.memory_space<hbm>>) target(%dma_start3A_123 : memref<16x16xf32, #tpu.memory_space<vmem>>) offsets(%scan3A_108#6 : vector<16xi32>) semaphore(%arg20 : memref<!tpu.dma_semaphore, #tpu.memory_space<semaphore_mem>>)
        %dma_start3A_127 = arith.constant 48 : i32
        %dma_start3A_128 = arith.constant 0 : i32
        %dma_start3A_129 = tpu.memref_slice %arg18[%dma_start3A_127, %dma_start3A_128] : memref<64x16xf32, #tpu.memory_space<vmem>> -> memref<16x16xf32, #tpu.memory_space<vmem>>
        %dma_start3A_130 = arith.constant 0 : i32
        %dma_start3A_131 = arith.constant 0 : i32
        %dma_start3A_132 = tpu.memref_slice %arg8[%dma_start3A_130, %dma_start3A_131] : memref<10048x16xf32, #tpu.memory_space<hbm>> -> memref<10048x16xf32, #tpu.memory_space<hbm>>
        tpu.enqueue_indirect_dma source(%dma_start3A_132 : memref<10048x16xf32, #tpu.memory_space<hbm>>) target(%dma_start3A_129 : memref<16x16xf32, #tpu.memory_space<vmem>>) offsets(%scan3A_108#7 : vector<16xi32>) semaphore(%arg20 : memref<!tpu.dma_semaphore, #tpu.memory_space<semaphore_mem>>)
        %dma_wait3A = arith.constant 0 : i32
        %dma_wait3A_133 = arith.constant 0 : i32
        %dma_wait3A_134 = tpu.memref_slice %arg18[%dma_wait3A, %dma_wait3A_133] : memref<64x16xf32, #tpu.memory_space<vmem>> -> memref<16x16xf32, #tpu.memory_space<vmem>>
        %dma_wait3A_135 = arith.constant 0 : i32
        %dma_wait3A_136 = arith.constant 0 : i32
        %dma_wait3A_137 = tpu.memref_slice %arg8[%dma_wait3A_135, %dma_wait3A_136] : memref<10048x16xf32, #tpu.memory_space<hbm>> -> memref<10048x16xf32, #tpu.memory_space<hbm>>
        tpu.wait_indirect_dma semaphore(%arg20 : memref<!tpu.dma_semaphore, #tpu.memory_space<semaphore_mem>>) src(%dma_wait3A_137 : memref<10048x16xf32, #tpu.memory_space<hbm>>) dst(%dma_wait3A_134 : memref<16x16xf32, #tpu.memory_space<vmem>>)
        %dma_wait3A_138 = arith.constant 16 : i32
        %dma_wait3A_139 = arith.constant 0 : i32
        %dma_wait3A_140 = tpu.memref_slice %arg18[%dma_wait3A_138, %dma_wait3A_139] : memref<64x16xf32, #tpu.memory_space<vmem>> -> memref<16x16xf32, #tpu.memory_space<vmem>>
        %dma_wait3A_141 = arith.constant 0 : i32
        %dma_wait3A_142 = arith.constant 0 : i32
        %dma_wait3A_143 = tpu.memref_slice %arg8[%dma_wait3A_141, %dma_wait3A_142] : memref<10048x16xf32, #tpu.memory_space<hbm>> -> memref<10048x16xf32, #tpu.memory_space<hbm>>
        tpu.wait_indirect_dma semaphore(%arg20 : memref<!tpu.dma_semaphore, #tpu.memory_space<semaphore_mem>>) src(%dma_wait3A_143 : memref<10048x16xf32, #tpu.memory_space<hbm>>) dst(%dma_wait3A_140 : memref<16x16xf32, #tpu.memory_space<vmem>>)
        %dma_wait3A_144 = arith.constant 32 : i32
        %dma_wait3A_145 = arith.constant 0 : i32
        %dma_wait3A_146 = tpu.memref_slice %arg18[%dma_wait3A_144, %dma_wait3A_145] : memref<64x16xf32, #tpu.memory_space<vmem>> -> memref<16x16xf32, #tpu.memory_space<vmem>>
        %dma_wait3A_147 = arith.constant 0 : i32
        %dma_wait3A_148 = arith.constant 0 : i32
        %dma_wait3A_149 = tpu.memref_slice %arg8[%dma_wait3A_147, %dma_wait3A_148] : memref<10048x16xf32, #tpu.memory_space<hbm>> -> memref<10048x16xf32, #tpu.memory_space<hbm>>
        tpu.wait_indirect_dma semaphore(%arg20 : memref<!tpu.dma_semaphore, #tpu.memory_space<semaphore_mem>>) src(%dma_wait3A_149 : memref<10048x16xf32, #tpu.memory_space<hbm>>) dst(%dma_wait3A_146 : memref<16x16xf32, #tpu.memory_space<vmem>>)
        %dma_wait3A_150 = arith.constant 48 : i32
        %dma_wait3A_151 = arith.constant 0 : i32
        %dma_wait3A_152 = tpu.memref_slice %arg18[%dma_wait3A_150, %dma_wait3A_151] : memref<64x16xf32, #tpu.memory_space<vmem>> -> memref<16x16xf32, #tpu.memory_space<vmem>>
        %dma_wait3A_153 = arith.constant 0 : i32
        %dma_wait3A_154 = arith.constant 0 : i32
        %dma_wait3A_155 = tpu.memref_slice %arg8[%dma_wait3A_153, %dma_wait3A_154] : memref<10048x16xf32, #tpu.memory_space<hbm>> -> memref<10048x16xf32, #tpu.memory_space<hbm>>
        tpu.wait_indirect_dma semaphore(%arg20 : memref<!tpu.dma_semaphore, #tpu.memory_space<semaphore_mem>>) src(%dma_wait3A_155 : memref<10048x16xf32, #tpu.memory_space<hbm>>) dst(%dma_wait3A_152 : memref<16x16xf32, #tpu.memory_space<vmem>>)
        %add3A_156 = arith.constant 9.99999993E-9 : f32
        %add3A_157 = vector.broadcast %add3A_156 : f32 to vector<16xf32>
        %add3A_158 = arith.addf %scan3A_108#0, %add3A_157 : vector<16xf32>
        %div3A = arith.constant 1.000000e+00 : f32
        %div3A_159 = vector.broadcast %div3A : f32 to vector<16xf32>
        %div3A_160 = arith.divf %div3A_159, %add3A_158 : vector<16xf32>
        %mul3A_161 = arith.mulf %add3A_158, %div3A_160 : vector<16xf32>
        %sub3A = arith.constant 2.000000e+00 : f32
        %sub3A_162 = vector.broadcast %sub3A : f32 to vector<16xf32>
        %sub3A_163 = arith.subf %sub3A_162, %mul3A_161 : vector<16xf32>
        %mul3A_164 = arith.mulf %div3A_160, %sub3A_163 : vector<16xf32>
        %mul3A_165 = arith.mulf %get3A_1, %mul3A_164 : vector<16xf32>
        %gather3A_166 = tpu.vector_load_idx %arg11[%scan3A_108#4] : memref<10048xf32, #tpu.memory_space<vmem>>[vector<16xi32>], vector<16xf32>,
        %gather3A_167 = tpu.vector_load_idx %arg12[%scan3A_108#4] : memref<10048xf32, #tpu.memory_space<vmem>>[vector<16xi32>], vector<16xf32>,
        %gather3A_168 = tpu.vector_load_idx %arg13[%scan3A_108#4] : memref<10048xf32, #tpu.memory_space<vmem>>[vector<16xi32>], vector<16xf32>,
        %sub3A_169 = arith.subf %gather3A_32, %gather3A_166 : vector<16xf32>
        %mul3A_170 = arith.mulf %mul3A_165, %sub3A_169 : vector<16xf32>
        %sub3A_171 = arith.subf %gather3A_52, %gather3A_167 : vector<16xf32>
        %mul3A_172 = arith.mulf %mul3A_165, %sub3A_171 : vector<16xf32>
        %sub3A_173 = arith.subf %gather3A_72, %gather3A_168 : vector<16xf32>
        %mul3A_174 = arith.mulf %mul3A_165, %sub3A_173 : vector<16xf32>
        %broadcast_in_dim3A_175 = arith.constant 0.000000e+00 : f32
        %broadcast_in_dim3A_176 = vector.broadcast %broadcast_in_dim3A_175 : f32 to vector<16xf32>
        %broadcast_in_dim3A_177 = arith.constant 0.000000e+00 : f32
        %broadcast_in_dim3A_178 = vector.broadcast %broadcast_in_dim3A_177 : f32 to vector<16xf32>
        %broadcast_in_dim3A_179 = arith.constant 0.000000e+00 : f32
        %broadcast_in_dim3A_180 = vector.broadcast %broadcast_in_dim3A_179 : f32 to vector<16xf32>
        %broadcast_in_dim3A_181 = arith.constant 0 : i32
        %broadcast_in_dim3A_182 = vector.broadcast %broadcast_in_dim3A_181 : i32 to vector<16xi32>
        %gather3A_183 = tpu.vector_load_idx %arg18[%broadcast_in_dim3A_182, %iota3A] : memref<64x16xf32, #tpu.memory_space<vmem>>[vector<16xi32>, vector<16xi32>], vector<16xf32>,
        %broadcast_in_dim3A_184 = arith.constant 0 : i32
        %broadcast_in_dim3A_185 = vector.broadcast %broadcast_in_dim3A_184 : i32 to vector<16x1xi32>
        %gather3A_186 = vector.shape_cast %broadcast_in_dim3A_185 : vector<16x1xi32> to vector<16xi32>
        %gather3A_187 = tpu.dynamic_gather %mul3A_170[%gather3A_186] in [0] : vector<16xf32>, vector<16xi32> -> vector<16xf32>
        %mul3A_188 = arith.mulf %gather3A_187, %gather3A_183 : vector<16xf32>
        %add3A_189 = arith.addf %broadcast_in_dim3A_176, %mul3A_188 : vector<16xf32>
        %broadcast_in_dim3A_190 = arith.constant 0 : i32
        %broadcast_in_dim3A_191 = vector.broadcast %broadcast_in_dim3A_190 : i32 to vector<16x1xi32>
        %gather3A_192 = vector.shape_cast %broadcast_in_dim3A_191 : vector<16x1xi32> to vector<16xi32>
        %gather3A_193 = tpu.dynamic_gather %mul3A_172[%gather3A_192] in [0] : vector<16xf32>, vector<16xi32> -> vector<16xf32>
        %mul3A_194 = arith.mulf %gather3A_193, %gather3A_183 : vector<16xf32>
        %add3A_195 = arith.addf %broadcast_in_dim3A_178, %mul3A_194 : vector<16xf32>
        %broadcast_in_dim3A_196 = arith.constant 0 : i32
        %broadcast_in_dim3A_197 = vector.broadcast %broadcast_in_dim3A_196 : i32 to vector<16x1xi32>
        %gather3A_198 = vector.shape_cast %broadcast_in_dim3A_197 : vector<16x1xi32> to vector<16xi32>
        %gather3A_199 = tpu.dynamic_gather %mul3A_174[%gather3A_198] in [0] : vector<16xf32>, vector<16xi32> -> vector<16xf32>
        %mul3A_200 = arith.mulf %gather3A_199, %gather3A_183 : vector<16xf32>
        %add3A_201 = arith.addf %broadcast_in_dim3A_180, %mul3A_200 : vector<16xf32>
        %broadcast_in_dim3A_202 = arith.constant 1 : i32
        %broadcast_in_dim3A_203 = vector.broadcast %broadcast_in_dim3A_202 : i32 to vector<16xi32>
        %gather3A_204 = tpu.vector_load_idx %arg18[%broadcast_in_dim3A_203, %iota3A] : memref<64x16xf32, #tpu.memory_space<vmem>>[vector<16xi32>, vector<16xi32>], vector<16xf32>,
        %broadcast_in_dim3A_205 = arith.constant 1 : i32
        %broadcast_in_dim3A_206 = vector.broadcast %broadcast_in_dim3A_205 : i32 to vector<16x1xi32>
        %gather3A_207 = vector.shape_cast %broadcast_in_dim3A_206 : vector<16x1xi32> to vector<16xi32>
        %gather3A_208 = tpu.dynamic_gather %mul3A_170[%gather3A_207] in [0] : vector<16xf32>, vector<16xi32> -> vector<16xf32>
        %mul3A_209 = arith.mulf %gather3A_208, %gather3A_204 : vector<16xf32>
        %add3A_210 = arith.addf %add3A_189, %mul3A_209 : vector<16xf32>
        %broadcast_in_dim3A_211 = arith.constant 1 : i32
        %broadcast_in_dim3A_212 = vector.broadcast %broadcast_in_dim3A_211 : i32 to vector<16x1xi32>
        %gather3A_213 = vector.shape_cast %broadcast_in_dim3A_212 : vector<16x1xi32> to vector<16xi32>
        %gather3A_214 = tpu.dynamic_gather %mul3A_172[%gather3A_213] in [0] : vector<16xf32>, vector<16xi32> -> vector<16xf32>
        %mul3A_215 = arith.mulf %gather3A_214, %gather3A_204 : vector<16xf32>
        %add3A_216 = arith.addf %add3A_195, %mul3A_215 : vector<16xf32>
        %broadcast_in_dim3A_217 = arith.constant 1 : i32
        %broadcast_in_dim3A_218 = vector.broadcast %broadcast_in_dim3A_217 : i32 to vector<16x1xi32>
        %gather3A_219 = vector.shape_cast %broadcast_in_dim3A_218 : vector<16x1xi32> to vector<16xi32>
        %gather3A_220 = tpu.dynamic_gather %mul3A_174[%gather3A_219] in [0] : vector<16xf32>, vector<16xi32> -> vector<16xf32>
        %mul3A_221 = arith.mulf %gather3A_220, %gather3A_204 : vector<16xf32>
        %add3A_222 = arith.addf %add3A_201, %mul3A_221 : vector<16xf32>
        %broadcast_in_dim3A_223 = arith.constant 2 : i32
        %broadcast_in_dim3A_224 = vector.broadcast %broadcast_in_dim3A_223 : i32 to vector<16xi32>
        %gather3A_225 = tpu.vector_load_idx %arg18[%broadcast_in_dim3A_224, %iota3A] : memref<64x16xf32, #tpu.memory_space<vmem>>[vector<16xi32>, vector<16xi32>], vector<16xf32>,
        %broadcast_in_dim3A_226 = arith.constant 2 : i32
        %broadcast_in_dim3A_227 = vector.broadcast %broadcast_in_dim3A_226 : i32 to vector<16x1xi32>
        %gather3A_228 = vector.shape_cast %broadcast_in_dim3A_227 : vector<16x1xi32> to vector<16xi32>
        %gather3A_229 = tpu.dynamic_gather %mul3A_170[%gather3A_228] in [0] : vector<16xf32>, vector<16xi32> -> vector<16xf32>
        %mul3A_230 = arith.mulf %gather3A_229, %gather3A_225 : vector<16xf32>
        %add3A_231 = arith.addf %add3A_210, %mul3A_230 : vector<16xf32>
        %broadcast_in_dim3A_232 = arith.constant 2 : i32
        %broadcast_in_dim3A_233 = vector.broadcast %broadcast_in_dim3A_232 : i32 to vector<16x1xi32>
        %gather3A_234 = vector.shape_cast %broadcast_in_dim3A_233 : vector<16x1xi32> to vector<16xi32>
        %gather3A_235 = tpu.dynamic_gather %mul3A_172[%gather3A_234] in [0] : vector<16xf32>, vector<16xi32> -> vector<16xf32>
        %mul3A_236 = arith.mulf %gather3A_235, %gather3A_225 : vector<16xf32>
        %add3A_237 = arith.addf %add3A_216, %mul3A_236 : vector<16xf32>
        %broadcast_in_dim3A_238 = arith.constant 2 : i32
        %broadcast_in_dim3A_239 = vector.broadcast %broadcast_in_dim3A_238 : i32 to vector<16x1xi32>
        %gather3A_240 = vector.shape_cast %broadcast_in_dim3A_239 : vector<16x1xi32> to vector<16xi32>
        %gather3A_241 = tpu.dynamic_gather %mul3A_174[%gather3A_240] in [0] : vector<16xf32>, vector<16xi32> -> vector<16xf32>
        %mul3A_242 = arith.mulf %gather3A_241, %gather3A_225 : vector<16xf32>
        %add3A_243 = arith.addf %add3A_222, %mul3A_242 : vector<16xf32>
        %broadcast_in_dim3A_244 = arith.constant 3 : i32
        %broadcast_in_dim3A_245 = vector.broadcast %broadcast_in_dim3A_244 : i32 to vector<16xi32>
        %gather3A_246 = tpu.vector_load_idx %arg18[%broadcast_in_dim3A_245, %iota3A] : memref<64x16xf32, #tpu.memory_space<vmem>>[vector<16xi32>, vector<16xi32>], vector<16xf32>,
        %broadcast_in_dim3A_247 = arith.constant 3 : i32
        %broadcast_in_dim3A_248 = vector.broadcast %broadcast_in_dim3A_247 : i32 to vector<16x1xi32>
        %gather3A_249 = vector.shape_cast %broadcast_in_dim3A_248 : vector<16x1xi32> to vector<16xi32>
        %gather3A_250 = tpu.dynamic_gather %mul3A_170[%gather3A_249] in [0] : vector<16xf32>, vector<16xi32> -> vector<16xf32>
        %mul3A_251 = arith.mulf %gather3A_250, %gather3A_246 : vector<16xf32>
        %add3A_252 = arith.addf %add3A_231, %mul3A_251 : vector<16xf32>
        %broadcast_in_dim3A_253 = arith.constant 3 : i32
        %broadcast_in_dim3A_254 = vector.broadcast %broadcast_in_dim3A_253 : i32 to vector<16x1xi32>
        %gather3A_255 = vector.shape_cast %broadcast_in_dim3A_254 : vector<16x1xi32> to vector<16xi32>
        %gather3A_256 = tpu.dynamic_gather %mul3A_172[%gather3A_255] in [0] : vector<16xf32>, vector<16xi32> -> vector<16xf32>
        %mul3A_257 = arith.mulf %gather3A_256, %gather3A_246 : vector<16xf32>
        %add3A_258 = arith.addf %add3A_237, %mul3A_257 : vector<16xf32>
        %broadcast_in_dim3A_259 = arith.constant 3 : i32
        %broadcast_in_dim3A_260 = vector.broadcast %broadcast_in_dim3A_259 : i32 to vector<16x1xi32>
        %gather3A_261 = vector.shape_cast %broadcast_in_dim3A_260 : vector<16x1xi32> to vector<16xi32>
        %gather3A_262 = tpu.dynamic_gather %mul3A_174[%gather3A_261] in [0] : vector<16xf32>, vector<16xi32> -> vector<16xf32>
        %mul3A_263 = arith.mulf %gather3A_262, %gather3A_246 : vector<16xf32>
        %add3A_264 = arith.addf %add3A_243, %mul3A_263 : vector<16xf32>
        %broadcast_in_dim3A_265 = arith.constant 4 : i32
        %broadcast_in_dim3A_266 = vector.broadcast %broadcast_in_dim3A_265 : i32 to vector<16xi32>
        %gather3A_267 = tpu.vector_load_idx %arg18[%broadcast_in_dim3A_266, %iota3A] : memref<64x16xf32, #tpu.memory_space<vmem>>[vector<16xi32>, vector<16xi32>], vector<16xf32>,
        %broadcast_in_dim3A_268 = arith.constant 4 : i32
        %broadcast_in_dim3A_269 = vector.broadcast %broadcast_in_dim3A_268 : i32 to vector<16x1xi32>
        %gather3A_270 = vector.shape_cast %broadcast_in_dim3A_269 : vector<16x1xi32> to vector<16xi32>
        %gather3A_271 = tpu.dynamic_gather %mul3A_170[%gather3A_270] in [0] : vector<16xf32>, vector<16xi32> -> vector<16xf32>
        %mul3A_272 = arith.mulf %gather3A_271, %gather3A_267 : vector<16xf32>
        %add3A_273 = arith.addf %add3A_252, %mul3A_272 : vector<16xf32>
        %broadcast_in_dim3A_274 = arith.constant 4 : i32
        %broadcast_in_dim3A_275 = vector.broadcast %broadcast_in_dim3A_274 : i32 to vector<16x1xi32>
        %gather3A_276 = vector.shape_cast %broadcast_in_dim3A_275 : vector<16x1xi32> to vector<16xi32>
        %gather3A_277 = tpu.dynamic_gather %mul3A_172[%gather3A_276] in [0] : vector<16xf32>, vector<16xi32> -> vector<16xf32>
        %mul3A_278 = arith.mulf %gather3A_277, %gather3A_267 : vector<16xf32>
        %add3A_279 = arith.addf %add3A_258, %mul3A_278 : vector<16xf32>
        %broadcast_in_dim3A_280 = arith.constant 4 : i32
        %broadcast_in_dim3A_281 = vector.broadcast %broadcast_in_dim3A_280 : i32 to vector<16x1xi32>
        %gather3A_282 = vector.shape_cast %broadcast_in_dim3A_281 : vector<16x1xi32> to vector<16xi32>
        %gather3A_283 = tpu.dynamic_gather %mul3A_174[%gather3A_282] in [0] : vector<16xf32>, vector<16xi32> -> vector<16xf32>
        %mul3A_284 = arith.mulf %gather3A_283, %gather3A_267 : vector<16xf32>
        %add3A_285 = arith.addf %add3A_264, %mul3A_284 : vector<16xf32>
        %broadcast_in_dim3A_286 = arith.constant 5 : i32
        %broadcast_in_dim3A_287 = vector.broadcast %broadcast_in_dim3A_286 : i32 to vector<16xi32>
        %gather3A_288 = tpu.vector_load_idx %arg18[%broadcast_in_dim3A_287, %iota3A] : memref<64x16xf32, #tpu.memory_space<vmem>>[vector<16xi32>, vector<16xi32>], vector<16xf32>,
        %broadcast_in_dim3A_289 = arith.constant 5 : i32
        %broadcast_in_dim3A_290 = vector.broadcast %broadcast_in_dim3A_289 : i32 to vector<16x1xi32>
        %gather3A_291 = vector.shape_cast %broadcast_in_dim3A_290 : vector<16x1xi32> to vector<16xi32>
        %gather3A_292 = tpu.dynamic_gather %mul3A_170[%gather3A_291] in [0] : vector<16xf32>, vector<16xi32> -> vector<16xf32>
        %mul3A_293 = arith.mulf %gather3A_292, %gather3A_288 : vector<16xf32>
        %add3A_294 = arith.addf %add3A_273, %mul3A_293 : vector<16xf32>
        %broadcast_in_dim3A_295 = arith.constant 5 : i32
        %broadcast_in_dim3A_296 = vector.broadcast %broadcast_in_dim3A_295 : i32 to vector<16x1xi32>
        %gather3A_297 = vector.shape_cast %broadcast_in_dim3A_296 : vector<16x1xi32> to vector<16xi32>
        %gather3A_298 = tpu.dynamic_gather %mul3A_172[%gather3A_297] in [0] : vector<16xf32>, vector<16xi32> -> vector<16xf32>
        %mul3A_299 = arith.mulf %gather3A_298, %gather3A_288 : vector<16xf32>
        %add3A_300 = arith.addf %add3A_279, %mul3A_299 : vector<16xf32>
        %broadcast_in_dim3A_301 = arith.constant 5 : i32
        %broadcast_in_dim3A_302 = vector.broadcast %broadcast_in_dim3A_301 : i32 to vector<16x1xi32>
        %gather3A_303 = vector.shape_cast %broadcast_in_dim3A_302 : vector<16x1xi32> to vector<16xi32>
        %gather3A_304 = tpu.dynamic_gather %mul3A_174[%gather3A_303] in [0] : vector<16xf32>, vector<16xi32> -> vector<16xf32>
        %mul3A_305 = arith.mulf %gather3A_304, %gather3A_288 : vector<16xf32>
        %add3A_306 = arith.addf %add3A_285, %mul3A_305 : vector<16xf32>
        %broadcast_in_dim3A_307 = arith.constant 6 : i32
        %broadcast_in_dim3A_308 = vector.broadcast %broadcast_in_dim3A_307 : i32 to vector<16xi32>
        %gather3A_309 = tpu.vector_load_idx %arg18[%broadcast_in_dim3A_308, %iota3A] : memref<64x16xf32, #tpu.memory_space<vmem>>[vector<16xi32>, vector<16xi32>], vector<16xf32>,
        %broadcast_in_dim3A_310 = arith.constant 6 : i32
        %broadcast_in_dim3A_311 = vector.broadcast %broadcast_in_dim3A_310 : i32 to vector<16x1xi32>
        %gather3A_312 = vector.shape_cast %broadcast_in_dim3A_311 : vector<16x1xi32> to vector<16xi32>
        %gather3A_313 = tpu.dynamic_gather %mul3A_170[%gather3A_312] in [0] : vector<16xf32>, vector<16xi32> -> vector<16xf32>
        %mul3A_314 = arith.mulf %gather3A_313, %gather3A_309 : vector<16xf32>
        %add3A_315 = arith.addf %add3A_294, %mul3A_314 : vector<16xf32>
        %broadcast_in_dim3A_316 = arith.constant 6 : i32
        %broadcast_in_dim3A_317 = vector.broadcast %broadcast_in_dim3A_316 : i32 to vector<16x1xi32>
        %gather3A_318 = vector.shape_cast %broadcast_in_dim3A_317 : vector<16x1xi32> to vector<16xi32>
        %gather3A_319 = tpu.dynamic_gather %mul3A_172[%gather3A_318] in [0] : vector<16xf32>, vector<16xi32> -> vector<16xf32>
        %mul3A_320 = arith.mulf %gather3A_319, %gather3A_309 : vector<16xf32>
        %add3A_321 = arith.addf %add3A_300, %mul3A_320 : vector<16xf32>
        %broadcast_in_dim3A_322 = arith.constant 6 : i32
        %broadcast_in_dim3A_323 = vector.broadcast %broadcast_in_dim3A_322 : i32 to vector<16x1xi32>
        %gather3A_324 = vector.shape_cast %broadcast_in_dim3A_323 : vector<16x1xi32> to vector<16xi32>
        %gather3A_325 = tpu.dynamic_gather %mul3A_174[%gather3A_324] in [0] : vector<16xf32>, vector<16xi32> -> vector<16xf32>
        %mul3A_326 = arith.mulf %gather3A_325, %gather3A_309 : vector<16xf32>
        %add3A_327 = arith.addf %add3A_306, %mul3A_326 : vector<16xf32>
        %broadcast_in_dim3A_328 = arith.constant 7 : i32
        %broadcast_in_dim3A_329 = vector.broadcast %broadcast_in_dim3A_328 : i32 to vector<16xi32>
        %gather3A_330 = tpu.vector_load_idx %arg18[%broadcast_in_dim3A_329, %iota3A] : memref<64x16xf32, #tpu.memory_space<vmem>>[vector<16xi32>, vector<16xi32>], vector<16xf32>,
        %broadcast_in_dim3A_331 = arith.constant 7 : i32
        %broadcast_in_dim3A_332 = vector.broadcast %broadcast_in_dim3A_331 : i32 to vector<16x1xi32>
        %gather3A_333 = vector.shape_cast %broadcast_in_dim3A_332 : vector<16x1xi32> to vector<16xi32>
        %gather3A_334 = tpu.dynamic_gather %mul3A_170[%gather3A_333] in [0] : vector<16xf32>, vector<16xi32> -> vector<16xf32>
        %mul3A_335 = arith.mulf %gather3A_334, %gather3A_330 : vector<16xf32>
        %add3A_336 = arith.addf %add3A_315, %mul3A_335 : vector<16xf32>
        %broadcast_in_dim3A_337 = arith.constant 7 : i32
        %broadcast_in_dim3A_338 = vector.broadcast %broadcast_in_dim3A_337 : i32 to vector<16x1xi32>
        %gather3A_339 = vector.shape_cast %broadcast_in_dim3A_338 : vector<16x1xi32> to vector<16xi32>
        %gather3A_340 = tpu.dynamic_gather %mul3A_172[%gather3A_339] in [0] : vector<16xf32>, vector<16xi32> -> vector<16xf32>
        %mul3A_341 = arith.mulf %gather3A_340, %gather3A_330 : vector<16xf32>
        %add3A_342 = arith.addf %add3A_321, %mul3A_341 : vector<16xf32>
        %broadcast_in_dim3A_343 = arith.constant 7 : i32
        %broadcast_in_dim3A_344 = vector.broadcast %broadcast_in_dim3A_343 : i32 to vector<16x1xi32>
        %gather3A_345 = vector.shape_cast %broadcast_in_dim3A_344 : vector<16x1xi32> to vector<16xi32>
        %gather3A_346 = tpu.dynamic_gather %mul3A_174[%gather3A_345] in [0] : vector<16xf32>, vector<16xi32> -> vector<16xf32>
        %mul3A_347 = arith.mulf %gather3A_346, %gather3A_330 : vector<16xf32>
        %add3A_348 = arith.addf %add3A_327, %mul3A_347 : vector<16xf32>
        %broadcast_in_dim3A_349 = arith.constant 8 : i32
        %broadcast_in_dim3A_350 = vector.broadcast %broadcast_in_dim3A_349 : i32 to vector<16xi32>
        %gather3A_351 = tpu.vector_load_idx %arg18[%broadcast_in_dim3A_350, %iota3A] : memref<64x16xf32, #tpu.memory_space<vmem>>[vector<16xi32>, vector<16xi32>], vector<16xf32>,
        %broadcast_in_dim3A_352 = arith.constant 8 : i32
        %broadcast_in_dim3A_353 = vector.broadcast %broadcast_in_dim3A_352 : i32 to vector<16x1xi32>
        %gather3A_354 = vector.shape_cast %broadcast_in_dim3A_353 : vector<16x1xi32> to vector<16xi32>
        %gather3A_355 = tpu.dynamic_gather %mul3A_170[%gather3A_354] in [0] : vector<16xf32>, vector<16xi32> -> vector<16xf32>
        %mul3A_356 = arith.mulf %gather3A_355, %gather3A_351 : vector<16xf32>
        %add3A_357 = arith.addf %add3A_336, %mul3A_356 : vector<16xf32>
        %broadcast_in_dim3A_358 = arith.constant 8 : i32
        %broadcast_in_dim3A_359 = vector.broadcast %broadcast_in_dim3A_358 : i32 to vector<16x1xi32>
        %gather3A_360 = vector.shape_cast %broadcast_in_dim3A_359 : vector<16x1xi32> to vector<16xi32>
        %gather3A_361 = tpu.dynamic_gather %mul3A_172[%gather3A_360] in [0] : vector<16xf32>, vector<16xi32> -> vector<16xf32>
        %mul3A_362 = arith.mulf %gather3A_361, %gather3A_351 : vector<16xf32>
        %add3A_363 = arith.addf %add3A_342, %mul3A_362 : vector<16xf32>
        %broadcast_in_dim3A_364 = arith.constant 8 : i32
        %broadcast_in_dim3A_365 = vector.broadcast %broadcast_in_dim3A_364 : i32 to vector<16x1xi32>
        %gather3A_366 = vector.shape_cast %broadcast_in_dim3A_365 : vector<16x1xi32> to vector<16xi32>
        %gather3A_367 = tpu.dynamic_gather %mul3A_174[%gather3A_366] in [0] : vector<16xf32>, vector<16xi32> -> vector<16xf32>
        %mul3A_368 = arith.mulf %gather3A_367, %gather3A_351 : vector<16xf32>
        %add3A_369 = arith.addf %add3A_348, %mul3A_368 : vector<16xf32>
        %broadcast_in_dim3A_370 = arith.constant 9 : i32
        %broadcast_in_dim3A_371 = vector.broadcast %broadcast_in_dim3A_370 : i32 to vector<16xi32>
        %gather3A_372 = tpu.vector_load_idx %arg18[%broadcast_in_dim3A_371, %iota3A] : memref<64x16xf32, #tpu.memory_space<vmem>>[vector<16xi32>, vector<16xi32>], vector<16xf32>,
        %broadcast_in_dim3A_373 = arith.constant 9 : i32
        %broadcast_in_dim3A_374 = vector.broadcast %broadcast_in_dim3A_373 : i32 to vector<16x1xi32>
        %gather3A_375 = vector.shape_cast %broadcast_in_dim3A_374 : vector<16x1xi32> to vector<16xi32>
        %gather3A_376 = tpu.dynamic_gather %mul3A_170[%gather3A_375] in [0] : vector<16xf32>, vector<16xi32> -> vector<16xf32>
        %mul3A_377 = arith.mulf %gather3A_376, %gather3A_372 : vector<16xf32>
        %add3A_378 = arith.addf %add3A_357, %mul3A_377 : vector<16xf32>
        %broadcast_in_dim3A_379 = arith.constant 9 : i32
        %broadcast_in_dim3A_380 = vector.broadcast %broadcast_in_dim3A_379 : i32 to vector<16x1xi32>
        %gather3A_381 = vector.shape_cast %broadcast_in_dim3A_380 : vector<16x1xi32> to vector<16xi32>
        %gather3A_382 = tpu.dynamic_gather %mul3A_172[%gather3A_381] in [0] : vector<16xf32>, vector<16xi32> -> vector<16xf32>
        %mul3A_383 = arith.mulf %gather3A_382, %gather3A_372 : vector<16xf32>
        %add3A_384 = arith.addf %add3A_363, %mul3A_383 : vector<16xf32>
        %broadcast_in_dim3A_385 = arith.constant 9 : i32
        %broadcast_in_dim3A_386 = vector.broadcast %broadcast_in_dim3A_385 : i32 to vector<16x1xi32>
        %gather3A_387 = vector.shape_cast %broadcast_in_dim3A_386 : vector<16x1xi32> to vector<16xi32>
        %gather3A_388 = tpu.dynamic_gather %mul3A_174[%gather3A_387] in [0] : vector<16xf32>, vector<16xi32> -> vector<16xf32>
        %mul3A_389 = arith.mulf %gather3A_388, %gather3A_372 : vector<16xf32>
        %add3A_390 = arith.addf %add3A_369, %mul3A_389 : vector<16xf32>
        %broadcast_in_dim3A_391 = arith.constant 10 : i32
        %broadcast_in_dim3A_392 = vector.broadcast %broadcast_in_dim3A_391 : i32 to vector<16xi32>
        %gather3A_393 = tpu.vector_load_idx %arg18[%broadcast_in_dim3A_392, %iota3A] : memref<64x16xf32, #tpu.memory_space<vmem>>[vector<16xi32>, vector<16xi32>], vector<16xf32>,
        %broadcast_in_dim3A_394 = arith.constant 10 : i32
        %broadcast_in_dim3A_395 = vector.broadcast %broadcast_in_dim3A_394 : i32 to vector<16x1xi32>
        %gather3A_396 = vector.shape_cast %broadcast_in_dim3A_395 : vector<16x1xi32> to vector<16xi32>
        %gather3A_397 = tpu.dynamic_gather %mul3A_170[%gather3A_396] in [0] : vector<16xf32>, vector<16xi32> -> vector<16xf32>
        %mul3A_398 = arith.mulf %gather3A_397, %gather3A_393 : vector<16xf32>
        %add3A_399 = arith.addf %add3A_378, %mul3A_398 : vector<16xf32>
        %broadcast_in_dim3A_400 = arith.constant 10 : i32
        %broadcast_in_dim3A_401 = vector.broadcast %broadcast_in_dim3A_400 : i32 to vector<16x1xi32>
        %gather3A_402 = vector.shape_cast %broadcast_in_dim3A_401 : vector<16x1xi32> to vector<16xi32>
        %gather3A_403 = tpu.dynamic_gather %mul3A_172[%gather3A_402] in [0] : vector<16xf32>, vector<16xi32> -> vector<16xf32>
        %mul3A_404 = arith.mulf %gather3A_403, %gather3A_393 : vector<16xf32>
        %add3A_405 = arith.addf %add3A_384, %mul3A_404 : vector<16xf32>
        %broadcast_in_dim3A_406 = arith.constant 10 : i32
        %broadcast_in_dim3A_407 = vector.broadcast %broadcast_in_dim3A_406 : i32 to vector<16x1xi32>
        %gather3A_408 = vector.shape_cast %broadcast_in_dim3A_407 : vector<16x1xi32> to vector<16xi32>
        %gather3A_409 = tpu.dynamic_gather %mul3A_174[%gather3A_408] in [0] : vector<16xf32>, vector<16xi32> -> vector<16xf32>
        %mul3A_410 = arith.mulf %gather3A_409, %gather3A_393 : vector<16xf32>
        %add3A_411 = arith.addf %add3A_390, %mul3A_410 : vector<16xf32>
        %broadcast_in_dim3A_412 = arith.constant 11 : i32
        %broadcast_in_dim3A_413 = vector.broadcast %broadcast_in_dim3A_412 : i32 to vector<16xi32>
        %gather3A_414 = tpu.vector_load_idx %arg18[%broadcast_in_dim3A_413, %iota3A] : memref<64x16xf32, #tpu.memory_space<vmem>>[vector<16xi32>, vector<16xi32>], vector<16xf32>,
        %broadcast_in_dim3A_415 = arith.constant 11 : i32
        %broadcast_in_dim3A_416 = vector.broadcast %broadcast_in_dim3A_415 : i32 to vector<16x1xi32>
        %gather3A_417 = vector.shape_cast %broadcast_in_dim3A_416 : vector<16x1xi32> to vector<16xi32>
        %gather3A_418 = tpu.dynamic_gather %mul3A_170[%gather3A_417] in [0] : vector<16xf32>, vector<16xi32> -> vector<16xf32>
        %mul3A_419 = arith.mulf %gather3A_418, %gather3A_414 : vector<16xf32>
        %add3A_420 = arith.addf %add3A_399, %mul3A_419 : vector<16xf32>
        %broadcast_in_dim3A_421 = arith.constant 11 : i32
        %broadcast_in_dim3A_422 = vector.broadcast %broadcast_in_dim3A_421 : i32 to vector<16x1xi32>
        %gather3A_423 = vector.shape_cast %broadcast_in_dim3A_422 : vector<16x1xi32> to vector<16xi32>
        %gather3A_424 = tpu.dynamic_gather %mul3A_172[%gather3A_423] in [0] : vector<16xf32>, vector<16xi32> -> vector<16xf32>
        %mul3A_425 = arith.mulf %gather3A_424, %gather3A_414 : vector<16xf32>
        %add3A_426 = arith.addf %add3A_405, %mul3A_425 : vector<16xf32>
        %broadcast_in_dim3A_427 = arith.constant 11 : i32
        %broadcast_in_dim3A_428 = vector.broadcast %broadcast_in_dim3A_427 : i32 to vector<16x1xi32>
        %gather3A_429 = vector.shape_cast %broadcast_in_dim3A_428 : vector<16x1xi32> to vector<16xi32>
        %gather3A_430 = tpu.dynamic_gather %mul3A_174[%gather3A_429] in [0] : vector<16xf32>, vector<16xi32> -> vector<16xf32>
        %mul3A_431 = arith.mulf %gather3A_430, %gather3A_414 : vector<16xf32>
        %add3A_432 = arith.addf %add3A_411, %mul3A_431 : vector<16xf32>
        %broadcast_in_dim3A_433 = arith.constant 12 : i32
        %broadcast_in_dim3A_434 = vector.broadcast %broadcast_in_dim3A_433 : i32 to vector<16xi32>
        %gather3A_435 = tpu.vector_load_idx %arg18[%broadcast_in_dim3A_434, %iota3A] : memref<64x16xf32, #tpu.memory_space<vmem>>[vector<16xi32>, vector<16xi32>], vector<16xf32>,
        %broadcast_in_dim3A_436 = arith.constant 12 : i32
        %broadcast_in_dim3A_437 = vector.broadcast %broadcast_in_dim3A_436 : i32 to vector<16x1xi32>
        %gather3A_438 = vector.shape_cast %broadcast_in_dim3A_437 : vector<16x1xi32> to vector<16xi32>
        %gather3A_439 = tpu.dynamic_gather %mul3A_170[%gather3A_438] in [0] : vector<16xf32>, vector<16xi32> -> vector<16xf32>
        %mul3A_440 = arith.mulf %gather3A_439, %gather3A_435 : vector<16xf32>
        %add3A_441 = arith.addf %add3A_420, %mul3A_440 : vector<16xf32>
        %broadcast_in_dim3A_442 = arith.constant 12 : i32
        %broadcast_in_dim3A_443 = vector.broadcast %broadcast_in_dim3A_442 : i32 to vector<16x1xi32>
        %gather3A_444 = vector.shape_cast %broadcast_in_dim3A_443 : vector<16x1xi32> to vector<16xi32>
        %gather3A_445 = tpu.dynamic_gather %mul3A_172[%gather3A_444] in [0] : vector<16xf32>, vector<16xi32> -> vector<16xf32>
        %mul3A_446 = arith.mulf %gather3A_445, %gather3A_435 : vector<16xf32>
        %add3A_447 = arith.addf %add3A_426, %mul3A_446 : vector<16xf32>
        %broadcast_in_dim3A_448 = arith.constant 12 : i32
        %broadcast_in_dim3A_449 = vector.broadcast %broadcast_in_dim3A_448 : i32 to vector<16x1xi32>
        %gather3A_450 = vector.shape_cast %broadcast_in_dim3A_449 : vector<16x1xi32> to vector<16xi32>
        %gather3A_451 = tpu.dynamic_gather %mul3A_174[%gather3A_450] in [0] : vector<16xf32>, vector<16xi32> -> vector<16xf32>
        %mul3A_452 = arith.mulf %gather3A_451, %gather3A_435 : vector<16xf32>
        %add3A_453 = arith.addf %add3A_432, %mul3A_452 : vector<16xf32>
        %broadcast_in_dim3A_454 = arith.constant 13 : i32
        %broadcast_in_dim3A_455 = vector.broadcast %broadcast_in_dim3A_454 : i32 to vector<16xi32>
        %gather3A_456 = tpu.vector_load_idx %arg18[%broadcast_in_dim3A_455, %iota3A] : memref<64x16xf32, #tpu.memory_space<vmem>>[vector<16xi32>, vector<16xi32>], vector<16xf32>,
        %broadcast_in_dim3A_457 = arith.constant 13 : i32
        %broadcast_in_dim3A_458 = vector.broadcast %broadcast_in_dim3A_457 : i32 to vector<16x1xi32>
        %gather3A_459 = vector.shape_cast %broadcast_in_dim3A_458 : vector<16x1xi32> to vector<16xi32>
        %gather3A_460 = tpu.dynamic_gather %mul3A_170[%gather3A_459] in [0] : vector<16xf32>, vector<16xi32> -> vector<16xf32>
        %mul3A_461 = arith.mulf %gather3A_460, %gather3A_456 : vector<16xf32>
        %add3A_462 = arith.addf %add3A_441, %mul3A_461 : vector<16xf32>
        %broadcast_in_dim3A_463 = arith.constant 13 : i32
        %broadcast_in_dim3A_464 = vector.broadcast %broadcast_in_dim3A_463 : i32 to vector<16x1xi32>
        %gather3A_465 = vector.shape_cast %broadcast_in_dim3A_464 : vector<16x1xi32> to vector<16xi32>
        %gather3A_466 = tpu.dynamic_gather %mul3A_172[%gather3A_465] in [0] : vector<16xf32>, vector<16xi32> -> vector<16xf32>
        %mul3A_467 = arith.mulf %gather3A_466, %gather3A_456 : vector<16xf32>
        %add3A_468 = arith.addf %add3A_447, %mul3A_467 : vector<16xf32>
        %broadcast_in_dim3A_469 = arith.constant 13 : i32
        %broadcast_in_dim3A_470 = vector.broadcast %broadcast_in_dim3A_469 : i32 to vector<16x1xi32>
        %gather3A_471 = vector.shape_cast %broadcast_in_dim3A_470 : vector<16x1xi32> to vector<16xi32>
        %gather3A_472 = tpu.dynamic_gather %mul3A_174[%gather3A_471] in [0] : vector<16xf32>, vector<16xi32> -> vector<16xf32>
        %mul3A_473 = arith.mulf %gather3A_472, %gather3A_456 : vector<16xf32>
        %add3A_474 = arith.addf %add3A_453, %mul3A_473 : vector<16xf32>
        %broadcast_in_dim3A_475 = arith.constant 14 : i32
        %broadcast_in_dim3A_476 = vector.broadcast %broadcast_in_dim3A_475 : i32 to vector<16xi32>
        %gather3A_477 = tpu.vector_load_idx %arg18[%broadcast_in_dim3A_476, %iota3A] : memref<64x16xf32, #tpu.memory_space<vmem>>[vector<16xi32>, vector<16xi32>], vector<16xf32>,
        %broadcast_in_dim3A_478 = arith.constant 14 : i32
        %broadcast_in_dim3A_479 = vector.broadcast %broadcast_in_dim3A_478 : i32 to vector<16x1xi32>
        %gather3A_480 = vector.shape_cast %broadcast_in_dim3A_479 : vector<16x1xi32> to vector<16xi32>
        %gather3A_481 = tpu.dynamic_gather %mul3A_170[%gather3A_480] in [0] : vector<16xf32>, vector<16xi32> -> vector<16xf32>
        %mul3A_482 = arith.mulf %gather3A_481, %gather3A_477 : vector<16xf32>
        %add3A_483 = arith.addf %add3A_462, %mul3A_482 : vector<16xf32>
        %broadcast_in_dim3A_484 = arith.constant 14 : i32
        %broadcast_in_dim3A_485 = vector.broadcast %broadcast_in_dim3A_484 : i32 to vector<16x1xi32>
        %gather3A_486 = vector.shape_cast %broadcast_in_dim3A_485 : vector<16x1xi32> to vector<16xi32>
        %gather3A_487 = tpu.dynamic_gather %mul3A_172[%gather3A_486] in [0] : vector<16xf32>, vector<16xi32> -> vector<16xf32>
        %mul3A_488 = arith.mulf %gather3A_487, %gather3A_477 : vector<16xf32>
        %add3A_489 = arith.addf %add3A_468, %mul3A_488 : vector<16xf32>
        %broadcast_in_dim3A_490 = arith.constant 14 : i32
        %broadcast_in_dim3A_491 = vector.broadcast %broadcast_in_dim3A_490 : i32 to vector<16x1xi32>
        %gather3A_492 = vector.shape_cast %broadcast_in_dim3A_491 : vector<16x1xi32> to vector<16xi32>
        %gather3A_493 = tpu.dynamic_gather %mul3A_174[%gather3A_492] in [0] : vector<16xf32>, vector<16xi32> -> vector<16xf32>
        %mul3A_494 = arith.mulf %gather3A_493, %gather3A_477 : vector<16xf32>
        %add3A_495 = arith.addf %add3A_474, %mul3A_494 : vector<16xf32>
        %broadcast_in_dim3A_496 = arith.constant 15 : i32
        %broadcast_in_dim3A_497 = vector.broadcast %broadcast_in_dim3A_496 : i32 to vector<16xi32>
        %gather3A_498 = tpu.vector_load_idx %arg18[%broadcast_in_dim3A_497, %iota3A] : memref<64x16xf32, #tpu.memory_space<vmem>>[vector<16xi32>, vector<16xi32>], vector<16xf32>,
        %broadcast_in_dim3A_499 = arith.constant 15 : i32
        %broadcast_in_dim3A_500 = vector.broadcast %broadcast_in_dim3A_499 : i32 to vector<16x1xi32>
        %gather3A_501 = vector.shape_cast %broadcast_in_dim3A_500 : vector<16x1xi32> to vector<16xi32>
        %gather3A_502 = tpu.dynamic_gather %mul3A_170[%gather3A_501] in [0] : vector<16xf32>, vector<16xi32> -> vector<16xf32>
        %mul3A_503 = arith.mulf %gather3A_502, %gather3A_498 : vector<16xf32>
        %add3A_504 = arith.addf %add3A_483, %mul3A_503 : vector<16xf32>
        %broadcast_in_dim3A_505 = arith.constant 15 : i32
        %broadcast_in_dim3A_506 = vector.broadcast %broadcast_in_dim3A_505 : i32 to vector<16x1xi32>
        %gather3A_507 = vector.shape_cast %broadcast_in_dim3A_506 : vector<16x1xi32> to vector<16xi32>
        %gather3A_508 = tpu.dynamic_gather %mul3A_172[%gather3A_507] in [0] : vector<16xf32>, vector<16xi32> -> vector<16xf32>
        %mul3A_509 = arith.mulf %gather3A_508, %gather3A_498 : vector<16xf32>
        %add3A_510 = arith.addf %add3A_489, %mul3A_509 : vector<16xf32>
        %broadcast_in_dim3A_511 = arith.constant 15 : i32
        %broadcast_in_dim3A_512 = vector.broadcast %broadcast_in_dim3A_511 : i32 to vector<16x1xi32>
        %gather3A_513 = vector.shape_cast %broadcast_in_dim3A_512 : vector<16x1xi32> to vector<16xi32>
        %gather3A_514 = tpu.dynamic_gather %mul3A_174[%gather3A_513] in [0] : vector<16xf32>, vector<16xi32> -> vector<16xf32>
        %mul3A_515 = arith.mulf %gather3A_514, %gather3A_498 : vector<16xf32>
        %add3A_516 = arith.addf %add3A_495, %mul3A_515 : vector<16xf32>
        %mul3A_517 = arith.mulf %add3A_504, %add3A_504 : vector<16xf32>
        %mul3A_518 = arith.mulf %add3A_510, %add3A_510 : vector<16xf32>
        %add3A_519 = arith.addf %mul3A_517, %mul3A_518 : vector<16xf32>
        %mul3A_520 = arith.mulf %add3A_516, %add3A_516 : vector<16xf32>
        %add3A_521 = arith.addf %add3A_519, %mul3A_520 : vector<16xf32>
        %add3A_522 = arith.constant 0 : i32
        %add3A_523 = arith.addi %mul3A_29, %add3A_522 : i32
        %mul3A_524 = arith.constant 16 : i32
        %mul3A_525 = arith.muli %add3A_523, %mul3A_524 : i32
        %swap3A = arith.index_cast %mul3A_525 : i32 to index
        %swap3A_526 = tpu.vector_load %arg19[%swap3A] {strides = array<i32>} : memref<256xf32, #tpu.memory_space<vmem>>, vector<16xf32>,
        tpu.vector_store %arg19[%swap3A], %add3A_521 {strides = array<i32>} : memref<256xf32, #tpu.memory_space<vmem>>, vector<16xf32>,
        %add3A_527 = arith.constant 9.99999993E-9 : f32
        %add3A_528 = vector.broadcast %add3A_527 : f32 to vector<16xf32>
        %add3A_529 = arith.addf %scan3A_108#1, %add3A_528 : vector<16xf32>
        %div3A_530 = arith.constant 1.000000e+00 : f32
        %div3A_531 = vector.broadcast %div3A_530 : f32 to vector<16xf32>
        %div3A_532 = arith.divf %div3A_531, %add3A_529 : vector<16xf32>
        %mul3A_533 = arith.mulf %add3A_529, %div3A_532 : vector<16xf32>
        %sub3A_534 = arith.constant 2.000000e+00 : f32
        %sub3A_535 = vector.broadcast %sub3A_534 : f32 to vector<16xf32>
        %sub3A_536 = arith.subf %sub3A_535, %mul3A_533 : vector<16xf32>
        %mul3A_537 = arith.mulf %div3A_532, %sub3A_536 : vector<16xf32>
        %mul3A_538 = arith.mulf %get3A_1, %mul3A_537 : vector<16xf32>
        %gather3A_539 = tpu.vector_load_idx %arg11[%scan3A_108#5] : memref<10048xf32, #tpu.memory_space<vmem>>[vector<16xi32>], vector<16xf32>,
        %gather3A_540 = tpu.vector_load_idx %arg12[%scan3A_108#5] : memref<10048xf32, #tpu.memory_space<vmem>>[vector<16xi32>], vector<16xf32>,
        %gather3A_541 = tpu.vector_load_idx %arg13[%scan3A_108#5] : memref<10048xf32, #tpu.memory_space<vmem>>[vector<16xi32>], vector<16xf32>,
        %sub3A_542 = arith.subf %gather3A_37, %gather3A_539 : vector<16xf32>
        %mul3A_543 = arith.mulf %mul3A_538, %sub3A_542 : vector<16xf32>
        %sub3A_544 = arith.subf %gather3A_57, %gather3A_540 : vector<16xf32>
        %mul3A_545 = arith.mulf %mul3A_538, %sub3A_544 : vector<16xf32>
        %sub3A_546 = arith.subf %gather3A_77, %gather3A_541 : vector<16xf32>
        %mul3A_547 = arith.mulf %mul3A_538, %sub3A_546 : vector<16xf32>
        %broadcast_in_dim3A_548 = arith.constant 0.000000e+00 : f32
        %broadcast_in_dim3A_549 = vector.broadcast %broadcast_in_dim3A_548 : f32 to vector<16xf32>
        %broadcast_in_dim3A_550 = arith.constant 0.000000e+00 : f32
        %broadcast_in_dim3A_551 = vector.broadcast %broadcast_in_dim3A_550 : f32 to vector<16xf32>
        %broadcast_in_dim3A_552 = arith.constant 0.000000e+00 : f32
        %broadcast_in_dim3A_553 = vector.broadcast %broadcast_in_dim3A_552 : f32 to vector<16xf32>
        %broadcast_in_dim3A_554 = arith.constant 16 : i32
        %broadcast_in_dim3A_555 = vector.broadcast %broadcast_in_dim3A_554 : i32 to vector<16xi32>
        %gather3A_556 = tpu.vector_load_idx %arg18[%broadcast_in_dim3A_555, %iota3A] : memref<64x16xf32, #tpu.memory_space<vmem>>[vector<16xi32>, vector<16xi32>], vector<16xf32>,
        %broadcast_in_dim3A_557 = arith.constant 0 : i32
        %broadcast_in_dim3A_558 = vector.broadcast %broadcast_in_dim3A_557 : i32 to vector<16x1xi32>
        %gather3A_559 = vector.shape_cast %broadcast_in_dim3A_558 : vector<16x1xi32> to vector<16xi32>
        %gather3A_560 = tpu.dynamic_gather %mul3A_543[%gather3A_559] in [0] : vector<16xf32>, vector<16xi32> -> vector<16xf32>
        %mul3A_561 = arith.mulf %gather3A_560, %gather3A_556 : vector<16xf32>
        %add3A_562 = arith.addf %broadcast_in_dim3A_549, %mul3A_561 : vector<16xf32>
        %broadcast_in_dim3A_563 = arith.constant 0 : i32
        %broadcast_in_dim3A_564 = vector.broadcast %broadcast_in_dim3A_563 : i32 to vector<16x1xi32>
        %gather3A_565 = vector.shape_cast %broadcast_in_dim3A_564 : vector<16x1xi32> to vector<16xi32>
        %gather3A_566 = tpu.dynamic_gather %mul3A_545[%gather3A_565] in [0] : vector<16xf32>, vector<16xi32> -> vector<16xf32>
        %mul3A_567 = arith.mulf %gather3A_566, %gather3A_556 : vector<16xf32>
        %add3A_568 = arith.addf %broadcast_in_dim3A_551, %mul3A_567 : vector<16xf32>
        %broadcast_in_dim3A_569 = arith.constant 0 : i32
        %broadcast_in_dim3A_570 = vector.broadcast %broadcast_in_dim3A_569 : i32 to vector<16x1xi32>
        %gather3A_571 = vector.shape_cast %broadcast_in_dim3A_570 : vector<16x1xi32> to vector<16xi32>
        %gather3A_572 = tpu.dynamic_gather %mul3A_547[%gather3A_571] in [0] : vector<16xf32>, vector<16xi32> -> vector<16xf32>
        %mul3A_573 = arith.mulf %gather3A_572, %gather3A_556 : vector<16xf32>
        %add3A_574 = arith.addf %broadcast_in_dim3A_553, %mul3A_573 : vector<16xf32>
        %broadcast_in_dim3A_575 = arith.constant 17 : i32
        %broadcast_in_dim3A_576 = vector.broadcast %broadcast_in_dim3A_575 : i32 to vector<16xi32>
        %gather3A_577 = tpu.vector_load_idx %arg18[%broadcast_in_dim3A_576, %iota3A] : memref<64x16xf32, #tpu.memory_space<vmem>>[vector<16xi32>, vector<16xi32>], vector<16xf32>,
        %broadcast_in_dim3A_578 = arith.constant 1 : i32
        %broadcast_in_dim3A_579 = vector.broadcast %broadcast_in_dim3A_578 : i32 to vector<16x1xi32>
        %gather3A_580 = vector.shape_cast %broadcast_in_dim3A_579 : vector<16x1xi32> to vector<16xi32>
        %gather3A_581 = tpu.dynamic_gather %mul3A_543[%gather3A_580] in [0] : vector<16xf32>, vector<16xi32> -> vector<16xf32>
        %mul3A_582 = arith.mulf %gather3A_581, %gather3A_577 : vector<16xf32>
        %add3A_583 = arith.addf %add3A_562, %mul3A_582 : vector<16xf32>
        %broadcast_in_dim3A_584 = arith.constant 1 : i32
        %broadcast_in_dim3A_585 = vector.broadcast %broadcast_in_dim3A_584 : i32 to vector<16x1xi32>
        %gather3A_586 = vector.shape_cast %broadcast_in_dim3A_585 : vector<16x1xi32> to vector<16xi32>
        %gather3A_587 = tpu.dynamic_gather %mul3A_545[%gather3A_586] in [0] : vector<16xf32>, vector<16xi32> -> vector<16xf32>
        %mul3A_588 = arith.mulf %gather3A_587, %gather3A_577 : vector<16xf32>
        %add3A_589 = arith.addf %add3A_568, %mul3A_588 : vector<16xf32>
        %broadcast_in_dim3A_590 = arith.constant 1 : i32
        %broadcast_in_dim3A_591 = vector.broadcast %broadcast_in_dim3A_590 : i32 to vector<16x1xi32>
        %gather3A_592 = vector.shape_cast %broadcast_in_dim3A_591 : vector<16x1xi32> to vector<16xi32>
        %gather3A_593 = tpu.dynamic_gather %mul3A_547[%gather3A_592] in [0] : vector<16xf32>, vector<16xi32> -> vector<16xf32>
        %mul3A_594 = arith.mulf %gather3A_593, %gather3A_577 : vector<16xf32>
        %add3A_595 = arith.addf %add3A_574, %mul3A_594 : vector<16xf32>
        %broadcast_in_dim3A_596 = arith.constant 18 : i32
        %broadcast_in_dim3A_597 = vector.broadcast %broadcast_in_dim3A_596 : i32 to vector<16xi32>
        %gather3A_598 = tpu.vector_load_idx %arg18[%broadcast_in_dim3A_597, %iota3A] : memref<64x16xf32, #tpu.memory_space<vmem>>[vector<16xi32>, vector<16xi32>], vector<16xf32>,
        %broadcast_in_dim3A_599 = arith.constant 2 : i32
        %broadcast_in_dim3A_600 = vector.broadcast %broadcast_in_dim3A_599 : i32 to vector<16x1xi32>
        %gather3A_601 = vector.shape_cast %broadcast_in_dim3A_600 : vector<16x1xi32> to vector<16xi32>
        %gather3A_602 = tpu.dynamic_gather %mul3A_543[%gather3A_601] in [0] : vector<16xf32>, vector<16xi32> -> vector<16xf32>
        %mul3A_603 = arith.mulf %gather3A_602, %gather3A_598 : vector<16xf32>
        %add3A_604 = arith.addf %add3A_583, %mul3A_603 : vector<16xf32>
        %broadcast_in_dim3A_605 = arith.constant 2 : i32
        %broadcast_in_dim3A_606 = vector.broadcast %broadcast_in_dim3A_605 : i32 to vector<16x1xi32>
        %gather3A_607 = vector.shape_cast %broadcast_in_dim3A_606 : vector<16x1xi32> to vector<16xi32>
        %gather3A_608 = tpu.dynamic_gather %mul3A_545[%gather3A_607] in [0] : vector<16xf32>, vector<16xi32> -> vector<16xf32>
        %mul3A_609 = arith.mulf %gather3A_608, %gather3A_598 : vector<16xf32>
        %add3A_610 = arith.addf %add3A_589, %mul3A_609 : vector<16xf32>
        %broadcast_in_dim3A_611 = arith.constant 2 : i32
        %broadcast_in_dim3A_612 = vector.broadcast %broadcast_in_dim3A_611 : i32 to vector<16x1xi32>
        %gather3A_613 = vector.shape_cast %broadcast_in_dim3A_612 : vector<16x1xi32> to vector<16xi32>
        %gather3A_614 = tpu.dynamic_gather %mul3A_547[%gather3A_613] in [0] : vector<16xf32>, vector<16xi32> -> vector<16xf32>
        %mul3A_615 = arith.mulf %gather3A_614, %gather3A_598 : vector<16xf32>
        %add3A_616 = arith.addf %add3A_595, %mul3A_615 : vector<16xf32>
        %broadcast_in_dim3A_617 = arith.constant 19 : i32
        %broadcast_in_dim3A_618 = vector.broadcast %broadcast_in_dim3A_617 : i32 to vector<16xi32>
        %gather3A_619 = tpu.vector_load_idx %arg18[%broadcast_in_dim3A_618, %iota3A] : memref<64x16xf32, #tpu.memory_space<vmem>>[vector<16xi32>, vector<16xi32>], vector<16xf32>,
        %broadcast_in_dim3A_620 = arith.constant 3 : i32
        %broadcast_in_dim3A_621 = vector.broadcast %broadcast_in_dim3A_620 : i32 to vector<16x1xi32>
        %gather3A_622 = vector.shape_cast %broadcast_in_dim3A_621 : vector<16x1xi32> to vector<16xi32>
        %gather3A_623 = tpu.dynamic_gather %mul3A_543[%gather3A_622] in [0] : vector<16xf32>, vector<16xi32> -> vector<16xf32>
        %mul3A_624 = arith.mulf %gather3A_623, %gather3A_619 : vector<16xf32>
        %add3A_625 = arith.addf %add3A_604, %mul3A_624 : vector<16xf32>
        %broadcast_in_dim3A_626 = arith.constant 3 : i32
        %broadcast_in_dim3A_627 = vector.broadcast %broadcast_in_dim3A_626 : i32 to vector<16x1xi32>
        %gather3A_628 = vector.shape_cast %broadcast_in_dim3A_627 : vector<16x1xi32> to vector<16xi32>
        %gather3A_629 = tpu.dynamic_gather %mul3A_545[%gather3A_628] in [0] : vector<16xf32>, vector<16xi32> -> vector<16xf32>
        %mul3A_630 = arith.mulf %gather3A_629, %gather3A_619 : vector<16xf32>
        %add3A_631 = arith.addf %add3A_610, %mul3A_630 : vector<16xf32>
        %broadcast_in_dim3A_632 = arith.constant 3 : i32
        %broadcast_in_dim3A_633 = vector.broadcast %broadcast_in_dim3A_632 : i32 to vector<16x1xi32>
        %gather3A_634 = vector.shape_cast %broadcast_in_dim3A_633 : vector<16x1xi32> to vector<16xi32>
        %gather3A_635 = tpu.dynamic_gather %mul3A_547[%gather3A_634] in [0] : vector<16xf32>, vector<16xi32> -> vector<16xf32>
        %mul3A_636 = arith.mulf %gather3A_635, %gather3A_619 : vector<16xf32>
        %add3A_637 = arith.addf %add3A_616, %mul3A_636 : vector<16xf32>
        %broadcast_in_dim3A_638 = arith.constant 20 : i32
        %broadcast_in_dim3A_639 = vector.broadcast %broadcast_in_dim3A_638 : i32 to vector<16xi32>
        %gather3A_640 = tpu.vector_load_idx %arg18[%broadcast_in_dim3A_639, %iota3A] : memref<64x16xf32, #tpu.memory_space<vmem>>[vector<16xi32>, vector<16xi32>], vector<16xf32>,
        %broadcast_in_dim3A_641 = arith.constant 4 : i32
        %broadcast_in_dim3A_642 = vector.broadcast %broadcast_in_dim3A_641 : i32 to vector<16x1xi32>
        %gather3A_643 = vector.shape_cast %broadcast_in_dim3A_642 : vector<16x1xi32> to vector<16xi32>
        %gather3A_644 = tpu.dynamic_gather %mul3A_543[%gather3A_643] in [0] : vector<16xf32>, vector<16xi32> -> vector<16xf32>
        %mul3A_645 = arith.mulf %gather3A_644, %gather3A_640 : vector<16xf32>
        %add3A_646 = arith.addf %add3A_625, %mul3A_645 : vector<16xf32>
        %broadcast_in_dim3A_647 = arith.constant 4 : i32
        %broadcast_in_dim3A_648 = vector.broadcast %broadcast_in_dim3A_647 : i32 to vector<16x1xi32>
        %gather3A_649 = vector.shape_cast %broadcast_in_dim3A_648 : vector<16x1xi32> to vector<16xi32>
        %gather3A_650 = tpu.dynamic_gather %mul3A_545[%gather3A_649] in [0] : vector<16xf32>, vector<16xi32> -> vector<16xf32>
        %mul3A_651 = arith.mulf %gather3A_650, %gather3A_640 : vector<16xf32>
        %add3A_652 = arith.addf %add3A_631, %mul3A_651 : vector<16xf32>
        %broadcast_in_dim3A_653 = arith.constant 4 : i32
        %broadcast_in_dim3A_654 = vector.broadcast %broadcast_in_dim3A_653 : i32 to vector<16x1xi32>
        %gather3A_655 = vector.shape_cast %broadcast_in_dim3A_654 : vector<16x1xi32> to vector<16xi32>
        %gather3A_656 = tpu.dynamic_gather %mul3A_547[%gather3A_655] in [0] : vector<16xf32>, vector<16xi32> -> vector<16xf32>
        %mul3A_657 = arith.mulf %gather3A_656, %gather3A_640 : vector<16xf32>
        %add3A_658 = arith.addf %add3A_637, %mul3A_657 : vector<16xf32>
        %broadcast_in_dim3A_659 = arith.constant 21 : i32
        %broadcast_in_dim3A_660 = vector.broadcast %broadcast_in_dim3A_659 : i32 to vector<16xi32>
        %gather3A_661 = tpu.vector_load_idx %arg18[%broadcast_in_dim3A_660, %iota3A] : memref<64x16xf32, #tpu.memory_space<vmem>>[vector<16xi32>, vector<16xi32>], vector<16xf32>,
        %broadcast_in_dim3A_662 = arith.constant 5 : i32
        %broadcast_in_dim3A_663 = vector.broadcast %broadcast_in_dim3A_662 : i32 to vector<16x1xi32>
        %gather3A_664 = vector.shape_cast %broadcast_in_dim3A_663 : vector<16x1xi32> to vector<16xi32>
        %gather3A_665 = tpu.dynamic_gather %mul3A_543[%gather3A_664] in [0] : vector<16xf32>, vector<16xi32> -> vector<16xf32>
        %mul3A_666 = arith.mulf %gather3A_665, %gather3A_661 : vector<16xf32>
        %add3A_667 = arith.addf %add3A_646, %mul3A_666 : vector<16xf32>
        %broadcast_in_dim3A_668 = arith.constant 5 : i32
        %broadcast_in_dim3A_669 = vector.broadcast %broadcast_in_dim3A_668 : i32 to vector<16x1xi32>
        %gather3A_670 = vector.shape_cast %broadcast_in_dim3A_669 : vector<16x1xi32> to vector<16xi32>
        %gather3A_671 = tpu.dynamic_gather %mul3A_545[%gather3A_670] in [0] : vector<16xf32>, vector<16xi32> -> vector<16xf32>
        %mul3A_672 = arith.mulf %gather3A_671, %gather3A_661 : vector<16xf32>
        %add3A_673 = arith.addf %add3A_652, %mul3A_672 : vector<16xf32>
        %broadcast_in_dim3A_674 = arith.constant 5 : i32
        %broadcast_in_dim3A_675 = vector.broadcast %broadcast_in_dim3A_674 : i32 to vector<16x1xi32>
        %gather3A_676 = vector.shape_cast %broadcast_in_dim3A_675 : vector<16x1xi32> to vector<16xi32>
        %gather3A_677 = tpu.dynamic_gather %mul3A_547[%gather3A_676] in [0] : vector<16xf32>, vector<16xi32> -> vector<16xf32>
        %mul3A_678 = arith.mulf %gather3A_677, %gather3A_661 : vector<16xf32>
        %add3A_679 = arith.addf %add3A_658, %mul3A_678 : vector<16xf32>
        %broadcast_in_dim3A_680 = arith.constant 22 : i32
        %broadcast_in_dim3A_681 = vector.broadcast %broadcast_in_dim3A_680 : i32 to vector<16xi32>
        %gather3A_682 = tpu.vector_load_idx %arg18[%broadcast_in_dim3A_681, %iota3A] : memref<64x16xf32, #tpu.memory_space<vmem>>[vector<16xi32>, vector<16xi32>], vector<16xf32>,
        %broadcast_in_dim3A_683 = arith.constant 6 : i32
        %broadcast_in_dim3A_684 = vector.broadcast %broadcast_in_dim3A_683 : i32 to vector<16x1xi32>
        %gather3A_685 = vector.shape_cast %broadcast_in_dim3A_684 : vector<16x1xi32> to vector<16xi32>
        %gather3A_686 = tpu.dynamic_gather %mul3A_543[%gather3A_685] in [0] : vector<16xf32>, vector<16xi32> -> vector<16xf32>
        %mul3A_687 = arith.mulf %gather3A_686, %gather3A_682 : vector<16xf32>
        %add3A_688 = arith.addf %add3A_667, %mul3A_687 : vector<16xf32>
        %broadcast_in_dim3A_689 = arith.constant 6 : i32
        %broadcast_in_dim3A_690 = vector.broadcast %broadcast_in_dim3A_689 : i32 to vector<16x1xi32>
        %gather3A_691 = vector.shape_cast %broadcast_in_dim3A_690 : vector<16x1xi32> to vector<16xi32>
        %gather3A_692 = tpu.dynamic_gather %mul3A_545[%gather3A_691] in [0] : vector<16xf32>, vector<16xi32> -> vector<16xf32>
        %mul3A_693 = arith.mulf %gather3A_692, %gather3A_682 : vector<16xf32>
        %add3A_694 = arith.addf %add3A_673, %mul3A_693 : vector<16xf32>
        %broadcast_in_dim3A_695 = arith.constant 6 : i32
        %broadcast_in_dim3A_696 = vector.broadcast %broadcast_in_dim3A_695 : i32 to vector<16x1xi32>
        %gather3A_697 = vector.shape_cast %broadcast_in_dim3A_696 : vector<16x1xi32> to vector<16xi32>
        %gather3A_698 = tpu.dynamic_gather %mul3A_547[%gather3A_697] in [0] : vector<16xf32>, vector<16xi32> -> vector<16xf32>
        %mul3A_699 = arith.mulf %gather3A_698, %gather3A_682 : vector<16xf32>
        %add3A_700 = arith.addf %add3A_679, %mul3A_699 : vector<16xf32>
        %broadcast_in_dim3A_701 = arith.constant 23 : i32
        %broadcast_in_dim3A_702 = vector.broadcast %broadcast_in_dim3A_701 : i32 to vector<16xi32>
        %gather3A_703 = tpu.vector_load_idx %arg18[%broadcast_in_dim3A_702, %iota3A] : memref<64x16xf32, #tpu.memory_space<vmem>>[vector<16xi32>, vector<16xi32>], vector<16xf32>,
        %broadcast_in_dim3A_704 = arith.constant 7 : i32
        %broadcast_in_dim3A_705 = vector.broadcast %broadcast_in_dim3A_704 : i32 to vector<16x1xi32>
        %gather3A_706 = vector.shape_cast %broadcast_in_dim3A_705 : vector<16x1xi32> to vector<16xi32>
        %gather3A_707 = tpu.dynamic_gather %mul3A_543[%gather3A_706] in [0] : vector<16xf32>, vector<16xi32> -> vector<16xf32>
        %mul3A_708 = arith.mulf %gather3A_707, %gather3A_703 : vector<16xf32>
        %add3A_709 = arith.addf %add3A_688, %mul3A_708 : vector<16xf32>
        %broadcast_in_dim3A_710 = arith.constant 7 : i32
        %broadcast_in_dim3A_711 = vector.broadcast %broadcast_in_dim3A_710 : i32 to vector<16x1xi32>
        %gather3A_712 = vector.shape_cast %broadcast_in_dim3A_711 : vector<16x1xi32> to vector<16xi32>
        %gather3A_713 = tpu.dynamic_gather %mul3A_545[%gather3A_712] in [0] : vector<16xf32>, vector<16xi32> -> vector<16xf32>
        %mul3A_714 = arith.mulf %gather3A_713, %gather3A_703 : vector<16xf32>
        %add3A_715 = arith.addf %add3A_694, %mul3A_714 : vector<16xf32>
        %broadcast_in_dim3A_716 = arith.constant 7 : i32
        %broadcast_in_dim3A_717 = vector.broadcast %broadcast_in_dim3A_716 : i32 to vector<16x1xi32>
        %gather3A_718 = vector.shape_cast %broadcast_in_dim3A_717 : vector<16x1xi32> to vector<16xi32>
        %gather3A_719 = tpu.dynamic_gather %mul3A_547[%gather3A_718] in [0] : vector<16xf32>, vector<16xi32> -> vector<16xf32>
        %mul3A_720 = arith.mulf %gather3A_719, %gather3A_703 : vector<16xf32>
        %add3A_721 = arith.addf %add3A_700, %mul3A_720 : vector<16xf32>
        %broadcast_in_dim3A_722 = arith.constant 24 : i32
        %broadcast_in_dim3A_723 = vector.broadcast %broadcast_in_dim3A_722 : i32 to vector<16xi32>
        %gather3A_724 = tpu.vector_load_idx %arg18[%broadcast_in_dim3A_723, %iota3A] : memref<64x16xf32, #tpu.memory_space<vmem>>[vector<16xi32>, vector<16xi32>], vector<16xf32>,
        %broadcast_in_dim3A_725 = arith.constant 8 : i32
        %broadcast_in_dim3A_726 = vector.broadcast %broadcast_in_dim3A_725 : i32 to vector<16x1xi32>
        %gather3A_727 = vector.shape_cast %broadcast_in_dim3A_726 : vector<16x1xi32> to vector<16xi32>
        %gather3A_728 = tpu.dynamic_gather %mul3A_543[%gather3A_727] in [0] : vector<16xf32>, vector<16xi32> -> vector<16xf32>
        %mul3A_729 = arith.mulf %gather3A_728, %gather3A_724 : vector<16xf32>
        %add3A_730 = arith.addf %add3A_709, %mul3A_729 : vector<16xf32>
        %broadcast_in_dim3A_731 = arith.constant 8 : i32
        %broadcast_in_dim3A_732 = vector.broadcast %broadcast_in_dim3A_731 : i32 to vector<16x1xi32>
        %gather3A_733 = vector.shape_cast %broadcast_in_dim3A_732 : vector<16x1xi32> to vector<16xi32>
        %gather3A_734 = tpu.dynamic_gather %mul3A_545[%gather3A_733] in [0] : vector<16xf32>, vector<16xi32> -> vector<16xf32>
        %mul3A_735 = arith.mulf %gather3A_734, %gather3A_724 : vector<16xf32>
        %add3A_736 = arith.addf %add3A_715, %mul3A_735 : vector<16xf32>
        %broadcast_in_dim3A_737 = arith.constant 8 : i32
        %broadcast_in_dim3A_738 = vector.broadcast %broadcast_in_dim3A_737 : i32 to vector<16x1xi32>
        %gather3A_739 = vector.shape_cast %broadcast_in_dim3A_738 : vector<16x1xi32> to vector<16xi32>
        %gather3A_740 = tpu.dynamic_gather %mul3A_547[%gather3A_739] in [0] : vector<16xf32>, vector<16xi32> -> vector<16xf32>
        %mul3A_741 = arith.mulf %gather3A_740, %gather3A_724 : vector<16xf32>
        %add3A_742 = arith.addf %add3A_721, %mul3A_741 : vector<16xf32>
        %broadcast_in_dim3A_743 = arith.constant 25 : i32
        %broadcast_in_dim3A_744 = vector.broadcast %broadcast_in_dim3A_743 : i32 to vector<16xi32>
        %gather3A_745 = tpu.vector_load_idx %arg18[%broadcast_in_dim3A_744, %iota3A] : memref<64x16xf32, #tpu.memory_space<vmem>>[vector<16xi32>, vector<16xi32>], vector<16xf32>,
        %broadcast_in_dim3A_746 = arith.constant 9 : i32
        %broadcast_in_dim3A_747 = vector.broadcast %broadcast_in_dim3A_746 : i32 to vector<16x1xi32>
        %gather3A_748 = vector.shape_cast %broadcast_in_dim3A_747 : vector<16x1xi32> to vector<16xi32>
        %gather3A_749 = tpu.dynamic_gather %mul3A_543[%gather3A_748] in [0] : vector<16xf32>, vector<16xi32> -> vector<16xf32>
        %mul3A_750 = arith.mulf %gather3A_749, %gather3A_745 : vector<16xf32>
        %add3A_751 = arith.addf %add3A_730, %mul3A_750 : vector<16xf32>
        %broadcast_in_dim3A_752 = arith.constant 9 : i32
        %broadcast_in_dim3A_753 = vector.broadcast %broadcast_in_dim3A_752 : i32 to vector<16x1xi32>
        %gather3A_754 = vector.shape_cast %broadcast_in_dim3A_753 : vector<16x1xi32> to vector<16xi32>
        %gather3A_755 = tpu.dynamic_gather %mul3A_545[%gather3A_754] in [0] : vector<16xf32>, vector<16xi32> -> vector<16xf32>
        %mul3A_756 = arith.mulf %gather3A_755, %gather3A_745 : vector<16xf32>
        %add3A_757 = arith.addf %add3A_736, %mul3A_756 : vector<16xf32>
        %broadcast_in_dim3A_758 = arith.constant 9 : i32
        %broadcast_in_dim3A_759 = vector.broadcast %broadcast_in_dim3A_758 : i32 to vector<16x1xi32>
        %gather3A_760 = vector.shape_cast %broadcast_in_dim3A_759 : vector<16x1xi32> to vector<16xi32>
        %gather3A_761 = tpu.dynamic_gather %mul3A_547[%gather3A_760] in [0] : vector<16xf32>, vector<16xi32> -> vector<16xf32>
        %mul3A_762 = arith.mulf %gather3A_761, %gather3A_745 : vector<16xf32>
        %add3A_763 = arith.addf %add3A_742, %mul3A_762 : vector<16xf32>
        %broadcast_in_dim3A_764 = arith.constant 26 : i32
        %broadcast_in_dim3A_765 = vector.broadcast %broadcast_in_dim3A_764 : i32 to vector<16xi32>
        %gather3A_766 = tpu.vector_load_idx %arg18[%broadcast_in_dim3A_765, %iota3A] : memref<64x16xf32, #tpu.memory_space<vmem>>[vector<16xi32>, vector<16xi32>], vector<16xf32>,
        %broadcast_in_dim3A_767 = arith.constant 10 : i32
        %broadcast_in_dim3A_768 = vector.broadcast %broadcast_in_dim3A_767 : i32 to vector<16x1xi32>
        %gather3A_769 = vector.shape_cast %broadcast_in_dim3A_768 : vector<16x1xi32> to vector<16xi32>
        %gather3A_770 = tpu.dynamic_gather %mul3A_543[%gather3A_769] in [0] : vector<16xf32>, vector<16xi32> -> vector<16xf32>
        %mul3A_771 = arith.mulf %gather3A_770, %gather3A_766 : vector<16xf32>
        %add3A_772 = arith.addf %add3A_751, %mul3A_771 : vector<16xf32>
        %broadcast_in_dim3A_773 = arith.constant 10 : i32
        %broadcast_in_dim3A_774 = vector.broadcast %broadcast_in_dim3A_773 : i32 to vector<16x1xi32>
        %gather3A_775 = vector.shape_cast %broadcast_in_dim3A_774 : vector<16x1xi32> to vector<16xi32>
        %gather3A_776 = tpu.dynamic_gather %mul3A_545[%gather3A_775] in [0] : vector<16xf32>, vector<16xi32> -> vector<16xf32>
        %mul3A_777 = arith.mulf %gather3A_776, %gather3A_766 : vector<16xf32>
        %add3A_778 = arith.addf %add3A_757, %mul3A_777 : vector<16xf32>
        %broadcast_in_dim3A_779 = arith.constant 10 : i32
        %broadcast_in_dim3A_780 = vector.broadcast %broadcast_in_dim3A_779 : i32 to vector<16x1xi32>
        %gather3A_781 = vector.shape_cast %broadcast_in_dim3A_780 : vector<16x1xi32> to vector<16xi32>
        %gather3A_782 = tpu.dynamic_gather %mul3A_547[%gather3A_781] in [0] : vector<16xf32>, vector<16xi32> -> vector<16xf32>
        %mul3A_783 = arith.mulf %gather3A_782, %gather3A_766 : vector<16xf32>
        %add3A_784 = arith.addf %add3A_763, %mul3A_783 : vector<16xf32>
        %broadcast_in_dim3A_785 = arith.constant 27 : i32
        %broadcast_in_dim3A_786 = vector.broadcast %broadcast_in_dim3A_785 : i32 to vector<16xi32>
        %gather3A_787 = tpu.vector_load_idx %arg18[%broadcast_in_dim3A_786, %iota3A] : memref<64x16xf32, #tpu.memory_space<vmem>>[vector<16xi32>, vector<16xi32>], vector<16xf32>,
        %broadcast_in_dim3A_788 = arith.constant 11 : i32
        %broadcast_in_dim3A_789 = vector.broadcast %broadcast_in_dim3A_788 : i32 to vector<16x1xi32>
        %gather3A_790 = vector.shape_cast %broadcast_in_dim3A_789 : vector<16x1xi32> to vector<16xi32>
        %gather3A_791 = tpu.dynamic_gather %mul3A_543[%gather3A_790] in [0] : vector<16xf32>, vector<16xi32> -> vector<16xf32>
        %mul3A_792 = arith.mulf %gather3A_791, %gather3A_787 : vector<16xf32>
        %add3A_793 = arith.addf %add3A_772, %mul3A_792 : vector<16xf32>
        %broadcast_in_dim3A_794 = arith.constant 11 : i32
        %broadcast_in_dim3A_795 = vector.broadcast %broadcast_in_dim3A_794 : i32 to vector<16x1xi32>
        %gather3A_796 = vector.shape_cast %broadcast_in_dim3A_795 : vector<16x1xi32> to vector<16xi32>
        %gather3A_797 = tpu.dynamic_gather %mul3A_545[%gather3A_796] in [0] : vector<16xf32>, vector<16xi32> -> vector<16xf32>
        %mul3A_798 = arith.mulf %gather3A_797, %gather3A_787 : vector<16xf32>
        %add3A_799 = arith.addf %add3A_778, %mul3A_798 : vector<16xf32>
        %broadcast_in_dim3A_800 = arith.constant 11 : i32
        %broadcast_in_dim3A_801 = vector.broadcast %broadcast_in_dim3A_800 : i32 to vector<16x1xi32>
        %gather3A_802 = vector.shape_cast %broadcast_in_dim3A_801 : vector<16x1xi32> to vector<16xi32>
        %gather3A_803 = tpu.dynamic_gather %mul3A_547[%gather3A_802] in [0] : vector<16xf32>, vector<16xi32> -> vector<16xf32>
        %mul3A_804 = arith.mulf %gather3A_803, %gather3A_787 : vector<16xf32>
        %add3A_805 = arith.addf %add3A_784, %mul3A_804 : vector<16xf32>
        %broadcast_in_dim3A_806 = arith.constant 28 : i32
        %broadcast_in_dim3A_807 = vector.broadcast %broadcast_in_dim3A_806 : i32 to vector<16xi32>
        %gather3A_808 = tpu.vector_load_idx %arg18[%broadcast_in_dim3A_807, %iota3A] : memref<64x16xf32, #tpu.memory_space<vmem>>[vector<16xi32>, vector<16xi32>], vector<16xf32>,
        %broadcast_in_dim3A_809 = arith.constant 12 : i32
        %broadcast_in_dim3A_810 = vector.broadcast %broadcast_in_dim3A_809 : i32 to vector<16x1xi32>
        %gather3A_811 = vector.shape_cast %broadcast_in_dim3A_810 : vector<16x1xi32> to vector<16xi32>
        %gather3A_812 = tpu.dynamic_gather %mul3A_543[%gather3A_811] in [0] : vector<16xf32>, vector<16xi32> -> vector<16xf32>
        %mul3A_813 = arith.mulf %gather3A_812, %gather3A_808 : vector<16xf32>
        %add3A_814 = arith.addf %add3A_793, %mul3A_813 : vector<16xf32>
        %broadcast_in_dim3A_815 = arith.constant 12 : i32
        %broadcast_in_dim3A_816 = vector.broadcast %broadcast_in_dim3A_815 : i32 to vector<16x1xi32>
        %gather3A_817 = vector.shape_cast %broadcast_in_dim3A_816 : vector<16x1xi32> to vector<16xi32>
        %gather3A_818 = tpu.dynamic_gather %mul3A_545[%gather3A_817] in [0] : vector<16xf32>, vector<16xi32> -> vector<16xf32>
        %mul3A_819 = arith.mulf %gather3A_818, %gather3A_808 : vector<16xf32>
        %add3A_820 = arith.addf %add3A_799, %mul3A_819 : vector<16xf32>
        %broadcast_in_dim3A_821 = arith.constant 12 : i32
        %broadcast_in_dim3A_822 = vector.broadcast %broadcast_in_dim3A_821 : i32 to vector<16x1xi32>
        %gather3A_823 = vector.shape_cast %broadcast_in_dim3A_822 : vector<16x1xi32> to vector<16xi32>
        %gather3A_824 = tpu.dynamic_gather %mul3A_547[%gather3A_823] in [0] : vector<16xf32>, vector<16xi32> -> vector<16xf32>
        %mul3A_825 = arith.mulf %gather3A_824, %gather3A_808 : vector<16xf32>
        %add3A_826 = arith.addf %add3A_805, %mul3A_825 : vector<16xf32>
        %broadcast_in_dim3A_827 = arith.constant 29 : i32
        %broadcast_in_dim3A_828 = vector.broadcast %broadcast_in_dim3A_827 : i32 to vector<16xi32>
        %gather3A_829 = tpu.vector_load_idx %arg18[%broadcast_in_dim3A_828, %iota3A] : memref<64x16xf32, #tpu.memory_space<vmem>>[vector<16xi32>, vector<16xi32>], vector<16xf32>,
        %broadcast_in_dim3A_830 = arith.constant 13 : i32
        %broadcast_in_dim3A_831 = vector.broadcast %broadcast_in_dim3A_830 : i32 to vector<16x1xi32>
        %gather3A_832 = vector.shape_cast %broadcast_in_dim3A_831 : vector<16x1xi32> to vector<16xi32>
        %gather3A_833 = tpu.dynamic_gather %mul3A_543[%gather3A_832] in [0] : vector<16xf32>, vector<16xi32> -> vector<16xf32>
        %mul3A_834 = arith.mulf %gather3A_833, %gather3A_829 : vector<16xf32>
        %add3A_835 = arith.addf %add3A_814, %mul3A_834 : vector<16xf32>
        %broadcast_in_dim3A_836 = arith.constant 13 : i32
        %broadcast_in_dim3A_837 = vector.broadcast %broadcast_in_dim3A_836 : i32 to vector<16x1xi32>
        %gather3A_838 = vector.shape_cast %broadcast_in_dim3A_837 : vector<16x1xi32> to vector<16xi32>
        %gather3A_839 = tpu.dynamic_gather %mul3A_545[%gather3A_838] in [0] : vector<16xf32>, vector<16xi32> -> vector<16xf32>
        %mul3A_840 = arith.mulf %gather3A_839, %gather3A_829 : vector<16xf32>
        %add3A_841 = arith.addf %add3A_820, %mul3A_840 : vector<16xf32>
        %broadcast_in_dim3A_842 = arith.constant 13 : i32
        %broadcast_in_dim3A_843 = vector.broadcast %broadcast_in_dim3A_842 : i32 to vector<16x1xi32>
        %gather3A_844 = vector.shape_cast %broadcast_in_dim3A_843 : vector<16x1xi32> to vector<16xi32>
        %gather3A_845 = tpu.dynamic_gather %mul3A_547[%gather3A_844] in [0] : vector<16xf32>, vector<16xi32> -> vector<16xf32>
        %mul3A_846 = arith.mulf %gather3A_845, %gather3A_829 : vector<16xf32>
        %add3A_847 = arith.addf %add3A_826, %mul3A_846 : vector<16xf32>
        %broadcast_in_dim3A_848 = arith.constant 30 : i32
        %broadcast_in_dim3A_849 = vector.broadcast %broadcast_in_dim3A_848 : i32 to vector<16xi32>
        %gather3A_850 = tpu.vector_load_idx %arg18[%broadcast_in_dim3A_849, %iota3A] : memref<64x16xf32, #tpu.memory_space<vmem>>[vector<16xi32>, vector<16xi32>], vector<16xf32>,
        %broadcast_in_dim3A_851 = arith.constant 14 : i32
        %broadcast_in_dim3A_852 = vector.broadcast %broadcast_in_dim3A_851 : i32 to vector<16x1xi32>
        %gather3A_853 = vector.shape_cast %broadcast_in_dim3A_852 : vector<16x1xi32> to vector<16xi32>
        %gather3A_854 = tpu.dynamic_gather %mul3A_543[%gather3A_853] in [0] : vector<16xf32>, vector<16xi32> -> vector<16xf32>
        %mul3A_855 = arith.mulf %gather3A_854, %gather3A_850 : vector<16xf32>
        %add3A_856 = arith.addf %add3A_835, %mul3A_855 : vector<16xf32>
        %broadcast_in_dim3A_857 = arith.constant 14 : i32
        %broadcast_in_dim3A_858 = vector.broadcast %broadcast_in_dim3A_857 : i32 to vector<16x1xi32>
        %gather3A_859 = vector.shape_cast %broadcast_in_dim3A_858 : vector<16x1xi32> to vector<16xi32>
        %gather3A_860 = tpu.dynamic_gather %mul3A_545[%gather3A_859] in [0] : vector<16xf32>, vector<16xi32> -> vector<16xf32>
        %mul3A_861 = arith.mulf %gather3A_860, %gather3A_850 : vector<16xf32>
        %add3A_862 = arith.addf %add3A_841, %mul3A_861 : vector<16xf32>
        %broadcast_in_dim3A_863 = arith.constant 14 : i32
        %broadcast_in_dim3A_864 = vector.broadcast %broadcast_in_dim3A_863 : i32 to vector<16x1xi32>
        %gather3A_865 = vector.shape_cast %broadcast_in_dim3A_864 : vector<16x1xi32> to vector<16xi32>
        %gather3A_866 = tpu.dynamic_gather %mul3A_547[%gather3A_865] in [0] : vector<16xf32>, vector<16xi32> -> vector<16xf32>
        %mul3A_867 = arith.mulf %gather3A_866, %gather3A_850 : vector<16xf32>
        %add3A_868 = arith.addf %add3A_847, %mul3A_867 : vector<16xf32>
        %broadcast_in_dim3A_869 = arith.constant 31 : i32
        %broadcast_in_dim3A_870 = vector.broadcast %broadcast_in_dim3A_869 : i32 to vector<16xi32>
        %gather3A_871 = tpu.vector_load_idx %arg18[%broadcast_in_dim3A_870, %iota3A] : memref<64x16xf32, #tpu.memory_space<vmem>>[vector<16xi32>, vector<16xi32>], vector<16xf32>,
        %broadcast_in_dim3A_872 = arith.constant 15 : i32
        %broadcast_in_dim3A_873 = vector.broadcast %broadcast_in_dim3A_872 : i32 to vector<16x1xi32>
        %gather3A_874 = vector.shape_cast %broadcast_in_dim3A_873 : vector<16x1xi32> to vector<16xi32>
        %gather3A_875 = tpu.dynamic_gather %mul3A_543[%gather3A_874] in [0] : vector<16xf32>, vector<16xi32> -> vector<16xf32>
        %mul3A_876 = arith.mulf %gather3A_875, %gather3A_871 : vector<16xf32>
        %add3A_877 = arith.addf %add3A_856, %mul3A_876 : vector<16xf32>
        %broadcast_in_dim3A_878 = arith.constant 15 : i32
        %broadcast_in_dim3A_879 = vector.broadcast %broadcast_in_dim3A_878 : i32 to vector<16x1xi32>
        %gather3A_880 = vector.shape_cast %broadcast_in_dim3A_879 : vector<16x1xi32> to vector<16xi32>
        %gather3A_881 = tpu.dynamic_gather %mul3A_545[%gather3A_880] in [0] : vector<16xf32>, vector<16xi32> -> vector<16xf32>
        %mul3A_882 = arith.mulf %gather3A_881, %gather3A_871 : vector<16xf32>
        %add3A_883 = arith.addf %add3A_862, %mul3A_882 : vector<16xf32>
        %broadcast_in_dim3A_884 = arith.constant 15 : i32
        %broadcast_in_dim3A_885 = vector.broadcast %broadcast_in_dim3A_884 : i32 to vector<16x1xi32>
        %gather3A_886 = vector.shape_cast %broadcast_in_dim3A_885 : vector<16x1xi32> to vector<16xi32>
        %gather3A_887 = tpu.dynamic_gather %mul3A_547[%gather3A_886] in [0] : vector<16xf32>, vector<16xi32> -> vector<16xf32>
        %mul3A_888 = arith.mulf %gather3A_887, %gather3A_871 : vector<16xf32>
        %add3A_889 = arith.addf %add3A_868, %mul3A_888 : vector<16xf32>
        %mul3A_890 = arith.mulf %add3A_877, %add3A_877 : vector<16xf32>
        %mul3A_891 = arith.mulf %add3A_883, %add3A_883 : vector<16xf32>
        %add3A_892 = arith.addf %mul3A_890, %mul3A_891 : vector<16xf32>
        %mul3A_893 = arith.mulf %add3A_889, %add3A_889 : vector<16xf32>
        %add3A_894 = arith.addf %add3A_892, %mul3A_893 : vector<16xf32>
        %add3A_895 = arith.constant 1 : i32
        %add3A_896 = arith.addi %mul3A_29, %add3A_895 : i32
        %mul3A_897 = arith.constant 16 : i32
        %mul3A_898 = arith.muli %add3A_896, %mul3A_897 : i32
        %swap3A_899 = arith.index_cast %mul3A_898 : i32 to index
        %swap3A_900 = tpu.vector_load %arg19[%swap3A_899] {strides = array<i32>} : memref<256xf32, #tpu.memory_space<vmem>>, vector<16xf32>,
        tpu.vector_store %arg19[%swap3A_899], %add3A_894 {strides = array<i32>} : memref<256xf32, #tpu.memory_space<vmem>>, vector<16xf32>,
        %add3A_901 = arith.constant 9.99999993E-9 : f32
        %add3A_902 = vector.broadcast %add3A_901 : f32 to vector<16xf32>
        %add3A_903 = arith.addf %scan3A_108#2, %add3A_902 : vector<16xf32>
        %div3A_904 = arith.constant 1.000000e+00 : f32
        %div3A_905 = vector.broadcast %div3A_904 : f32 to vector<16xf32>
        %div3A_906 = arith.divf %div3A_905, %add3A_903 : vector<16xf32>
        %mul3A_907 = arith.mulf %add3A_903, %div3A_906 : vector<16xf32>
        %sub3A_908 = arith.constant 2.000000e+00 : f32
        %sub3A_909 = vector.broadcast %sub3A_908 : f32 to vector<16xf32>
        %sub3A_910 = arith.subf %sub3A_909, %mul3A_907 : vector<16xf32>
        %mul3A_911 = arith.mulf %div3A_906, %sub3A_910 : vector<16xf32>
        %mul3A_912 = arith.mulf %get3A_1, %mul3A_911 : vector<16xf32>
        %gather3A_913 = tpu.vector_load_idx %arg11[%scan3A_108#6] : memref<10048xf32, #tpu.memory_space<vmem>>[vector<16xi32>], vector<16xf32>,
        %gather3A_914 = tpu.vector_load_idx %arg12[%scan3A_108#6] : memref<10048xf32, #tpu.memory_space<vmem>>[vector<16xi32>], vector<16xf32>,
        %gather3A_915 = tpu.vector_load_idx %arg13[%scan3A_108#6] : memref<10048xf32, #tpu.memory_space<vmem>>[vector<16xi32>], vector<16xf32>,
        %sub3A_916 = arith.subf %gather3A_42, %gather3A_913 : vector<16xf32>
        %mul3A_917 = arith.mulf %mul3A_912, %sub3A_916 : vector<16xf32>
        %sub3A_918 = arith.subf %gather3A_62, %gather3A_914 : vector<16xf32>
        %mul3A_919 = arith.mulf %mul3A_912, %sub3A_918 : vector<16xf32>
        %sub3A_920 = arith.subf %gather3A_82, %gather3A_915 : vector<16xf32>
        %mul3A_921 = arith.mulf %mul3A_912, %sub3A_920 : vector<16xf32>
        %broadcast_in_dim3A_922 = arith.constant 0.000000e+00 : f32
        %broadcast_in_dim3A_923 = vector.broadcast %broadcast_in_dim3A_922 : f32 to vector<16xf32>
        %broadcast_in_dim3A_924 = arith.constant 0.000000e+00 : f32
        %broadcast_in_dim3A_925 = vector.broadcast %broadcast_in_dim3A_924 : f32 to vector<16xf32>
        %broadcast_in_dim3A_926 = arith.constant 0.000000e+00 : f32
        %broadcast_in_dim3A_927 = vector.broadcast %broadcast_in_dim3A_926 : f32 to vector<16xf32>
        %broadcast_in_dim3A_928 = arith.constant 32 : i32
        %broadcast_in_dim3A_929 = vector.broadcast %broadcast_in_dim3A_928 : i32 to vector<16xi32>
        %gather3A_930 = tpu.vector_load_idx %arg18[%broadcast_in_dim3A_929, %iota3A] : memref<64x16xf32, #tpu.memory_space<vmem>>[vector<16xi32>, vector<16xi32>], vector<16xf32>,
        %broadcast_in_dim3A_931 = arith.constant 0 : i32
        %broadcast_in_dim3A_932 = vector.broadcast %broadcast_in_dim3A_931 : i32 to vector<16x1xi32>
        %gather3A_933 = vector.shape_cast %broadcast_in_dim3A_932 : vector<16x1xi32> to vector<16xi32>
        %gather3A_934 = tpu.dynamic_gather %mul3A_917[%gather3A_933] in [0] : vector<16xf32>, vector<16xi32> -> vector<16xf32>
        %mul3A_935 = arith.mulf %gather3A_934, %gather3A_930 : vector<16xf32>
        %add3A_936 = arith.addf %broadcast_in_dim3A_923, %mul3A_935 : vector<16xf32>
        %broadcast_in_dim3A_937 = arith.constant 0 : i32
        %broadcast_in_dim3A_938 = vector.broadcast %broadcast_in_dim3A_937 : i32 to vector<16x1xi32>
        %gather3A_939 = vector.shape_cast %broadcast_in_dim3A_938 : vector<16x1xi32> to vector<16xi32>
        %gather3A_940 = tpu.dynamic_gather %mul3A_919[%gather3A_939] in [0] : vector<16xf32>, vector<16xi32> -> vector<16xf32>
        %mul3A_941 = arith.mulf %gather3A_940, %gather3A_930 : vector<16xf32>
        %add3A_942 = arith.addf %broadcast_in_dim3A_925, %mul3A_941 : vector<16xf32>
        %broadcast_in_dim3A_943 = arith.constant 0 : i32
        %broadcast_in_dim3A_944 = vector.broadcast %broadcast_in_dim3A_943 : i32 to vector<16x1xi32>
        %gather3A_945 = vector.shape_cast %broadcast_in_dim3A_944 : vector<16x1xi32> to vector<16xi32>
        %gather3A_946 = tpu.dynamic_gather %mul3A_921[%gather3A_945] in [0] : vector<16xf32>, vector<16xi32> -> vector<16xf32>
        %mul3A_947 = arith.mulf %gather3A_946, %gather3A_930 : vector<16xf32>
        %add3A_948 = arith.addf %broadcast_in_dim3A_927, %mul3A_947 : vector<16xf32>
        %broadcast_in_dim3A_949 = arith.constant 33 : i32
        %broadcast_in_dim3A_950 = vector.broadcast %broadcast_in_dim3A_949 : i32 to vector<16xi32>
        %gather3A_951 = tpu.vector_load_idx %arg18[%broadcast_in_dim3A_950, %iota3A] : memref<64x16xf32, #tpu.memory_space<vmem>>[vector<16xi32>, vector<16xi32>], vector<16xf32>,
        %broadcast_in_dim3A_952 = arith.constant 1 : i32
        %broadcast_in_dim3A_953 = vector.broadcast %broadcast_in_dim3A_952 : i32 to vector<16x1xi32>
        %gather3A_954 = vector.shape_cast %broadcast_in_dim3A_953 : vector<16x1xi32> to vector<16xi32>
        %gather3A_955 = tpu.dynamic_gather %mul3A_917[%gather3A_954] in [0] : vector<16xf32>, vector<16xi32> -> vector<16xf32>
        %mul3A_956 = arith.mulf %gather3A_955, %gather3A_951 : vector<16xf32>
        %add3A_957 = arith.addf %add3A_936, %mul3A_956 : vector<16xf32>
        %broadcast_in_dim3A_958 = arith.constant 1 : i32
        %broadcast_in_dim3A_959 = vector.broadcast %broadcast_in_dim3A_958 : i32 to vector<16x1xi32>
        %gather3A_960 = vector.shape_cast %broadcast_in_dim3A_959 : vector<16x1xi32> to vector<16xi32>
        %gather3A_961 = tpu.dynamic_gather %mul3A_919[%gather3A_960] in [0] : vector<16xf32>, vector<16xi32> -> vector<16xf32>
        %mul3A_962 = arith.mulf %gather3A_961, %gather3A_951 : vector<16xf32>
        %add3A_963 = arith.addf %add3A_942, %mul3A_962 : vector<16xf32>
        %broadcast_in_dim3A_964 = arith.constant 1 : i32
        %broadcast_in_dim3A_965 = vector.broadcast %broadcast_in_dim3A_964 : i32 to vector<16x1xi32>
        %gather3A_966 = vector.shape_cast %broadcast_in_dim3A_965 : vector<16x1xi32> to vector<16xi32>
        %gather3A_967 = tpu.dynamic_gather %mul3A_921[%gather3A_966] in [0] : vector<16xf32>, vector<16xi32> -> vector<16xf32>
        %mul3A_968 = arith.mulf %gather3A_967, %gather3A_951 : vector<16xf32>
        %add3A_969 = arith.addf %add3A_948, %mul3A_968 : vector<16xf32>
        %broadcast_in_dim3A_970 = arith.constant 34 : i32
        %broadcast_in_dim3A_971 = vector.broadcast %broadcast_in_dim3A_970 : i32 to vector<16xi32>
        %gather3A_972 = tpu.vector_load_idx %arg18[%broadcast_in_dim3A_971, %iota3A] : memref<64x16xf32, #tpu.memory_space<vmem>>[vector<16xi32>, vector<16xi32>], vector<16xf32>,
        %broadcast_in_dim3A_973 = arith.constant 2 : i32
        %broadcast_in_dim3A_974 = vector.broadcast %broadcast_in_dim3A_973 : i32 to vector<16x1xi32>
        %gather3A_975 = vector.shape_cast %broadcast_in_dim3A_974 : vector<16x1xi32> to vector<16xi32>
        %gather3A_976 = tpu.dynamic_gather %mul3A_917[%gather3A_975] in [0] : vector<16xf32>, vector<16xi32> -> vector<16xf32>
        %mul3A_977 = arith.mulf %gather3A_976, %gather3A_972 : vector<16xf32>
        %add3A_978 = arith.addf %add3A_957, %mul3A_977 : vector<16xf32>
        %broadcast_in_dim3A_979 = arith.constant 2 : i32
        %broadcast_in_dim3A_980 = vector.broadcast %broadcast_in_dim3A_979 : i32 to vector<16x1xi32>
        %gather3A_981 = vector.shape_cast %broadcast_in_dim3A_980 : vector<16x1xi32> to vector<16xi32>
        %gather3A_982 = tpu.dynamic_gather %mul3A_919[%gather3A_981] in [0] : vector<16xf32>, vector<16xi32> -> vector<16xf32>
        %mul3A_983 = arith.mulf %gather3A_982, %gather3A_972 : vector<16xf32>
        %add3A_984 = arith.addf %add3A_963, %mul3A_983 : vector<16xf32>
        %broadcast_in_dim3A_985 = arith.constant 2 : i32
        %broadcast_in_dim3A_986 = vector.broadcast %broadcast_in_dim3A_985 : i32 to vector<16x1xi32>
        %gather3A_987 = vector.shape_cast %broadcast_in_dim3A_986 : vector<16x1xi32> to vector<16xi32>
        %gather3A_988 = tpu.dynamic_gather %mul3A_921[%gather3A_987] in [0] : vector<16xf32>, vector<16xi32> -> vector<16xf32>
        %mul3A_989 = arith.mulf %gather3A_988, %gather3A_972 : vector<16xf32>
        %add3A_990 = arith.addf %add3A_969, %mul3A_989 : vector<16xf32>
        %broadcast_in_dim3A_991 = arith.constant 35 : i32
        %broadcast_in_dim3A_992 = vector.broadcast %broadcast_in_dim3A_991 : i32 to vector<16xi32>
        %gather3A_993 = tpu.vector_load_idx %arg18[%broadcast_in_dim3A_992, %iota3A] : memref<64x16xf32, #tpu.memory_space<vmem>>[vector<16xi32>, vector<16xi32>], vector<16xf32>,
        %broadcast_in_dim3A_994 = arith.constant 3 : i32
        %broadcast_in_dim3A_995 = vector.broadcast %broadcast_in_dim3A_994 : i32 to vector<16x1xi32>
        %gather3A_996 = vector.shape_cast %broadcast_in_dim3A_995 : vector<16x1xi32> to vector<16xi32>
        %gather3A_997 = tpu.dynamic_gather %mul3A_917[%gather3A_996] in [0] : vector<16xf32>, vector<16xi32> -> vector<16xf32>
        %mul3A_998 = arith.mulf %gather3A_997, %gather3A_993 : vector<16xf32>
        %add3A_999 = arith.addf %add3A_978, %mul3A_998 : vector<16xf32>
        %broadcast_in_dim3A_1000 = arith.constant 3 : i32
        %broadcast_in_dim3A_1001 = vector.broadcast %broadcast_in_dim3A_1000 : i32 to vector<16x1xi32>
        %gather3A_1002 = vector.shape_cast %broadcast_in_dim3A_1001 : vector<16x1xi32> to vector<16xi32>
        %gather3A_1003 = tpu.dynamic_gather %mul3A_919[%gather3A_1002] in [0] : vector<16xf32>, vector<16xi32> -> vector<16xf32>
        %mul3A_1004 = arith.mulf %gather3A_1003, %gather3A_993 : vector<16xf32>
        %add3A_1005 = arith.addf %add3A_984, %mul3A_1004 : vector<16xf32>
        %broadcast_in_dim3A_1006 = arith.constant 3 : i32
        %broadcast_in_dim3A_1007 = vector.broadcast %broadcast_in_dim3A_1006 : i32 to vector<16x1xi32>
        %gather3A_1008 = vector.shape_cast %broadcast_in_dim3A_1007 : vector<16x1xi32> to vector<16xi32>
        %gather3A_1009 = tpu.dynamic_gather %mul3A_921[%gather3A_1008] in [0] : vector<16xf32>, vector<16xi32> -> vector<16xf32>
        %mul3A_1010 = arith.mulf %gather3A_1009, %gather3A_993 : vector<16xf32>
        %add3A_1011 = arith.addf %add3A_990, %mul3A_1010 : vector<16xf32>
        %broadcast_in_dim3A_1012 = arith.constant 36 : i32
        %broadcast_in_dim3A_1013 = vector.broadcast %broadcast_in_dim3A_1012 : i32 to vector<16xi32>
        %gather3A_1014 = tpu.vector_load_idx %arg18[%broadcast_in_dim3A_1013, %iota3A] : memref<64x16xf32, #tpu.memory_space<vmem>>[vector<16xi32>, vector<16xi32>], vector<16xf32>,
        %broadcast_in_dim3A_1015 = arith.constant 4 : i32
        %broadcast_in_dim3A_1016 = vector.broadcast %broadcast_in_dim3A_1015 : i32 to vector<16x1xi32>
        %gather3A_1017 = vector.shape_cast %broadcast_in_dim3A_1016 : vector<16x1xi32> to vector<16xi32>
        %gather3A_1018 = tpu.dynamic_gather %mul3A_917[%gather3A_1017] in [0] : vector<16xf32>, vector<16xi32> -> vector<16xf32>
        %mul3A_1019 = arith.mulf %gather3A_1018, %gather3A_1014 : vector<16xf32>
        %add3A_1020 = arith.addf %add3A_999, %mul3A_1019 : vector<16xf32>
        %broadcast_in_dim3A_1021 = arith.constant 4 : i32
        %broadcast_in_dim3A_1022 = vector.broadcast %broadcast_in_dim3A_1021 : i32 to vector<16x1xi32>
        %gather3A_1023 = vector.shape_cast %broadcast_in_dim3A_1022 : vector<16x1xi32> to vector<16xi32>
        %gather3A_1024 = tpu.dynamic_gather %mul3A_919[%gather3A_1023] in [0] : vector<16xf32>, vector<16xi32> -> vector<16xf32>
        %mul3A_1025 = arith.mulf %gather3A_1024, %gather3A_1014 : vector<16xf32>
        %add3A_1026 = arith.addf %add3A_1005, %mul3A_1025 : vector<16xf32>
        %broadcast_in_dim3A_1027 = arith.constant 4 : i32
        %broadcast_in_dim3A_1028 = vector.broadcast %broadcast_in_dim3A_1027 : i32 to vector<16x1xi32>
        %gather3A_1029 = vector.shape_cast %broadcast_in_dim3A_1028 : vector<16x1xi32> to vector<16xi32>
        %gather3A_1030 = tpu.dynamic_gather %mul3A_921[%gather3A_1029] in [0] : vector<16xf32>, vector<16xi32> -> vector<16xf32>
        %mul3A_1031 = arith.mulf %gather3A_1030, %gather3A_1014 : vector<16xf32>
        %add3A_1032 = arith.addf %add3A_1011, %mul3A_1031 : vector<16xf32>
        %broadcast_in_dim3A_1033 = arith.constant 37 : i32
        %broadcast_in_dim3A_1034 = vector.broadcast %broadcast_in_dim3A_1033 : i32 to vector<16xi32>
        %gather3A_1035 = tpu.vector_load_idx %arg18[%broadcast_in_dim3A_1034, %iota3A] : memref<64x16xf32, #tpu.memory_space<vmem>>[vector<16xi32>, vector<16xi32>], vector<16xf32>,
        %broadcast_in_dim3A_1036 = arith.constant 5 : i32
        %broadcast_in_dim3A_1037 = vector.broadcast %broadcast_in_dim3A_1036 : i32 to vector<16x1xi32>
        %gather3A_1038 = vector.shape_cast %broadcast_in_dim3A_1037 : vector<16x1xi32> to vector<16xi32>
        %gather3A_1039 = tpu.dynamic_gather %mul3A_917[%gather3A_1038] in [0] : vector<16xf32>, vector<16xi32> -> vector<16xf32>
        %mul3A_1040 = arith.mulf %gather3A_1039, %gather3A_1035 : vector<16xf32>
        %add3A_1041 = arith.addf %add3A_1020, %mul3A_1040 : vector<16xf32>
        %broadcast_in_dim3A_1042 = arith.constant 5 : i32
        %broadcast_in_dim3A_1043 = vector.broadcast %broadcast_in_dim3A_1042 : i32 to vector<16x1xi32>
        %gather3A_1044 = vector.shape_cast %broadcast_in_dim3A_1043 : vector<16x1xi32> to vector<16xi32>
        %gather3A_1045 = tpu.dynamic_gather %mul3A_919[%gather3A_1044] in [0] : vector<16xf32>, vector<16xi32> -> vector<16xf32>
        %mul3A_1046 = arith.mulf %gather3A_1045, %gather3A_1035 : vector<16xf32>
        %add3A_1047 = arith.addf %add3A_1026, %mul3A_1046 : vector<16xf32>
        %broadcast_in_dim3A_1048 = arith.constant 5 : i32
        %broadcast_in_dim3A_1049 = vector.broadcast %broadcast_in_dim3A_1048 : i32 to vector<16x1xi32>
        %gather3A_1050 = vector.shape_cast %broadcast_in_dim3A_1049 : vector<16x1xi32> to vector<16xi32>
        %gather3A_1051 = tpu.dynamic_gather %mul3A_921[%gather3A_1050] in [0] : vector<16xf32>, vector<16xi32> -> vector<16xf32>
        %mul3A_1052 = arith.mulf %gather3A_1051, %gather3A_1035 : vector<16xf32>
        %add3A_1053 = arith.addf %add3A_1032, %mul3A_1052 : vector<16xf32>
        %broadcast_in_dim3A_1054 = arith.constant 38 : i32
        %broadcast_in_dim3A_1055 = vector.broadcast %broadcast_in_dim3A_1054 : i32 to vector<16xi32>
        %gather3A_1056 = tpu.vector_load_idx %arg18[%broadcast_in_dim3A_1055, %iota3A] : memref<64x16xf32, #tpu.memory_space<vmem>>[vector<16xi32>, vector<16xi32>], vector<16xf32>,
        %broadcast_in_dim3A_1057 = arith.constant 6 : i32
        %broadcast_in_dim3A_1058 = vector.broadcast %broadcast_in_dim3A_1057 : i32 to vector<16x1xi32>
        %gather3A_1059 = vector.shape_cast %broadcast_in_dim3A_1058 : vector<16x1xi32> to vector<16xi32>
        %gather3A_1060 = tpu.dynamic_gather %mul3A_917[%gather3A_1059] in [0] : vector<16xf32>, vector<16xi32> -> vector<16xf32>
        %mul3A_1061 = arith.mulf %gather3A_1060, %gather3A_1056 : vector<16xf32>
        %add3A_1062 = arith.addf %add3A_1041, %mul3A_1061 : vector<16xf32>
        %broadcast_in_dim3A_1063 = arith.constant 6 : i32
        %broadcast_in_dim3A_1064 = vector.broadcast %broadcast_in_dim3A_1063 : i32 to vector<16x1xi32>
        %gather3A_1065 = vector.shape_cast %broadcast_in_dim3A_1064 : vector<16x1xi32> to vector<16xi32>
        %gather3A_1066 = tpu.dynamic_gather %mul3A_919[%gather3A_1065] in [0] : vector<16xf32>, vector<16xi32> -> vector<16xf32>
        %mul3A_1067 = arith.mulf %gather3A_1066, %gather3A_1056 : vector<16xf32>
        %add3A_1068 = arith.addf %add3A_1047, %mul3A_1067 : vector<16xf32>
        %broadcast_in_dim3A_1069 = arith.constant 6 : i32
        %broadcast_in_dim3A_1070 = vector.broadcast %broadcast_in_dim3A_1069 : i32 to vector<16x1xi32>
        %gather3A_1071 = vector.shape_cast %broadcast_in_dim3A_1070 : vector<16x1xi32> to vector<16xi32>
        %gather3A_1072 = tpu.dynamic_gather %mul3A_921[%gather3A_1071] in [0] : vector<16xf32>, vector<16xi32> -> vector<16xf32>
        %mul3A_1073 = arith.mulf %gather3A_1072, %gather3A_1056 : vector<16xf32>
        %add3A_1074 = arith.addf %add3A_1053, %mul3A_1073 : vector<16xf32>
        %broadcast_in_dim3A_1075 = arith.constant 39 : i32
        %broadcast_in_dim3A_1076 = vector.broadcast %broadcast_in_dim3A_1075 : i32 to vector<16xi32>
        %gather3A_1077 = tpu.vector_load_idx %arg18[%broadcast_in_dim3A_1076, %iota3A] : memref<64x16xf32, #tpu.memory_space<vmem>>[vector<16xi32>, vector<16xi32>], vector<16xf32>,
        %broadcast_in_dim3A_1078 = arith.constant 7 : i32
        %broadcast_in_dim3A_1079 = vector.broadcast %broadcast_in_dim3A_1078 : i32 to vector<16x1xi32>
        %gather3A_1080 = vector.shape_cast %broadcast_in_dim3A_1079 : vector<16x1xi32> to vector<16xi32>
        %gather3A_1081 = tpu.dynamic_gather %mul3A_917[%gather3A_1080] in [0] : vector<16xf32>, vector<16xi32> -> vector<16xf32>
        %mul3A_1082 = arith.mulf %gather3A_1081, %gather3A_1077 : vector<16xf32>
        %add3A_1083 = arith.addf %add3A_1062, %mul3A_1082 : vector<16xf32>
        %broadcast_in_dim3A_1084 = arith.constant 7 : i32
        %broadcast_in_dim3A_1085 = vector.broadcast %broadcast_in_dim3A_1084 : i32 to vector<16x1xi32>
        %gather3A_1086 = vector.shape_cast %broadcast_in_dim3A_1085 : vector<16x1xi32> to vector<16xi32>
        %gather3A_1087 = tpu.dynamic_gather %mul3A_919[%gather3A_1086] in [0] : vector<16xf32>, vector<16xi32> -> vector<16xf32>
        %mul3A_1088 = arith.mulf %gather3A_1087, %gather3A_1077 : vector<16xf32>
        %add3A_1089 = arith.addf %add3A_1068, %mul3A_1088 : vector<16xf32>
        %broadcast_in_dim3A_1090 = arith.constant 7 : i32
        %broadcast_in_dim3A_1091 = vector.broadcast %broadcast_in_dim3A_1090 : i32 to vector<16x1xi32>
        %gather3A_1092 = vector.shape_cast %broadcast_in_dim3A_1091 : vector<16x1xi32> to vector<16xi32>
        %gather3A_1093 = tpu.dynamic_gather %mul3A_921[%gather3A_1092] in [0] : vector<16xf32>, vector<16xi32> -> vector<16xf32>
        %mul3A_1094 = arith.mulf %gather3A_1093, %gather3A_1077 : vector<16xf32>
        %add3A_1095 = arith.addf %add3A_1074, %mul3A_1094 : vector<16xf32>
        %broadcast_in_dim3A_1096 = arith.constant 40 : i32
        %broadcast_in_dim3A_1097 = vector.broadcast %broadcast_in_dim3A_1096 : i32 to vector<16xi32>
        %gather3A_1098 = tpu.vector_load_idx %arg18[%broadcast_in_dim3A_1097, %iota3A] : memref<64x16xf32, #tpu.memory_space<vmem>>[vector<16xi32>, vector<16xi32>], vector<16xf32>,
        %broadcast_in_dim3A_1099 = arith.constant 8 : i32
        %broadcast_in_dim3A_1100 = vector.broadcast %broadcast_in_dim3A_1099 : i32 to vector<16x1xi32>
        %gather3A_1101 = vector.shape_cast %broadcast_in_dim3A_1100 : vector<16x1xi32> to vector<16xi32>
        %gather3A_1102 = tpu.dynamic_gather %mul3A_917[%gather3A_1101] in [0] : vector<16xf32>, vector<16xi32> -> vector<16xf32>
        %mul3A_1103 = arith.mulf %gather3A_1102, %gather3A_1098 : vector<16xf32>
        %add3A_1104 = arith.addf %add3A_1083, %mul3A_1103 : vector<16xf32>
        %broadcast_in_dim3A_1105 = arith.constant 8 : i32
        %broadcast_in_dim3A_1106 = vector.broadcast %broadcast_in_dim3A_1105 : i32 to vector<16x1xi32>
        %gather3A_1107 = vector.shape_cast %broadcast_in_dim3A_1106 : vector<16x1xi32> to vector<16xi32>
        %gather3A_1108 = tpu.dynamic_gather %mul3A_919[%gather3A_1107] in [0] : vector<16xf32>, vector<16xi32> -> vector<16xf32>
        %mul3A_1109 = arith.mulf %gather3A_1108, %gather3A_1098 : vector<16xf32>
        %add3A_1110 = arith.addf %add3A_1089, %mul3A_1109 : vector<16xf32>
        %broadcast_in_dim3A_1111 = arith.constant 8 : i32
        %broadcast_in_dim3A_1112 = vector.broadcast %broadcast_in_dim3A_1111 : i32 to vector<16x1xi32>
        %gather3A_1113 = vector.shape_cast %broadcast_in_dim3A_1112 : vector<16x1xi32> to vector<16xi32>
        %gather3A_1114 = tpu.dynamic_gather %mul3A_921[%gather3A_1113] in [0] : vector<16xf32>, vector<16xi32> -> vector<16xf32>
        %mul3A_1115 = arith.mulf %gather3A_1114, %gather3A_1098 : vector<16xf32>
        %add3A_1116 = arith.addf %add3A_1095, %mul3A_1115 : vector<16xf32>
        %broadcast_in_dim3A_1117 = arith.constant 41 : i32
        %broadcast_in_dim3A_1118 = vector.broadcast %broadcast_in_dim3A_1117 : i32 to vector<16xi32>
        %gather3A_1119 = tpu.vector_load_idx %arg18[%broadcast_in_dim3A_1118, %iota3A] : memref<64x16xf32, #tpu.memory_space<vmem>>[vector<16xi32>, vector<16xi32>], vector<16xf32>,
        %broadcast_in_dim3A_1120 = arith.constant 9 : i32
        %broadcast_in_dim3A_1121 = vector.broadcast %broadcast_in_dim3A_1120 : i32 to vector<16x1xi32>
        %gather3A_1122 = vector.shape_cast %broadcast_in_dim3A_1121 : vector<16x1xi32> to vector<16xi32>
        %gather3A_1123 = tpu.dynamic_gather %mul3A_917[%gather3A_1122] in [0] : vector<16xf32>, vector<16xi32> -> vector<16xf32>
        %mul3A_1124 = arith.mulf %gather3A_1123, %gather3A_1119 : vector<16xf32>
        %add3A_1125 = arith.addf %add3A_1104, %mul3A_1124 : vector<16xf32>
        %broadcast_in_dim3A_1126 = arith.constant 9 : i32
        %broadcast_in_dim3A_1127 = vector.broadcast %broadcast_in_dim3A_1126 : i32 to vector<16x1xi32>
        %gather3A_1128 = vector.shape_cast %broadcast_in_dim3A_1127 : vector<16x1xi32> to vector<16xi32>
        %gather3A_1129 = tpu.dynamic_gather %mul3A_919[%gather3A_1128] in [0] : vector<16xf32>, vector<16xi32> -> vector<16xf32>
        %mul3A_1130 = arith.mulf %gather3A_1129, %gather3A_1119 : vector<16xf32>
        %add3A_1131 = arith.addf %add3A_1110, %mul3A_1130 : vector<16xf32>
        %broadcast_in_dim3A_1132 = arith.constant 9 : i32
        %broadcast_in_dim3A_1133 = vector.broadcast %broadcast_in_dim3A_1132 : i32 to vector<16x1xi32>
        %gather3A_1134 = vector.shape_cast %broadcast_in_dim3A_1133 : vector<16x1xi32> to vector<16xi32>
        %gather3A_1135 = tpu.dynamic_gather %mul3A_921[%gather3A_1134] in [0] : vector<16xf32>, vector<16xi32> -> vector<16xf32>
        %mul3A_1136 = arith.mulf %gather3A_1135, %gather3A_1119 : vector<16xf32>
        %add3A_1137 = arith.addf %add3A_1116, %mul3A_1136 : vector<16xf32>
        %broadcast_in_dim3A_1138 = arith.constant 42 : i32
        %broadcast_in_dim3A_1139 = vector.broadcast %broadcast_in_dim3A_1138 : i32 to vector<16xi32>
        %gather3A_1140 = tpu.vector_load_idx %arg18[%broadcast_in_dim3A_1139, %iota3A] : memref<64x16xf32, #tpu.memory_space<vmem>>[vector<16xi32>, vector<16xi32>], vector<16xf32>,
        %broadcast_in_dim3A_1141 = arith.constant 10 : i32
        %broadcast_in_dim3A_1142 = vector.broadcast %broadcast_in_dim3A_1141 : i32 to vector<16x1xi32>
        %gather3A_1143 = vector.shape_cast %broadcast_in_dim3A_1142 : vector<16x1xi32> to vector<16xi32>
        %gather3A_1144 = tpu.dynamic_gather %mul3A_917[%gather3A_1143] in [0] : vector<16xf32>, vector<16xi32> -> vector<16xf32>
        %mul3A_1145 = arith.mulf %gather3A_1144, %gather3A_1140 : vector<16xf32>
        %add3A_1146 = arith.addf %add3A_1125, %mul3A_1145 : vector<16xf32>
        %broadcast_in_dim3A_1147 = arith.constant 10 : i32
        %broadcast_in_dim3A_1148 = vector.broadcast %broadcast_in_dim3A_1147 : i32 to vector<16x1xi32>
        %gather3A_1149 = vector.shape_cast %broadcast_in_dim3A_1148 : vector<16x1xi32> to vector<16xi32>
        %gather3A_1150 = tpu.dynamic_gather %mul3A_919[%gather3A_1149] in [0] : vector<16xf32>, vector<16xi32> -> vector<16xf32>
        %mul3A_1151 = arith.mulf %gather3A_1150, %gather3A_1140 : vector<16xf32>
        %add3A_1152 = arith.addf %add3A_1131, %mul3A_1151 : vector<16xf32>
        %broadcast_in_dim3A_1153 = arith.constant 10 : i32
        %broadcast_in_dim3A_1154 = vector.broadcast %broadcast_in_dim3A_1153 : i32 to vector<16x1xi32>
        %gather3A_1155 = vector.shape_cast %broadcast_in_dim3A_1154 : vector<16x1xi32> to vector<16xi32>
        %gather3A_1156 = tpu.dynamic_gather %mul3A_921[%gather3A_1155] in [0] : vector<16xf32>, vector<16xi32> -> vector<16xf32>
        %mul3A_1157 = arith.mulf %gather3A_1156, %gather3A_1140 : vector<16xf32>
        %add3A_1158 = arith.addf %add3A_1137, %mul3A_1157 : vector<16xf32>
        %broadcast_in_dim3A_1159 = arith.constant 43 : i32
        %broadcast_in_dim3A_1160 = vector.broadcast %broadcast_in_dim3A_1159 : i32 to vector<16xi32>
        %gather3A_1161 = tpu.vector_load_idx %arg18[%broadcast_in_dim3A_1160, %iota3A] : memref<64x16xf32, #tpu.memory_space<vmem>>[vector<16xi32>, vector<16xi32>], vector<16xf32>,
        %broadcast_in_dim3A_1162 = arith.constant 11 : i32
        %broadcast_in_dim3A_1163 = vector.broadcast %broadcast_in_dim3A_1162 : i32 to vector<16x1xi32>
        %gather3A_1164 = vector.shape_cast %broadcast_in_dim3A_1163 : vector<16x1xi32> to vector<16xi32>
        %gather3A_1165 = tpu.dynamic_gather %mul3A_917[%gather3A_1164] in [0] : vector<16xf32>, vector<16xi32> -> vector<16xf32>
        %mul3A_1166 = arith.mulf %gather3A_1165, %gather3A_1161 : vector<16xf32>
        %add3A_1167 = arith.addf %add3A_1146, %mul3A_1166 : vector<16xf32>
        %broadcast_in_dim3A_1168 = arith.constant 11 : i32
        %broadcast_in_dim3A_1169 = vector.broadcast %broadcast_in_dim3A_1168 : i32 to vector<16x1xi32>
        %gather3A_1170 = vector.shape_cast %broadcast_in_dim3A_1169 : vector<16x1xi32> to vector<16xi32>
        %gather3A_1171 = tpu.dynamic_gather %mul3A_919[%gather3A_1170] in [0] : vector<16xf32>, vector<16xi32> -> vector<16xf32>
        %mul3A_1172 = arith.mulf %gather3A_1171, %gather3A_1161 : vector<16xf32>
        %add3A_1173 = arith.addf %add3A_1152, %mul3A_1172 : vector<16xf32>
        %broadcast_in_dim3A_1174 = arith.constant 11 : i32
        %broadcast_in_dim3A_1175 = vector.broadcast %broadcast_in_dim3A_1174 : i32 to vector<16x1xi32>
        %gather3A_1176 = vector.shape_cast %broadcast_in_dim3A_1175 : vector<16x1xi32> to vector<16xi32>
        %gather3A_1177 = tpu.dynamic_gather %mul3A_921[%gather3A_1176] in [0] : vector<16xf32>, vector<16xi32> -> vector<16xf32>
        %mul3A_1178 = arith.mulf %gather3A_1177, %gather3A_1161 : vector<16xf32>
        %add3A_1179 = arith.addf %add3A_1158, %mul3A_1178 : vector<16xf32>
        %broadcast_in_dim3A_1180 = arith.constant 44 : i32
        %broadcast_in_dim3A_1181 = vector.broadcast %broadcast_in_dim3A_1180 : i32 to vector<16xi32>
        %gather3A_1182 = tpu.vector_load_idx %arg18[%broadcast_in_dim3A_1181, %iota3A] : memref<64x16xf32, #tpu.memory_space<vmem>>[vector<16xi32>, vector<16xi32>], vector<16xf32>,
        %broadcast_in_dim3A_1183 = arith.constant 12 : i32
        %broadcast_in_dim3A_1184 = vector.broadcast %broadcast_in_dim3A_1183 : i32 to vector<16x1xi32>
        %gather3A_1185 = vector.shape_cast %broadcast_in_dim3A_1184 : vector<16x1xi32> to vector<16xi32>
        %gather3A_1186 = tpu.dynamic_gather %mul3A_917[%gather3A_1185] in [0] : vector<16xf32>, vector<16xi32> -> vector<16xf32>
        %mul3A_1187 = arith.mulf %gather3A_1186, %gather3A_1182 : vector<16xf32>
        %add3A_1188 = arith.addf %add3A_1167, %mul3A_1187 : vector<16xf32>
        %broadcast_in_dim3A_1189 = arith.constant 12 : i32
        %broadcast_in_dim3A_1190 = vector.broadcast %broadcast_in_dim3A_1189 : i32 to vector<16x1xi32>
        %gather3A_1191 = vector.shape_cast %broadcast_in_dim3A_1190 : vector<16x1xi32> to vector<16xi32>
        %gather3A_1192 = tpu.dynamic_gather %mul3A_919[%gather3A_1191] in [0] : vector<16xf32>, vector<16xi32> -> vector<16xf32>
        %mul3A_1193 = arith.mulf %gather3A_1192, %gather3A_1182 : vector<16xf32>
        %add3A_1194 = arith.addf %add3A_1173, %mul3A_1193 : vector<16xf32>
        %broadcast_in_dim3A_1195 = arith.constant 12 : i32
        %broadcast_in_dim3A_1196 = vector.broadcast %broadcast_in_dim3A_1195 : i32 to vector<16x1xi32>
        %gather3A_1197 = vector.shape_cast %broadcast_in_dim3A_1196 : vector<16x1xi32> to vector<16xi32>
        %gather3A_1198 = tpu.dynamic_gather %mul3A_921[%gather3A_1197] in [0] : vector<16xf32>, vector<16xi32> -> vector<16xf32>
        %mul3A_1199 = arith.mulf %gather3A_1198, %gather3A_1182 : vector<16xf32>
        %add3A_1200 = arith.addf %add3A_1179, %mul3A_1199 : vector<16xf32>
        %broadcast_in_dim3A_1201 = arith.constant 45 : i32
        %broadcast_in_dim3A_1202 = vector.broadcast %broadcast_in_dim3A_1201 : i32 to vector<16xi32>
        %gather3A_1203 = tpu.vector_load_idx %arg18[%broadcast_in_dim3A_1202, %iota3A] : memref<64x16xf32, #tpu.memory_space<vmem>>[vector<16xi32>, vector<16xi32>], vector<16xf32>,
        %broadcast_in_dim3A_1204 = arith.constant 13 : i32
        %broadcast_in_dim3A_1205 = vector.broadcast %broadcast_in_dim3A_1204 : i32 to vector<16x1xi32>
        %gather3A_1206 = vector.shape_cast %broadcast_in_dim3A_1205 : vector<16x1xi32> to vector<16xi32>
        %gather3A_1207 = tpu.dynamic_gather %mul3A_917[%gather3A_1206] in [0] : vector<16xf32>, vector<16xi32> -> vector<16xf32>
        %mul3A_1208 = arith.mulf %gather3A_1207, %gather3A_1203 : vector<16xf32>
        %add3A_1209 = arith.addf %add3A_1188, %mul3A_1208 : vector<16xf32>
        %broadcast_in_dim3A_1210 = arith.constant 13 : i32
        %broadcast_in_dim3A_1211 = vector.broadcast %broadcast_in_dim3A_1210 : i32 to vector<16x1xi32>
        %gather3A_1212 = vector.shape_cast %broadcast_in_dim3A_1211 : vector<16x1xi32> to vector<16xi32>
        %gather3A_1213 = tpu.dynamic_gather %mul3A_919[%gather3A_1212] in [0] : vector<16xf32>, vector<16xi32> -> vector<16xf32>
        %mul3A_1214 = arith.mulf %gather3A_1213, %gather3A_1203 : vector<16xf32>
        %add3A_1215 = arith.addf %add3A_1194, %mul3A_1214 : vector<16xf32>
        %broadcast_in_dim3A_1216 = arith.constant 13 : i32
        %broadcast_in_dim3A_1217 = vector.broadcast %broadcast_in_dim3A_1216 : i32 to vector<16x1xi32>
        %gather3A_1218 = vector.shape_cast %broadcast_in_dim3A_1217 : vector<16x1xi32> to vector<16xi32>
        %gather3A_1219 = tpu.dynamic_gather %mul3A_921[%gather3A_1218] in [0] : vector<16xf32>, vector<16xi32> -> vector<16xf32>
        %mul3A_1220 = arith.mulf %gather3A_1219, %gather3A_1203 : vector<16xf32>
        %add3A_1221 = arith.addf %add3A_1200, %mul3A_1220 : vector<16xf32>
        %broadcast_in_dim3A_1222 = arith.constant 46 : i32
        %broadcast_in_dim3A_1223 = vector.broadcast %broadcast_in_dim3A_1222 : i32 to vector<16xi32>
        %gather3A_1224 = tpu.vector_load_idx %arg18[%broadcast_in_dim3A_1223, %iota3A] : memref<64x16xf32, #tpu.memory_space<vmem>>[vector<16xi32>, vector<16xi32>], vector<16xf32>,
        %broadcast_in_dim3A_1225 = arith.constant 14 : i32
        %broadcast_in_dim3A_1226 = vector.broadcast %broadcast_in_dim3A_1225 : i32 to vector<16x1xi32>
        %gather3A_1227 = vector.shape_cast %broadcast_in_dim3A_1226 : vector<16x1xi32> to vector<16xi32>
        %gather3A_1228 = tpu.dynamic_gather %mul3A_917[%gather3A_1227] in [0] : vector<16xf32>, vector<16xi32> -> vector<16xf32>
        %mul3A_1229 = arith.mulf %gather3A_1228, %gather3A_1224 : vector<16xf32>
        %add3A_1230 = arith.addf %add3A_1209, %mul3A_1229 : vector<16xf32>
        %broadcast_in_dim3A_1231 = arith.constant 14 : i32
        %broadcast_in_dim3A_1232 = vector.broadcast %broadcast_in_dim3A_1231 : i32 to vector<16x1xi32>
        %gather3A_1233 = vector.shape_cast %broadcast_in_dim3A_1232 : vector<16x1xi32> to vector<16xi32>
        %gather3A_1234 = tpu.dynamic_gather %mul3A_919[%gather3A_1233] in [0] : vector<16xf32>, vector<16xi32> -> vector<16xf32>
        %mul3A_1235 = arith.mulf %gather3A_1234, %gather3A_1224 : vector<16xf32>
        %add3A_1236 = arith.addf %add3A_1215, %mul3A_1235 : vector<16xf32>
        %broadcast_in_dim3A_1237 = arith.constant 14 : i32
        %broadcast_in_dim3A_1238 = vector.broadcast %broadcast_in_dim3A_1237 : i32 to vector<16x1xi32>
        %gather3A_1239 = vector.shape_cast %broadcast_in_dim3A_1238 : vector<16x1xi32> to vector<16xi32>
        %gather3A_1240 = tpu.dynamic_gather %mul3A_921[%gather3A_1239] in [0] : vector<16xf32>, vector<16xi32> -> vector<16xf32>
        %mul3A_1241 = arith.mulf %gather3A_1240, %gather3A_1224 : vector<16xf32>
        %add3A_1242 = arith.addf %add3A_1221, %mul3A_1241 : vector<16xf32>
        %broadcast_in_dim3A_1243 = arith.constant 47 : i32
        %broadcast_in_dim3A_1244 = vector.broadcast %broadcast_in_dim3A_1243 : i32 to vector<16xi32>
        %gather3A_1245 = tpu.vector_load_idx %arg18[%broadcast_in_dim3A_1244, %iota3A] : memref<64x16xf32, #tpu.memory_space<vmem>>[vector<16xi32>, vector<16xi32>], vector<16xf32>,
        %broadcast_in_dim3A_1246 = arith.constant 15 : i32
        %broadcast_in_dim3A_1247 = vector.broadcast %broadcast_in_dim3A_1246 : i32 to vector<16x1xi32>
        %gather3A_1248 = vector.shape_cast %broadcast_in_dim3A_1247 : vector<16x1xi32> to vector<16xi32>
        %gather3A_1249 = tpu.dynamic_gather %mul3A_917[%gather3A_1248] in [0] : vector<16xf32>, vector<16xi32> -> vector<16xf32>
        %mul3A_1250 = arith.mulf %gather3A_1249, %gather3A_1245 : vector<16xf32>
        %add3A_1251 = arith.addf %add3A_1230, %mul3A_1250 : vector<16xf32>
        %broadcast_in_dim3A_1252 = arith.constant 15 : i32
        %broadcast_in_dim3A_1253 = vector.broadcast %broadcast_in_dim3A_1252 : i32 to vector<16x1xi32>
        %gather3A_1254 = vector.shape_cast %broadcast_in_dim3A_1253 : vector<16x1xi32> to vector<16xi32>
        %gather3A_1255 = tpu.dynamic_gather %mul3A_919[%gather3A_1254] in [0] : vector<16xf32>, vector<16xi32> -> vector<16xf32>
        %mul3A_1256 = arith.mulf %gather3A_1255, %gather3A_1245 : vector<16xf32>
        %add3A_1257 = arith.addf %add3A_1236, %mul3A_1256 : vector<16xf32>
        %broadcast_in_dim3A_1258 = arith.constant 15 : i32
        %broadcast_in_dim3A_1259 = vector.broadcast %broadcast_in_dim3A_1258 : i32 to vector<16x1xi32>
        %gather3A_1260 = vector.shape_cast %broadcast_in_dim3A_1259 : vector<16x1xi32> to vector<16xi32>
        %gather3A_1261 = tpu.dynamic_gather %mul3A_921[%gather3A_1260] in [0] : vector<16xf32>, vector<16xi32> -> vector<16xf32>
        %mul3A_1262 = arith.mulf %gather3A_1261, %gather3A_1245 : vector<16xf32>
        %add3A_1263 = arith.addf %add3A_1242, %mul3A_1262 : vector<16xf32>
        %mul3A_1264 = arith.mulf %add3A_1251, %add3A_1251 : vector<16xf32>
        %mul3A_1265 = arith.mulf %add3A_1257, %add3A_1257 : vector<16xf32>
        %add3A_1266 = arith.addf %mul3A_1264, %mul3A_1265 : vector<16xf32>
        %mul3A_1267 = arith.mulf %add3A_1263, %add3A_1263 : vector<16xf32>
        %add3A_1268 = arith.addf %add3A_1266, %mul3A_1267 : vector<16xf32>
        %add3A_1269 = arith.constant 2 : i32
        %add3A_1270 = arith.addi %mul3A_29, %add3A_1269 : i32
        %mul3A_1271 = arith.constant 16 : i32
        %mul3A_1272 = arith.muli %add3A_1270, %mul3A_1271 : i32
        %swap3A_1273 = arith.index_cast %mul3A_1272 : i32 to index
        %swap3A_1274 = tpu.vector_load %arg19[%swap3A_1273] {strides = array<i32>} : memref<256xf32, #tpu.memory_space<vmem>>, vector<16xf32>,
        tpu.vector_store %arg19[%swap3A_1273], %add3A_1268 {strides = array<i32>} : memref<256xf32, #tpu.memory_space<vmem>>, vector<16xf32>,
        %add3A_1275 = arith.constant 9.99999993E-9 : f32
        %add3A_1276 = vector.broadcast %add3A_1275 : f32 to vector<16xf32>
        %add3A_1277 = arith.addf %scan3A_108#3, %add3A_1276 : vector<16xf32>
        %div3A_1278 = arith.constant 1.000000e+00 : f32
        %div3A_1279 = vector.broadcast %div3A_1278 : f32 to vector<16xf32>
        %div3A_1280 = arith.divf %div3A_1279, %add3A_1277 : vector<16xf32>
        %mul3A_1281 = arith.mulf %add3A_1277, %div3A_1280 : vector<16xf32>
        %sub3A_1282 = arith.constant 2.000000e+00 : f32
        %sub3A_1283 = vector.broadcast %sub3A_1282 : f32 to vector<16xf32>
        %sub3A_1284 = arith.subf %sub3A_1283, %mul3A_1281 : vector<16xf32>
        %mul3A_1285 = arith.mulf %div3A_1280, %sub3A_1284 : vector<16xf32>
        %mul3A_1286 = arith.mulf %get3A_1, %mul3A_1285 : vector<16xf32>
        %gather3A_1287 = tpu.vector_load_idx %arg11[%scan3A_108#7] : memref<10048xf32, #tpu.memory_space<vmem>>[vector<16xi32>], vector<16xf32>,
        %gather3A_1288 = tpu.vector_load_idx %arg12[%scan3A_108#7] : memref<10048xf32, #tpu.memory_space<vmem>>[vector<16xi32>], vector<16xf32>,
        %gather3A_1289 = tpu.vector_load_idx %arg13[%scan3A_108#7] : memref<10048xf32, #tpu.memory_space<vmem>>[vector<16xi32>], vector<16xf32>,
        %sub3A_1290 = arith.subf %gather3A_47, %gather3A_1287 : vector<16xf32>
        %mul3A_1291 = arith.mulf %mul3A_1286, %sub3A_1290 : vector<16xf32>
        %sub3A_1292 = arith.subf %gather3A_67, %gather3A_1288 : vector<16xf32>
        %mul3A_1293 = arith.mulf %mul3A_1286, %sub3A_1292 : vector<16xf32>
        %sub3A_1294 = arith.subf %gather3A_87, %gather3A_1289 : vector<16xf32>
        %mul3A_1295 = arith.mulf %mul3A_1286, %sub3A_1294 : vector<16xf32>
        %broadcast_in_dim3A_1296 = arith.constant 0.000000e+00 : f32
        %broadcast_in_dim3A_1297 = vector.broadcast %broadcast_in_dim3A_1296 : f32 to vector<16xf32>
        %broadcast_in_dim3A_1298 = arith.constant 0.000000e+00 : f32
        %broadcast_in_dim3A_1299 = vector.broadcast %broadcast_in_dim3A_1298 : f32 to vector<16xf32>
        %broadcast_in_dim3A_1300 = arith.constant 0.000000e+00 : f32
        %broadcast_in_dim3A_1301 = vector.broadcast %broadcast_in_dim3A_1300 : f32 to vector<16xf32>
        %broadcast_in_dim3A_1302 = arith.constant 48 : i32
        %broadcast_in_dim3A_1303 = vector.broadcast %broadcast_in_dim3A_1302 : i32 to vector<16xi32>
        %gather3A_1304 = tpu.vector_load_idx %arg18[%broadcast_in_dim3A_1303, %iota3A] : memref<64x16xf32, #tpu.memory_space<vmem>>[vector<16xi32>, vector<16xi32>], vector<16xf32>,
        %broadcast_in_dim3A_1305 = arith.constant 0 : i32
        %broadcast_in_dim3A_1306 = vector.broadcast %broadcast_in_dim3A_1305 : i32 to vector<16x1xi32>
        %gather3A_1307 = vector.shape_cast %broadcast_in_dim3A_1306 : vector<16x1xi32> to vector<16xi32>
        %gather3A_1308 = tpu.dynamic_gather %mul3A_1291[%gather3A_1307] in [0] : vector<16xf32>, vector<16xi32> -> vector<16xf32>
        %mul3A_1309 = arith.mulf %gather3A_1308, %gather3A_1304 : vector<16xf32>
        %add3A_1310 = arith.addf %broadcast_in_dim3A_1297, %mul3A_1309 : vector<16xf32>
        %broadcast_in_dim3A_1311 = arith.constant 0 : i32
        %broadcast_in_dim3A_1312 = vector.broadcast %broadcast_in_dim3A_1311 : i32 to vector<16x1xi32>
        %gather3A_1313 = vector.shape_cast %broadcast_in_dim3A_1312 : vector<16x1xi32> to vector<16xi32>
        %gather3A_1314 = tpu.dynamic_gather %mul3A_1293[%gather3A_1313] in [0] : vector<16xf32>, vector<16xi32> -> vector<16xf32>
        %mul3A_1315 = arith.mulf %gather3A_1314, %gather3A_1304 : vector<16xf32>
        %add3A_1316 = arith.addf %broadcast_in_dim3A_1299, %mul3A_1315 : vector<16xf32>
        %broadcast_in_dim3A_1317 = arith.constant 0 : i32
        %broadcast_in_dim3A_1318 = vector.broadcast %broadcast_in_dim3A_1317 : i32 to vector<16x1xi32>
        %gather3A_1319 = vector.shape_cast %broadcast_in_dim3A_1318 : vector<16x1xi32> to vector<16xi32>
        %gather3A_1320 = tpu.dynamic_gather %mul3A_1295[%gather3A_1319] in [0] : vector<16xf32>, vector<16xi32> -> vector<16xf32>
        %mul3A_1321 = arith.mulf %gather3A_1320, %gather3A_1304 : vector<16xf32>
        %add3A_1322 = arith.addf %broadcast_in_dim3A_1301, %mul3A_1321 : vector<16xf32>
        %broadcast_in_dim3A_1323 = arith.constant 49 : i32
        %broadcast_in_dim3A_1324 = vector.broadcast %broadcast_in_dim3A_1323 : i32 to vector<16xi32>
        %gather3A_1325 = tpu.vector_load_idx %arg18[%broadcast_in_dim3A_1324, %iota3A] : memref<64x16xf32, #tpu.memory_space<vmem>>[vector<16xi32>, vector<16xi32>], vector<16xf32>,
        %broadcast_in_dim3A_1326 = arith.constant 1 : i32
        %broadcast_in_dim3A_1327 = vector.broadcast %broadcast_in_dim3A_1326 : i32 to vector<16x1xi32>
        %gather3A_1328 = vector.shape_cast %broadcast_in_dim3A_1327 : vector<16x1xi32> to vector<16xi32>
        %gather3A_1329 = tpu.dynamic_gather %mul3A_1291[%gather3A_1328] in [0] : vector<16xf32>, vector<16xi32> -> vector<16xf32>
        %mul3A_1330 = arith.mulf %gather3A_1329, %gather3A_1325 : vector<16xf32>
        %add3A_1331 = arith.addf %add3A_1310, %mul3A_1330 : vector<16xf32>
        %broadcast_in_dim3A_1332 = arith.constant 1 : i32
        %broadcast_in_dim3A_1333 = vector.broadcast %broadcast_in_dim3A_1332 : i32 to vector<16x1xi32>
        %gather3A_1334 = vector.shape_cast %broadcast_in_dim3A_1333 : vector<16x1xi32> to vector<16xi32>
        %gather3A_1335 = tpu.dynamic_gather %mul3A_1293[%gather3A_1334] in [0] : vector<16xf32>, vector<16xi32> -> vector<16xf32>
        %mul3A_1336 = arith.mulf %gather3A_1335, %gather3A_1325 : vector<16xf32>
        %add3A_1337 = arith.addf %add3A_1316, %mul3A_1336 : vector<16xf32>
        %broadcast_in_dim3A_1338 = arith.constant 1 : i32
        %broadcast_in_dim3A_1339 = vector.broadcast %broadcast_in_dim3A_1338 : i32 to vector<16x1xi32>
        %gather3A_1340 = vector.shape_cast %broadcast_in_dim3A_1339 : vector<16x1xi32> to vector<16xi32>
        %gather3A_1341 = tpu.dynamic_gather %mul3A_1295[%gather3A_1340] in [0] : vector<16xf32>, vector<16xi32> -> vector<16xf32>
        %mul3A_1342 = arith.mulf %gather3A_1341, %gather3A_1325 : vector<16xf32>
        %add3A_1343 = arith.addf %add3A_1322, %mul3A_1342 : vector<16xf32>
        %broadcast_in_dim3A_1344 = arith.constant 50 : i32
        %broadcast_in_dim3A_1345 = vector.broadcast %broadcast_in_dim3A_1344 : i32 to vector<16xi32>
        %gather3A_1346 = tpu.vector_load_idx %arg18[%broadcast_in_dim3A_1345, %iota3A] : memref<64x16xf32, #tpu.memory_space<vmem>>[vector<16xi32>, vector<16xi32>], vector<16xf32>,
        %broadcast_in_dim3A_1347 = arith.constant 2 : i32
        %broadcast_in_dim3A_1348 = vector.broadcast %broadcast_in_dim3A_1347 : i32 to vector<16x1xi32>
        %gather3A_1349 = vector.shape_cast %broadcast_in_dim3A_1348 : vector<16x1xi32> to vector<16xi32>
        %gather3A_1350 = tpu.dynamic_gather %mul3A_1291[%gather3A_1349] in [0] : vector<16xf32>, vector<16xi32> -> vector<16xf32>
        %mul3A_1351 = arith.mulf %gather3A_1350, %gather3A_1346 : vector<16xf32>
        %add3A_1352 = arith.addf %add3A_1331, %mul3A_1351 : vector<16xf32>
        %broadcast_in_dim3A_1353 = arith.constant 2 : i32
        %broadcast_in_dim3A_1354 = vector.broadcast %broadcast_in_dim3A_1353 : i32 to vector<16x1xi32>
        %gather3A_1355 = vector.shape_cast %broadcast_in_dim3A_1354 : vector<16x1xi32> to vector<16xi32>
        %gather3A_1356 = tpu.dynamic_gather %mul3A_1293[%gather3A_1355] in [0] : vector<16xf32>, vector<16xi32> -> vector<16xf32>
        %mul3A_1357 = arith.mulf %gather3A_1356, %gather3A_1346 : vector<16xf32>
        %add3A_1358 = arith.addf %add3A_1337, %mul3A_1357 : vector<16xf32>
        %broadcast_in_dim3A_1359 = arith.constant 2 : i32
        %broadcast_in_dim3A_1360 = vector.broadcast %broadcast_in_dim3A_1359 : i32 to vector<16x1xi32>
        %gather3A_1361 = vector.shape_cast %broadcast_in_dim3A_1360 : vector<16x1xi32> to vector<16xi32>
        %gather3A_1362 = tpu.dynamic_gather %mul3A_1295[%gather3A_1361] in [0] : vector<16xf32>, vector<16xi32> -> vector<16xf32>
        %mul3A_1363 = arith.mulf %gather3A_1362, %gather3A_1346 : vector<16xf32>
        %add3A_1364 = arith.addf %add3A_1343, %mul3A_1363 : vector<16xf32>
        %broadcast_in_dim3A_1365 = arith.constant 51 : i32
        %broadcast_in_dim3A_1366 = vector.broadcast %broadcast_in_dim3A_1365 : i32 to vector<16xi32>
        %gather3A_1367 = tpu.vector_load_idx %arg18[%broadcast_in_dim3A_1366, %iota3A] : memref<64x16xf32, #tpu.memory_space<vmem>>[vector<16xi32>, vector<16xi32>], vector<16xf32>,
        %broadcast_in_dim3A_1368 = arith.constant 3 : i32
        %broadcast_in_dim3A_1369 = vector.broadcast %broadcast_in_dim3A_1368 : i32 to vector<16x1xi32>
        %gather3A_1370 = vector.shape_cast %broadcast_in_dim3A_1369 : vector<16x1xi32> to vector<16xi32>
        %gather3A_1371 = tpu.dynamic_gather %mul3A_1291[%gather3A_1370] in [0] : vector<16xf32>, vector<16xi32> -> vector<16xf32>
        %mul3A_1372 = arith.mulf %gather3A_1371, %gather3A_1367 : vector<16xf32>
        %add3A_1373 = arith.addf %add3A_1352, %mul3A_1372 : vector<16xf32>
        %broadcast_in_dim3A_1374 = arith.constant 3 : i32
        %broadcast_in_dim3A_1375 = vector.broadcast %broadcast_in_dim3A_1374 : i32 to vector<16x1xi32>
        %gather3A_1376 = vector.shape_cast %broadcast_in_dim3A_1375 : vector<16x1xi32> to vector<16xi32>
        %gather3A_1377 = tpu.dynamic_gather %mul3A_1293[%gather3A_1376] in [0] : vector<16xf32>, vector<16xi32> -> vector<16xf32>
        %mul3A_1378 = arith.mulf %gather3A_1377, %gather3A_1367 : vector<16xf32>
        %add3A_1379 = arith.addf %add3A_1358, %mul3A_1378 : vector<16xf32>
        %broadcast_in_dim3A_1380 = arith.constant 3 : i32
        %broadcast_in_dim3A_1381 = vector.broadcast %broadcast_in_dim3A_1380 : i32 to vector<16x1xi32>
        %gather3A_1382 = vector.shape_cast %broadcast_in_dim3A_1381 : vector<16x1xi32> to vector<16xi32>
        %gather3A_1383 = tpu.dynamic_gather %mul3A_1295[%gather3A_1382] in [0] : vector<16xf32>, vector<16xi32> -> vector<16xf32>
        %mul3A_1384 = arith.mulf %gather3A_1383, %gather3A_1367 : vector<16xf32>
        %add3A_1385 = arith.addf %add3A_1364, %mul3A_1384 : vector<16xf32>
        %broadcast_in_dim3A_1386 = arith.constant 52 : i32
        %broadcast_in_dim3A_1387 = vector.broadcast %broadcast_in_dim3A_1386 : i32 to vector<16xi32>
        %gather3A_1388 = tpu.vector_load_idx %arg18[%broadcast_in_dim3A_1387, %iota3A] : memref<64x16xf32, #tpu.memory_space<vmem>>[vector<16xi32>, vector<16xi32>], vector<16xf32>,
        %broadcast_in_dim3A_1389 = arith.constant 4 : i32
        %broadcast_in_dim3A_1390 = vector.broadcast %broadcast_in_dim3A_1389 : i32 to vector<16x1xi32>
        %gather3A_1391 = vector.shape_cast %broadcast_in_dim3A_1390 : vector<16x1xi32> to vector<16xi32>
        %gather3A_1392 = tpu.dynamic_gather %mul3A_1291[%gather3A_1391] in [0] : vector<16xf32>, vector<16xi32> -> vector<16xf32>
        %mul3A_1393 = arith.mulf %gather3A_1392, %gather3A_1388 : vector<16xf32>
        %add3A_1394 = arith.addf %add3A_1373, %mul3A_1393 : vector<16xf32>
        %broadcast_in_dim3A_1395 = arith.constant 4 : i32
        %broadcast_in_dim3A_1396 = vector.broadcast %broadcast_in_dim3A_1395 : i32 to vector<16x1xi32>
        %gather3A_1397 = vector.shape_cast %broadcast_in_dim3A_1396 : vector<16x1xi32> to vector<16xi32>
        %gather3A_1398 = tpu.dynamic_gather %mul3A_1293[%gather3A_1397] in [0] : vector<16xf32>, vector<16xi32> -> vector<16xf32>
        %mul3A_1399 = arith.mulf %gather3A_1398, %gather3A_1388 : vector<16xf32>
        %add3A_1400 = arith.addf %add3A_1379, %mul3A_1399 : vector<16xf32>
        %broadcast_in_dim3A_1401 = arith.constant 4 : i32
        %broadcast_in_dim3A_1402 = vector.broadcast %broadcast_in_dim3A_1401 : i32 to vector<16x1xi32>
        %gather3A_1403 = vector.shape_cast %broadcast_in_dim3A_1402 : vector<16x1xi32> to vector<16xi32>
        %gather3A_1404 = tpu.dynamic_gather %mul3A_1295[%gather3A_1403] in [0] : vector<16xf32>, vector<16xi32> -> vector<16xf32>
        %mul3A_1405 = arith.mulf %gather3A_1404, %gather3A_1388 : vector<16xf32>
        %add3A_1406 = arith.addf %add3A_1385, %mul3A_1405 : vector<16xf32>
        %broadcast_in_dim3A_1407 = arith.constant 53 : i32
        %broadcast_in_dim3A_1408 = vector.broadcast %broadcast_in_dim3A_1407 : i32 to vector<16xi32>
        %gather3A_1409 = tpu.vector_load_idx %arg18[%broadcast_in_dim3A_1408, %iota3A] : memref<64x16xf32, #tpu.memory_space<vmem>>[vector<16xi32>, vector<16xi32>], vector<16xf32>,
        %broadcast_in_dim3A_1410 = arith.constant 5 : i32
        %broadcast_in_dim3A_1411 = vector.broadcast %broadcast_in_dim3A_1410 : i32 to vector<16x1xi32>
        %gather3A_1412 = vector.shape_cast %broadcast_in_dim3A_1411 : vector<16x1xi32> to vector<16xi32>
        %gather3A_1413 = tpu.dynamic_gather %mul3A_1291[%gather3A_1412] in [0] : vector<16xf32>, vector<16xi32> -> vector<16xf32>
        %mul3A_1414 = arith.mulf %gather3A_1413, %gather3A_1409 : vector<16xf32>
        %add3A_1415 = arith.addf %add3A_1394, %mul3A_1414 : vector<16xf32>
        %broadcast_in_dim3A_1416 = arith.constant 5 : i32
        %broadcast_in_dim3A_1417 = vector.broadcast %broadcast_in_dim3A_1416 : i32 to vector<16x1xi32>
        %gather3A_1418 = vector.shape_cast %broadcast_in_dim3A_1417 : vector<16x1xi32> to vector<16xi32>
        %gather3A_1419 = tpu.dynamic_gather %mul3A_1293[%gather3A_1418] in [0] : vector<16xf32>, vector<16xi32> -> vector<16xf32>
        %mul3A_1420 = arith.mulf %gather3A_1419, %gather3A_1409 : vector<16xf32>
        %add3A_1421 = arith.addf %add3A_1400, %mul3A_1420 : vector<16xf32>
        %broadcast_in_dim3A_1422 = arith.constant 5 : i32
        %broadcast_in_dim3A_1423 = vector.broadcast %broadcast_in_dim3A_1422 : i32 to vector<16x1xi32>
        %gather3A_1424 = vector.shape_cast %broadcast_in_dim3A_1423 : vector<16x1xi32> to vector<16xi32>
        %gather3A_1425 = tpu.dynamic_gather %mul3A_1295[%gather3A_1424] in [0] : vector<16xf32>, vector<16xi32> -> vector<16xf32>
        %mul3A_1426 = arith.mulf %gather3A_1425, %gather3A_1409 : vector<16xf32>
        %add3A_1427 = arith.addf %add3A_1406, %mul3A_1426 : vector<16xf32>
        %broadcast_in_dim3A_1428 = arith.constant 54 : i32
        %broadcast_in_dim3A_1429 = vector.broadcast %broadcast_in_dim3A_1428 : i32 to vector<16xi32>
        %gather3A_1430 = tpu.vector_load_idx %arg18[%broadcast_in_dim3A_1429, %iota3A] : memref<64x16xf32, #tpu.memory_space<vmem>>[vector<16xi32>, vector<16xi32>], vector<16xf32>,
        %broadcast_in_dim3A_1431 = arith.constant 6 : i32
        %broadcast_in_dim3A_1432 = vector.broadcast %broadcast_in_dim3A_1431 : i32 to vector<16x1xi32>
        %gather3A_1433 = vector.shape_cast %broadcast_in_dim3A_1432 : vector<16x1xi32> to vector<16xi32>
        %gather3A_1434 = tpu.dynamic_gather %mul3A_1291[%gather3A_1433] in [0] : vector<16xf32>, vector<16xi32> -> vector<16xf32>
        %mul3A_1435 = arith.mulf %gather3A_1434, %gather3A_1430 : vector<16xf32>
        %add3A_1436 = arith.addf %add3A_1415, %mul3A_1435 : vector<16xf32>
        %broadcast_in_dim3A_1437 = arith.constant 6 : i32
        %broadcast_in_dim3A_1438 = vector.broadcast %broadcast_in_dim3A_1437 : i32 to vector<16x1xi32>
        %gather3A_1439 = vector.shape_cast %broadcast_in_dim3A_1438 : vector<16x1xi32> to vector<16xi32>
        %gather3A_1440 = tpu.dynamic_gather %mul3A_1293[%gather3A_1439] in [0] : vector<16xf32>, vector<16xi32> -> vector<16xf32>
        %mul3A_1441 = arith.mulf %gather3A_1440, %gather3A_1430 : vector<16xf32>
        %add3A_1442 = arith.addf %add3A_1421, %mul3A_1441 : vector<16xf32>
        %broadcast_in_dim3A_1443 = arith.constant 6 : i32
        %broadcast_in_dim3A_1444 = vector.broadcast %broadcast_in_dim3A_1443 : i32 to vector<16x1xi32>
        %gather3A_1445 = vector.shape_cast %broadcast_in_dim3A_1444 : vector<16x1xi32> to vector<16xi32>
        %gather3A_1446 = tpu.dynamic_gather %mul3A_1295[%gather3A_1445] in [0] : vector<16xf32>, vector<16xi32> -> vector<16xf32>
        %mul3A_1447 = arith.mulf %gather3A_1446, %gather3A_1430 : vector<16xf32>
        %add3A_1448 = arith.addf %add3A_1427, %mul3A_1447 : vector<16xf32>
        %broadcast_in_dim3A_1449 = arith.constant 55 : i32
        %broadcast_in_dim3A_1450 = vector.broadcast %broadcast_in_dim3A_1449 : i32 to vector<16xi32>
        %gather3A_1451 = tpu.vector_load_idx %arg18[%broadcast_in_dim3A_1450, %iota3A] : memref<64x16xf32, #tpu.memory_space<vmem>>[vector<16xi32>, vector<16xi32>], vector<16xf32>,
        %broadcast_in_dim3A_1452 = arith.constant 7 : i32
        %broadcast_in_dim3A_1453 = vector.broadcast %broadcast_in_dim3A_1452 : i32 to vector<16x1xi32>
        %gather3A_1454 = vector.shape_cast %broadcast_in_dim3A_1453 : vector<16x1xi32> to vector<16xi32>
        %gather3A_1455 = tpu.dynamic_gather %mul3A_1291[%gather3A_1454] in [0] : vector<16xf32>, vector<16xi32> -> vector<16xf32>
        %mul3A_1456 = arith.mulf %gather3A_1455, %gather3A_1451 : vector<16xf32>
        %add3A_1457 = arith.addf %add3A_1436, %mul3A_1456 : vector<16xf32>
        %broadcast_in_dim3A_1458 = arith.constant 7 : i32
        %broadcast_in_dim3A_1459 = vector.broadcast %broadcast_in_dim3A_1458 : i32 to vector<16x1xi32>
        %gather3A_1460 = vector.shape_cast %broadcast_in_dim3A_1459 : vector<16x1xi32> to vector<16xi32>
        %gather3A_1461 = tpu.dynamic_gather %mul3A_1293[%gather3A_1460] in [0] : vector<16xf32>, vector<16xi32> -> vector<16xf32>
        %mul3A_1462 = arith.mulf %gather3A_1461, %gather3A_1451 : vector<16xf32>
        %add3A_1463 = arith.addf %add3A_1442, %mul3A_1462 : vector<16xf32>
        %broadcast_in_dim3A_1464 = arith.constant 7 : i32
        %broadcast_in_dim3A_1465 = vector.broadcast %broadcast_in_dim3A_1464 : i32 to vector<16x1xi32>
        %gather3A_1466 = vector.shape_cast %broadcast_in_dim3A_1465 : vector<16x1xi32> to vector<16xi32>
        %gather3A_1467 = tpu.dynamic_gather %mul3A_1295[%gather3A_1466] in [0] : vector<16xf32>, vector<16xi32> -> vector<16xf32>
        %mul3A_1468 = arith.mulf %gather3A_1467, %gather3A_1451 : vector<16xf32>
        %add3A_1469 = arith.addf %add3A_1448, %mul3A_1468 : vector<16xf32>
        %broadcast_in_dim3A_1470 = arith.constant 56 : i32
        %broadcast_in_dim3A_1471 = vector.broadcast %broadcast_in_dim3A_1470 : i32 to vector<16xi32>
        %gather3A_1472 = tpu.vector_load_idx %arg18[%broadcast_in_dim3A_1471, %iota3A] : memref<64x16xf32, #tpu.memory_space<vmem>>[vector<16xi32>, vector<16xi32>], vector<16xf32>,
        %broadcast_in_dim3A_1473 = arith.constant 8 : i32
        %broadcast_in_dim3A_1474 = vector.broadcast %broadcast_in_dim3A_1473 : i32 to vector<16x1xi32>
        %gather3A_1475 = vector.shape_cast %broadcast_in_dim3A_1474 : vector<16x1xi32> to vector<16xi32>
        %gather3A_1476 = tpu.dynamic_gather %mul3A_1291[%gather3A_1475] in [0] : vector<16xf32>, vector<16xi32> -> vector<16xf32>
        %mul3A_1477 = arith.mulf %gather3A_1476, %gather3A_1472 : vector<16xf32>
        %add3A_1478 = arith.addf %add3A_1457, %mul3A_1477 : vector<16xf32>
        %broadcast_in_dim3A_1479 = arith.constant 8 : i32
        %broadcast_in_dim3A_1480 = vector.broadcast %broadcast_in_dim3A_1479 : i32 to vector<16x1xi32>
        %gather3A_1481 = vector.shape_cast %broadcast_in_dim3A_1480 : vector<16x1xi32> to vector<16xi32>
        %gather3A_1482 = tpu.dynamic_gather %mul3A_1293[%gather3A_1481] in [0] : vector<16xf32>, vector<16xi32> -> vector<16xf32>
        %mul3A_1483 = arith.mulf %gather3A_1482, %gather3A_1472 : vector<16xf32>
        %add3A_1484 = arith.addf %add3A_1463, %mul3A_1483 : vector<16xf32>
        %broadcast_in_dim3A_1485 = arith.constant 8 : i32
        %broadcast_in_dim3A_1486 = vector.broadcast %broadcast_in_dim3A_1485 : i32 to vector<16x1xi32>
        %gather3A_1487 = vector.shape_cast %broadcast_in_dim3A_1486 : vector<16x1xi32> to vector<16xi32>
        %gather3A_1488 = tpu.dynamic_gather %mul3A_1295[%gather3A_1487] in [0] : vector<16xf32>, vector<16xi32> -> vector<16xf32>
        %mul3A_1489 = arith.mulf %gather3A_1488, %gather3A_1472 : vector<16xf32>
        %add3A_1490 = arith.addf %add3A_1469, %mul3A_1489 : vector<16xf32>
        %broadcast_in_dim3A_1491 = arith.constant 57 : i32
        %broadcast_in_dim3A_1492 = vector.broadcast %broadcast_in_dim3A_1491 : i32 to vector<16xi32>
        %gather3A_1493 = tpu.vector_load_idx %arg18[%broadcast_in_dim3A_1492, %iota3A] : memref<64x16xf32, #tpu.memory_space<vmem>>[vector<16xi32>, vector<16xi32>], vector<16xf32>,
        %broadcast_in_dim3A_1494 = arith.constant 9 : i32
        %broadcast_in_dim3A_1495 = vector.broadcast %broadcast_in_dim3A_1494 : i32 to vector<16x1xi32>
        %gather3A_1496 = vector.shape_cast %broadcast_in_dim3A_1495 : vector<16x1xi32> to vector<16xi32>
        %gather3A_1497 = tpu.dynamic_gather %mul3A_1291[%gather3A_1496] in [0] : vector<16xf32>, vector<16xi32> -> vector<16xf32>
        %mul3A_1498 = arith.mulf %gather3A_1497, %gather3A_1493 : vector<16xf32>
        %add3A_1499 = arith.addf %add3A_1478, %mul3A_1498 : vector<16xf32>
        %broadcast_in_dim3A_1500 = arith.constant 9 : i32
        %broadcast_in_dim3A_1501 = vector.broadcast %broadcast_in_dim3A_1500 : i32 to vector<16x1xi32>
        %gather3A_1502 = vector.shape_cast %broadcast_in_dim3A_1501 : vector<16x1xi32> to vector<16xi32>
        %gather3A_1503 = tpu.dynamic_gather %mul3A_1293[%gather3A_1502] in [0] : vector<16xf32>, vector<16xi32> -> vector<16xf32>
        %mul3A_1504 = arith.mulf %gather3A_1503, %gather3A_1493 : vector<16xf32>
        %add3A_1505 = arith.addf %add3A_1484, %mul3A_1504 : vector<16xf32>
        %broadcast_in_dim3A_1506 = arith.constant 9 : i32
        %broadcast_in_dim3A_1507 = vector.broadcast %broadcast_in_dim3A_1506 : i32 to vector<16x1xi32>
        %gather3A_1508 = vector.shape_cast %broadcast_in_dim3A_1507 : vector<16x1xi32> to vector<16xi32>
        %gather3A_1509 = tpu.dynamic_gather %mul3A_1295[%gather3A_1508] in [0] : vector<16xf32>, vector<16xi32> -> vector<16xf32>
        %mul3A_1510 = arith.mulf %gather3A_1509, %gather3A_1493 : vector<16xf32>
        %add3A_1511 = arith.addf %add3A_1490, %mul3A_1510 : vector<16xf32>
        %broadcast_in_dim3A_1512 = arith.constant 58 : i32
        %broadcast_in_dim3A_1513 = vector.broadcast %broadcast_in_dim3A_1512 : i32 to vector<16xi32>
        %gather3A_1514 = tpu.vector_load_idx %arg18[%broadcast_in_dim3A_1513, %iota3A] : memref<64x16xf32, #tpu.memory_space<vmem>>[vector<16xi32>, vector<16xi32>], vector<16xf32>,
        %broadcast_in_dim3A_1515 = arith.constant 10 : i32
        %broadcast_in_dim3A_1516 = vector.broadcast %broadcast_in_dim3A_1515 : i32 to vector<16x1xi32>
        %gather3A_1517 = vector.shape_cast %broadcast_in_dim3A_1516 : vector<16x1xi32> to vector<16xi32>
        %gather3A_1518 = tpu.dynamic_gather %mul3A_1291[%gather3A_1517] in [0] : vector<16xf32>, vector<16xi32> -> vector<16xf32>
        %mul3A_1519 = arith.mulf %gather3A_1518, %gather3A_1514 : vector<16xf32>
        %add3A_1520 = arith.addf %add3A_1499, %mul3A_1519 : vector<16xf32>
        %broadcast_in_dim3A_1521 = arith.constant 10 : i32
        %broadcast_in_dim3A_1522 = vector.broadcast %broadcast_in_dim3A_1521 : i32 to vector<16x1xi32>
        %gather3A_1523 = vector.shape_cast %broadcast_in_dim3A_1522 : vector<16x1xi32> to vector<16xi32>
        %gather3A_1524 = tpu.dynamic_gather %mul3A_1293[%gather3A_1523] in [0] : vector<16xf32>, vector<16xi32> -> vector<16xf32>
        %mul3A_1525 = arith.mulf %gather3A_1524, %gather3A_1514 : vector<16xf32>
        %add3A_1526 = arith.addf %add3A_1505, %mul3A_1525 : vector<16xf32>
        %broadcast_in_dim3A_1527 = arith.constant 10 : i32
        %broadcast_in_dim3A_1528 = vector.broadcast %broadcast_in_dim3A_1527 : i32 to vector<16x1xi32>
        %gather3A_1529 = vector.shape_cast %broadcast_in_dim3A_1528 : vector<16x1xi32> to vector<16xi32>
        %gather3A_1530 = tpu.dynamic_gather %mul3A_1295[%gather3A_1529] in [0] : vector<16xf32>, vector<16xi32> -> vector<16xf32>
        %mul3A_1531 = arith.mulf %gather3A_1530, %gather3A_1514 : vector<16xf32>
        %add3A_1532 = arith.addf %add3A_1511, %mul3A_1531 : vector<16xf32>
        %broadcast_in_dim3A_1533 = arith.constant 59 : i32
        %broadcast_in_dim3A_1534 = vector.broadcast %broadcast_in_dim3A_1533 : i32 to vector<16xi32>
        %gather3A_1535 = tpu.vector_load_idx %arg18[%broadcast_in_dim3A_1534, %iota3A] : memref<64x16xf32, #tpu.memory_space<vmem>>[vector<16xi32>, vector<16xi32>], vector<16xf32>,
        %broadcast_in_dim3A_1536 = arith.constant 11 : i32
        %broadcast_in_dim3A_1537 = vector.broadcast %broadcast_in_dim3A_1536 : i32 to vector<16x1xi32>
        %gather3A_1538 = vector.shape_cast %broadcast_in_dim3A_1537 : vector<16x1xi32> to vector<16xi32>
        %gather3A_1539 = tpu.dynamic_gather %mul3A_1291[%gather3A_1538] in [0] : vector<16xf32>, vector<16xi32> -> vector<16xf32>
        %mul3A_1540 = arith.mulf %gather3A_1539, %gather3A_1535 : vector<16xf32>
        %add3A_1541 = arith.addf %add3A_1520, %mul3A_1540 : vector<16xf32>
        %broadcast_in_dim3A_1542 = arith.constant 11 : i32
        %broadcast_in_dim3A_1543 = vector.broadcast %broadcast_in_dim3A_1542 : i32 to vector<16x1xi32>
        %gather3A_1544 = vector.shape_cast %broadcast_in_dim3A_1543 : vector<16x1xi32> to vector<16xi32>
        %gather3A_1545 = tpu.dynamic_gather %mul3A_1293[%gather3A_1544] in [0] : vector<16xf32>, vector<16xi32> -> vector<16xf32>
        %mul3A_1546 = arith.mulf %gather3A_1545, %gather3A_1535 : vector<16xf32>
        %add3A_1547 = arith.addf %add3A_1526, %mul3A_1546 : vector<16xf32>
        %broadcast_in_dim3A_1548 = arith.constant 11 : i32
        %broadcast_in_dim3A_1549 = vector.broadcast %broadcast_in_dim3A_1548 : i32 to vector<16x1xi32>
        %gather3A_1550 = vector.shape_cast %broadcast_in_dim3A_1549 : vector<16x1xi32> to vector<16xi32>
        %gather3A_1551 = tpu.dynamic_gather %mul3A_1295[%gather3A_1550] in [0] : vector<16xf32>, vector<16xi32> -> vector<16xf32>
        %mul3A_1552 = arith.mulf %gather3A_1551, %gather3A_1535 : vector<16xf32>
        %add3A_1553 = arith.addf %add3A_1532, %mul3A_1552 : vector<16xf32>
        %broadcast_in_dim3A_1554 = arith.constant 60 : i32
        %broadcast_in_dim3A_1555 = vector.broadcast %broadcast_in_dim3A_1554 : i32 to vector<16xi32>
        %gather3A_1556 = tpu.vector_load_idx %arg18[%broadcast_in_dim3A_1555, %iota3A] : memref<64x16xf32, #tpu.memory_space<vmem>>[vector<16xi32>, vector<16xi32>], vector<16xf32>,
        %broadcast_in_dim3A_1557 = arith.constant 12 : i32
        %broadcast_in_dim3A_1558 = vector.broadcast %broadcast_in_dim3A_1557 : i32 to vector<16x1xi32>
        %gather3A_1559 = vector.shape_cast %broadcast_in_dim3A_1558 : vector<16x1xi32> to vector<16xi32>
        %gather3A_1560 = tpu.dynamic_gather %mul3A_1291[%gather3A_1559] in [0] : vector<16xf32>, vector<16xi32> -> vector<16xf32>
        %mul3A_1561 = arith.mulf %gather3A_1560, %gather3A_1556 : vector<16xf32>
        %add3A_1562 = arith.addf %add3A_1541, %mul3A_1561 : vector<16xf32>
        %broadcast_in_dim3A_1563 = arith.constant 12 : i32
        %broadcast_in_dim3A_1564 = vector.broadcast %broadcast_in_dim3A_1563 : i32 to vector<16x1xi32>
        %gather3A_1565 = vector.shape_cast %broadcast_in_dim3A_1564 : vector<16x1xi32> to vector<16xi32>
        %gather3A_1566 = tpu.dynamic_gather %mul3A_1293[%gather3A_1565] in [0] : vector<16xf32>, vector<16xi32> -> vector<16xf32>
        %mul3A_1567 = arith.mulf %gather3A_1566, %gather3A_1556 : vector<16xf32>
        %add3A_1568 = arith.addf %add3A_1547, %mul3A_1567 : vector<16xf32>
        %broadcast_in_dim3A_1569 = arith.constant 12 : i32
        %broadcast_in_dim3A_1570 = vector.broadcast %broadcast_in_dim3A_1569 : i32 to vector<16x1xi32>
        %gather3A_1571 = vector.shape_cast %broadcast_in_dim3A_1570 : vector<16x1xi32> to vector<16xi32>
        %gather3A_1572 = tpu.dynamic_gather %mul3A_1295[%gather3A_1571] in [0] : vector<16xf32>, vector<16xi32> -> vector<16xf32>
        %mul3A_1573 = arith.mulf %gather3A_1572, %gather3A_1556 : vector<16xf32>
        %add3A_1574 = arith.addf %add3A_1553, %mul3A_1573 : vector<16xf32>
        %broadcast_in_dim3A_1575 = arith.constant 61 : i32
        %broadcast_in_dim3A_1576 = vector.broadcast %broadcast_in_dim3A_1575 : i32 to vector<16xi32>
        %gather3A_1577 = tpu.vector_load_idx %arg18[%broadcast_in_dim3A_1576, %iota3A] : memref<64x16xf32, #tpu.memory_space<vmem>>[vector<16xi32>, vector<16xi32>], vector<16xf32>,
        %broadcast_in_dim3A_1578 = arith.constant 13 : i32
        %broadcast_in_dim3A_1579 = vector.broadcast %broadcast_in_dim3A_1578 : i32 to vector<16x1xi32>
        %gather3A_1580 = vector.shape_cast %broadcast_in_dim3A_1579 : vector<16x1xi32> to vector<16xi32>
        %gather3A_1581 = tpu.dynamic_gather %mul3A_1291[%gather3A_1580] in [0] : vector<16xf32>, vector<16xi32> -> vector<16xf32>
        %mul3A_1582 = arith.mulf %gather3A_1581, %gather3A_1577 : vector<16xf32>
        %add3A_1583 = arith.addf %add3A_1562, %mul3A_1582 : vector<16xf32>
        %broadcast_in_dim3A_1584 = arith.constant 13 : i32
        %broadcast_in_dim3A_1585 = vector.broadcast %broadcast_in_dim3A_1584 : i32 to vector<16x1xi32>
        %gather3A_1586 = vector.shape_cast %broadcast_in_dim3A_1585 : vector<16x1xi32> to vector<16xi32>
        %gather3A_1587 = tpu.dynamic_gather %mul3A_1293[%gather3A_1586] in [0] : vector<16xf32>, vector<16xi32> -> vector<16xf32>
        %mul3A_1588 = arith.mulf %gather3A_1587, %gather3A_1577 : vector<16xf32>
        %add3A_1589 = arith.addf %add3A_1568, %mul3A_1588 : vector<16xf32>
        %broadcast_in_dim3A_1590 = arith.constant 13 : i32
        %broadcast_in_dim3A_1591 = vector.broadcast %broadcast_in_dim3A_1590 : i32 to vector<16x1xi32>
        %gather3A_1592 = vector.shape_cast %broadcast_in_dim3A_1591 : vector<16x1xi32> to vector<16xi32>
        %gather3A_1593 = tpu.dynamic_gather %mul3A_1295[%gather3A_1592] in [0] : vector<16xf32>, vector<16xi32> -> vector<16xf32>
        %mul3A_1594 = arith.mulf %gather3A_1593, %gather3A_1577 : vector<16xf32>
        %add3A_1595 = arith.addf %add3A_1574, %mul3A_1594 : vector<16xf32>
        %broadcast_in_dim3A_1596 = arith.constant 62 : i32
        %broadcast_in_dim3A_1597 = vector.broadcast %broadcast_in_dim3A_1596 : i32 to vector<16xi32>
        %gather3A_1598 = tpu.vector_load_idx %arg18[%broadcast_in_dim3A_1597, %iota3A] : memref<64x16xf32, #tpu.memory_space<vmem>>[vector<16xi32>, vector<16xi32>], vector<16xf32>,
        %broadcast_in_dim3A_1599 = arith.constant 14 : i32
        %broadcast_in_dim3A_1600 = vector.broadcast %broadcast_in_dim3A_1599 : i32 to vector<16x1xi32>
        %gather3A_1601 = vector.shape_cast %broadcast_in_dim3A_1600 : vector<16x1xi32> to vector<16xi32>
        %gather3A_1602 = tpu.dynamic_gather %mul3A_1291[%gather3A_1601] in [0] : vector<16xf32>, vector<16xi32> -> vector<16xf32>
        %mul3A_1603 = arith.mulf %gather3A_1602, %gather3A_1598 : vector<16xf32>
        %add3A_1604 = arith.addf %add3A_1583, %mul3A_1603 : vector<16xf32>
        %broadcast_in_dim3A_1605 = arith.constant 14 : i32
        %broadcast_in_dim3A_1606 = vector.broadcast %broadcast_in_dim3A_1605 : i32 to vector<16x1xi32>
        %gather3A_1607 = vector.shape_cast %broadcast_in_dim3A_1606 : vector<16x1xi32> to vector<16xi32>
        %gather3A_1608 = tpu.dynamic_gather %mul3A_1293[%gather3A_1607] in [0] : vector<16xf32>, vector<16xi32> -> vector<16xf32>
        %mul3A_1609 = arith.mulf %gather3A_1608, %gather3A_1598 : vector<16xf32>
        %add3A_1610 = arith.addf %add3A_1589, %mul3A_1609 : vector<16xf32>
        %broadcast_in_dim3A_1611 = arith.constant 14 : i32
        %broadcast_in_dim3A_1612 = vector.broadcast %broadcast_in_dim3A_1611 : i32 to vector<16x1xi32>
        %gather3A_1613 = vector.shape_cast %broadcast_in_dim3A_1612 : vector<16x1xi32> to vector<16xi32>
        %gather3A_1614 = tpu.dynamic_gather %mul3A_1295[%gather3A_1613] in [0] : vector<16xf32>, vector<16xi32> -> vector<16xf32>
        %mul3A_1615 = arith.mulf %gather3A_1614, %gather3A_1598 : vector<16xf32>
        %add3A_1616 = arith.addf %add3A_1595, %mul3A_1615 : vector<16xf32>
        %broadcast_in_dim3A_1617 = arith.constant 63 : i32
        %broadcast_in_dim3A_1618 = vector.broadcast %broadcast_in_dim3A_1617 : i32 to vector<16xi32>
        %gather3A_1619 = tpu.vector_load_idx %arg18[%broadcast_in_dim3A_1618, %iota3A] : memref<64x16xf32, #tpu.memory_space<vmem>>[vector<16xi32>, vector<16xi32>], vector<16xf32>,
        %broadcast_in_dim3A_1620 = arith.constant 15 : i32
        %broadcast_in_dim3A_1621 = vector.broadcast %broadcast_in_dim3A_1620 : i32 to vector<16x1xi32>
        %gather3A_1622 = vector.shape_cast %broadcast_in_dim3A_1621 : vector<16x1xi32> to vector<16xi32>
        %gather3A_1623 = tpu.dynamic_gather %mul3A_1291[%gather3A_1622] in [0] : vector<16xf32>, vector<16xi32> -> vector<16xf32>
        %mul3A_1624 = arith.mulf %gather3A_1623, %gather3A_1619 : vector<16xf32>
        %add3A_1625 = arith.addf %add3A_1604, %mul3A_1624 : vector<16xf32>
        %broadcast_in_dim3A_1626 = arith.constant 15 : i32
        %broadcast_in_dim3A_1627 = vector.broadcast %broadcast_in_dim3A_1626 : i32 to vector<16x1xi32>
        %gather3A_1628 = vector.shape_cast %broadcast_in_dim3A_1627 : vector<16x1xi32> to vector<16xi32>
        %gather3A_1629 = tpu.dynamic_gather %mul3A_1293[%gather3A_1628] in [0] : vector<16xf32>, vector<16xi32> -> vector<16xf32>
        %mul3A_1630 = arith.mulf %gather3A_1629, %gather3A_1619 : vector<16xf32>
        %add3A_1631 = arith.addf %add3A_1610, %mul3A_1630 : vector<16xf32>
        %broadcast_in_dim3A_1632 = arith.constant 15 : i32
        %broadcast_in_dim3A_1633 = vector.broadcast %broadcast_in_dim3A_1632 : i32 to vector<16x1xi32>
        %gather3A_1634 = vector.shape_cast %broadcast_in_dim3A_1633 : vector<16x1xi32> to vector<16xi32>
        %gather3A_1635 = tpu.dynamic_gather %mul3A_1295[%gather3A_1634] in [0] : vector<16xf32>, vector<16xi32> -> vector<16xf32>
        %mul3A_1636 = arith.mulf %gather3A_1635, %gather3A_1619 : vector<16xf32>
        %add3A_1637 = arith.addf %add3A_1616, %mul3A_1636 : vector<16xf32>
        %mul3A_1638 = arith.mulf %add3A_1625, %add3A_1625 : vector<16xf32>
        %mul3A_1639 = arith.mulf %add3A_1631, %add3A_1631 : vector<16xf32>
        %add3A_1640 = arith.addf %mul3A_1638, %mul3A_1639 : vector<16xf32>
        %mul3A_1641 = arith.mulf %add3A_1637, %add3A_1637 : vector<16xf32>
        %add3A_1642 = arith.addf %add3A_1640, %mul3A_1641 : vector<16xf32>
        %add3A_1643 = arith.constant 3 : i32
        %add3A_1644 = arith.addi %mul3A_29, %add3A_1643 : i32
        %mul3A_1645 = arith.constant 16 : i32
        %mul3A_1646 = arith.muli %add3A_1644, %mul3A_1645 : i32
        %swap3A_1647 = arith.index_cast %mul3A_1646 : i32 to index
        %swap3A_1648 = tpu.vector_load %arg19[%swap3A_1647] {strides = array<i32>} : memref<256xf32, #tpu.memory_space<vmem>>, vector<16xf32>,
        tpu.vector_store %arg19[%swap3A_1647], %add3A_1642 {strides = array<i32>} : memref<256xf32, #tpu.memory_space<vmem>>, vector<16xf32>,
      }
      %scan3A_24 = arith.constant 4 : i32
      %mul3A_25 = arith.constant 16 : i32
      %mul3A_26 = arith.muli %add3A_12, %mul3A_25 : i32
      "tpu.region"() ({
        %run_scoped3A = tpu.sem_alloc : memref<!tpu.dma_semaphore, #tpu.memory_space<semaphore_mem>>
        %dma_start3A = tpu.memref_slice %arg10[%mul3A_26] : memref<802816xf32, #tpu.memory_space<hbm>> -> memref<256xf32, #tpu.memory_space<hbm>>
        %dma_start3A_27 = tpu.memref_slice %arg10[%mul3A_26] : memref<802816xf32, #tpu.memory_space<hbm>> -> memref<256xf32, #tpu.memory_space<hbm>>
        tpu.enqueue_dma source(%arg19 : memref<256xf32, #tpu.memory_space<vmem>>) target(%dma_start3A_27 : memref<256xf32, #tpu.memory_space<hbm>>) target_semaphore(%run_scoped3A : memref<!tpu.dma_semaphore, #tpu.memory_space<semaphore_mem>>)
        %dma_wait3A = tpu.memref_slice %arg10[%mul3A_26] : memref<802816xf32, #tpu.memory_space<hbm>> -> memref<256xf32, #tpu.memory_space<hbm>>
        %dma_wait3A_28 = tpu.memref_slice %arg10[%mul3A_26] : memref<802816xf32, #tpu.memory_space<hbm>> -> memref<256xf32, #tpu.memory_space<hbm>>
        tpu.wait_dma2 semaphore(%run_scoped3A : memref<!tpu.dma_semaphore, #tpu.memory_space<semaphore_mem>>) src(%arg19 : memref<256xf32, #tpu.memory_space<vmem>>) dst(%dma_wait3A_28 : memref<256xf32, #tpu.memory_space<hbm>>)
        tpu.yield
      }) : () -> ()
    }
    %scan3A_8 = arith.constant 98 : i32
    return
  }
}

module attributes {stable_mosaic.version = 14 : i64} {
  func.func @_prep_body(%arg0: memref<10048x6xf32, #tpu.memory_space<vmem>>, %arg1: memref<16x6xf32, #tpu.memory_space<vmem>>, %arg2: memref<1x16xf32, #tpu.memory_space<vmem>>, %arg3: memref<16x16xf32, #tpu.memory_space<vmem>>, %arg4: memref<1x16xf32, #tpu.memory_space<vmem>>, %arg5: memref<16x16xf32, #tpu.memory_space<vmem>>, %arg6: memref<1x16xf32, #tpu.memory_space<vmem>>, %arg7: memref<10048x16xf32, #tpu.memory_space<vmem>>) attributes {dimension_semantics = [], scalar_prefetch = 0 : i64, scratch_operands = 0 : i64, tpu.core_type = #tpu.core_type<tc>} {
    %get3A = arith.constant 0 : index
    %get3A_0 = arith.constant 0 : index
    %get3A_1 = vector.load %arg0[%get3A, %get3A_0] : memref<10048x6xf32, #tpu.memory_space<vmem>>, vector<10048x6xf32>
    %get3A_2 = arith.constant 0 : index
    %get3A_3 = arith.constant 0 : index
    %get3A_4 = vector.load %arg1[%get3A_2, %get3A_3] : memref<16x6xf32, #tpu.memory_space<vmem>>, vector<16x6xf32>
    %transpose3A = tpu.transpose %get3A_4, [1, 0] : vector<16x6xf32> -> vector<6x16xf32>
    %dot_general3A = arith.constant dense<0.000000e+00> : vector<10048x16xf32>
    %dot_general3A_5 = tpu.matmul %get3A_1, %transpose3A, %dot_general3A {dimension_numbers = #tpu.dot_dimension_numbers<[1], [0], [0], [1], [0, 0, 1, 1], [], []>, transpose_lhs_hint = false} : vector<10048x6xf32>, vector<6x16xf32>, vector<10048x16xf32> -> vector<10048x16xf32>
    %get3A_6 = arith.constant 0 : index
    %get3A_7 = arith.constant 0 : index
    %get3A_8 = vector.load %arg2[%get3A_6, %get3A_7] : memref<1x16xf32, #tpu.memory_space<vmem>>, vector<1x16xf32>
    %add3A = vector.broadcast %get3A_8 : vector<1x16xf32> to vector<10048x16xf32>
    %add3A_9 = arith.addf %dot_general3A_5, %add3A : vector<10048x16xf32>
    %ge3A = arith.constant 0.000000e+00 : f32
    %ge3A_10 = vector.broadcast %ge3A : f32 to vector<10048x16xf32>
    %ge3A_11 = arith.cmpf oge, %add3A_9, %ge3A_10 : vector<10048x16xf32>
    %mul3A = arith.constant 2.000000e-01 : f32
    %mul3A_12 = vector.broadcast %mul3A : f32 to vector<10048x16xf32>
    %mul3A_13 = arith.mulf %mul3A_12, %add3A_9 : vector<10048x16xf32>
    %select_n3A = arith.select %ge3A_11, %add3A_9, %mul3A_13 : vector<10048x16xi1>, vector<10048x16xf32>
    %get3A_14 = arith.constant 0 : index
    %get3A_15 = arith.constant 0 : index
    %get3A_16 = vector.load %arg3[%get3A_14, %get3A_15] : memref<16x16xf32, #tpu.memory_space<vmem>>, vector<16x16xf32>
    %transpose3A_17 = tpu.transpose %get3A_16, [1, 0] : vector<16x16xf32> -> vector<16x16xf32>
    %dot_general3A_18 = arith.constant dense<0.000000e+00> : vector<10048x16xf32>
    %dot_general3A_19 = tpu.matmul %select_n3A, %transpose3A_17, %dot_general3A_18 {dimension_numbers = #tpu.dot_dimension_numbers<[1], [0], [0], [1], [0, 0, 1, 1], [], []>, transpose_lhs_hint = false} : vector<10048x16xf32>, vector<16x16xf32>, vector<10048x16xf32> -> vector<10048x16xf32>
    %get3A_20 = arith.constant 0 : index
    %get3A_21 = arith.constant 0 : index
    %get3A_22 = vector.load %arg4[%get3A_20, %get3A_21] : memref<1x16xf32, #tpu.memory_space<vmem>>, vector<1x16xf32>
    %add3A_23 = vector.broadcast %get3A_22 : vector<1x16xf32> to vector<10048x16xf32>
    %add3A_24 = arith.addf %dot_general3A_19, %add3A_23 : vector<10048x16xf32>
    %ge3A_25 = arith.constant 0.000000e+00 : f32
    %ge3A_26 = vector.broadcast %ge3A_25 : f32 to vector<10048x16xf32>
    %ge3A_27 = arith.cmpf oge, %add3A_24, %ge3A_26 : vector<10048x16xf32>
    %mul3A_28 = arith.constant 2.000000e-01 : f32
    %mul3A_29 = vector.broadcast %mul3A_28 : f32 to vector<10048x16xf32>
    %mul3A_30 = arith.mulf %mul3A_29, %add3A_24 : vector<10048x16xf32>
    %select_n3A_31 = arith.select %ge3A_27, %add3A_24, %mul3A_30 : vector<10048x16xi1>, vector<10048x16xf32>
    %get3A_32 = arith.constant 0 : index
    %get3A_33 = arith.constant 0 : index
    %get3A_34 = vector.load %arg5[%get3A_32, %get3A_33] : memref<16x16xf32, #tpu.memory_space<vmem>>, vector<16x16xf32>
    %transpose3A_35 = tpu.transpose %get3A_34, [1, 0] : vector<16x16xf32> -> vector<16x16xf32>
    %dot_general3A_36 = arith.constant dense<0.000000e+00> : vector<10048x16xf32>
    %dot_general3A_37 = tpu.matmul %select_n3A_31, %transpose3A_35, %dot_general3A_36 {dimension_numbers = #tpu.dot_dimension_numbers<[1], [0], [0], [1], [0, 0, 1, 1], [], []>, transpose_lhs_hint = false} : vector<10048x16xf32>, vector<16x16xf32>, vector<10048x16xf32> -> vector<10048x16xf32>
    %get3A_38 = arith.constant 0 : index
    %get3A_39 = arith.constant 0 : index
    %get3A_40 = vector.load %arg6[%get3A_38, %get3A_39] : memref<1x16xf32, #tpu.memory_space<vmem>>, vector<1x16xf32>
    %add3A_41 = vector.broadcast %get3A_40 : vector<1x16xf32> to vector<10048x16xf32>
    %add3A_42 = arith.addf %dot_general3A_37, %add3A_41 : vector<10048x16xf32>
    %ge3A_43 = arith.constant 0.000000e+00 : f32
    %ge3A_44 = vector.broadcast %ge3A_43 : f32 to vector<10048x16xf32>
    %ge3A_45 = arith.cmpf oge, %add3A_42, %ge3A_44 : vector<10048x16xf32>
    %mul3A_46 = arith.constant 2.000000e-01 : f32
    %mul3A_47 = vector.broadcast %mul3A_46 : f32 to vector<10048x16xf32>
    %mul3A_48 = arith.mulf %mul3A_47, %add3A_42 : vector<10048x16xf32>
    %select_n3A_49 = arith.select %ge3A_45, %add3A_42, %mul3A_48 : vector<10048x16xi1>, vector<10048x16xf32>
    %swap3A = arith.constant 0 : index
    %swap3A_50 = arith.constant 0 : index
    %swap3A_51 = vector.load %arg7[%swap3A, %swap3A_50] : memref<10048x16xf32, #tpu.memory_space<vmem>>, vector<10048x16xf32>
    tpu.vector_store %arg7[%swap3A, %swap3A_50], %select_n3A_49 {strides = array<i32>} : memref<10048x16xf32, #tpu.memory_space<vmem>>, vector<10048x16xf32>,
    return
  }
}

module attributes {stable_mosaic.version = 14 : i64} {
  func.func @_head_body(%arg0: i32, %arg1: memref<512x16xf32, #tpu.memory_space<vmem>>, %arg2: memref<16x16xf32, #tpu.memory_space<vmem>>, %arg3: memref<1x16xf32, #tpu.memory_space<vmem>>, %arg4: memref<16x16xf32, #tpu.memory_space<vmem>>, %arg5: memref<1x16xf32, #tpu.memory_space<vmem>>, %arg6: memref<16x16xf32, #tpu.memory_space<vmem>>, %arg7: memref<1x16xf32, #tpu.memory_space<vmem>>, %arg8: memref<512x16xf32, #tpu.memory_space<vmem>>) attributes {dimension_semantics = [#tpu.dimension_semantics<arbitrary>], iteration_bounds = array<i64: 98>, scalar_prefetch = 0 : i64, scratch_operands = 0 : i64, tpu.core_type = #tpu.core_type<tc>, window_params = [{transform_indices = @transform_0, window_bounds = array<i64: 512, 16>}, {pipeline_mode = #tpu.pipeline_mode<synchronous>, transform_indices = @transform_1, window_bounds = array<i64: 16, 16>}, {pipeline_mode = #tpu.pipeline_mode<synchronous>, transform_indices = @transform_2, window_bounds = array<i64: 1, 16>}, {pipeline_mode = #tpu.pipeline_mode<synchronous>, transform_indices = @transform_3, window_bounds = array<i64: 16, 16>}, {pipeline_mode = #tpu.pipeline_mode<synchronous>, transform_indices = @transform_4, window_bounds = array<i64: 1, 16>}, {pipeline_mode = #tpu.pipeline_mode<synchronous>, transform_indices = @transform_5, window_bounds = array<i64: 16, 16>}, {pipeline_mode = #tpu.pipeline_mode<synchronous>, transform_indices = @transform_6, window_bounds = array<i64: 1, 16>}, {transform_indices = @transform_7, window_bounds = array<i64: 512, 16>}]} {
    %get3A = arith.constant 0 : index
    %get3A_0 = arith.constant 0 : index
    %get3A_1 = vector.load %arg1[%get3A, %get3A_0] : memref<512x16xf32, #tpu.memory_space<vmem>>, vector<512x16xf32>
    %sqrt3A = math.sqrt %get3A_1 : vector<512x16xf32>
    %get3A_2 = arith.constant 0 : index
    %get3A_3 = arith.constant 0 : index
    %get3A_4 = vector.load %arg2[%get3A_2, %get3A_3] : memref<16x16xf32, #tpu.memory_space<vmem>>, vector<16x16xf32>
    %transpose3A = tpu.transpose %get3A_4, [1, 0] : vector<16x16xf32> -> vector<16x16xf32>
    %dot_general3A = arith.constant dense<0.000000e+00> : vector<512x16xf32>
    %dot_general3A_5 = tpu.matmul %sqrt3A, %transpose3A, %dot_general3A {dimension_numbers = #tpu.dot_dimension_numbers<[1], [0], [0], [1], [0, 0, 1, 1], [], []>, transpose_lhs_hint = false} : vector<512x16xf32>, vector<16x16xf32>, vector<512x16xf32> -> vector<512x16xf32>
    %get3A_6 = arith.constant 0 : index
    %get3A_7 = arith.constant 0 : index
    %get3A_8 = vector.load %arg3[%get3A_6, %get3A_7] : memref<1x16xf32, #tpu.memory_space<vmem>>, vector<1x16xf32>
    %add3A = vector.broadcast %get3A_8 : vector<1x16xf32> to vector<512x16xf32>
    %add3A_9 = arith.addf %dot_general3A_5, %add3A : vector<512x16xf32>
    %ge3A = arith.constant 0.000000e+00 : f32
    %ge3A_10 = vector.broadcast %ge3A : f32 to vector<512x16xf32>
    %ge3A_11 = arith.cmpf oge, %add3A_9, %ge3A_10 : vector<512x16xf32>
    %mul3A = arith.constant 2.000000e-01 : f32
    %mul3A_12 = vector.broadcast %mul3A : f32 to vector<512x16xf32>
    %mul3A_13 = arith.mulf %mul3A_12, %add3A_9 : vector<512x16xf32>
    %select_n3A = arith.select %ge3A_11, %add3A_9, %mul3A_13 : vector<512x16xi1>, vector<512x16xf32>
    %get3A_14 = arith.constant 0 : index
    %get3A_15 = arith.constant 0 : index
    %get3A_16 = vector.load %arg4[%get3A_14, %get3A_15] : memref<16x16xf32, #tpu.memory_space<vmem>>, vector<16x16xf32>
    %transpose3A_17 = tpu.transpose %get3A_16, [1, 0] : vector<16x16xf32> -> vector<16x16xf32>
    %dot_general3A_18 = arith.constant dense<0.000000e+00> : vector<512x16xf32>
    %dot_general3A_19 = tpu.matmul %select_n3A, %transpose3A_17, %dot_general3A_18 {dimension_numbers = #tpu.dot_dimension_numbers<[1], [0], [0], [1], [0, 0, 1, 1], [], []>, transpose_lhs_hint = false} : vector<512x16xf32>, vector<16x16xf32>, vector<512x16xf32> -> vector<512x16xf32>
    %get3A_20 = arith.constant 0 : index
    %get3A_21 = arith.constant 0 : index
    %get3A_22 = vector.load %arg5[%get3A_20, %get3A_21] : memref<1x16xf32, #tpu.memory_space<vmem>>, vector<1x16xf32>
    %add3A_23 = vector.broadcast %get3A_22 : vector<1x16xf32> to vector<512x16xf32>
    %add3A_24 = arith.addf %dot_general3A_19, %add3A_23 : vector<512x16xf32>
    %ge3A_25 = arith.constant 0.000000e+00 : f32
    %ge3A_26 = vector.broadcast %ge3A_25 : f32 to vector<512x16xf32>
    %ge3A_27 = arith.cmpf oge, %add3A_24, %ge3A_26 : vector<512x16xf32>
    %mul3A_28 = arith.constant 2.000000e-01 : f32
    %mul3A_29 = vector.broadcast %mul3A_28 : f32 to vector<512x16xf32>
    %mul3A_30 = arith.mulf %mul3A_29, %add3A_24 : vector<512x16xf32>
    %select_n3A_31 = arith.select %ge3A_27, %add3A_24, %mul3A_30 : vector<512x16xi1>, vector<512x16xf32>
    %get3A_32 = arith.constant 0 : index
    %get3A_33 = arith.constant 0 : index
    %get3A_34 = vector.load %arg6[%get3A_32, %get3A_33] : memref<16x16xf32, #tpu.memory_space<vmem>>, vector<16x16xf32>
    %transpose3A_35 = tpu.transpose %get3A_34, [1, 0] : vector<16x16xf32> -> vector<16x16xf32>
    %dot_general3A_36 = arith.constant dense<0.000000e+00> : vector<512x16xf32>
    %dot_general3A_37 = tpu.matmul %select_n3A_31, %transpose3A_35, %dot_general3A_36 {dimension_numbers = #tpu.dot_dimension_numbers<[1], [0], [0], [1], [0, 0, 1, 1], [], []>, transpose_lhs_hint = false} : vector<512x16xf32>, vector<16x16xf32>, vector<512x16xf32> -> vector<512x16xf32>
    %get3A_38 = arith.constant 0 : index
    %get3A_39 = arith.constant 0 : index
    %get3A_40 = vector.load %arg7[%get3A_38, %get3A_39] : memref<1x16xf32, #tpu.memory_space<vmem>>, vector<1x16xf32>
    %add3A_41 = vector.broadcast %get3A_40 : vector<1x16xf32> to vector<512x16xf32>
    %add3A_42 = arith.addf %dot_general3A_37, %add3A_41 : vector<512x16xf32>
    %swap3A = arith.constant 0 : index
    %swap3A_43 = arith.constant 0 : index
    %swap3A_44 = vector.load %arg8[%swap3A, %swap3A_43] : memref<512x16xf32, #tpu.memory_space<vmem>>, vector<512x16xf32>
    tpu.vector_store %arg8[%swap3A, %swap3A_43], %add3A_42 {strides = array<i32>} : memref<512x16xf32, #tpu.memory_space<vmem>>, vector<512x16xf32>,
    return
  }
  func.func @transform_0(%arg0: i32) -> (i32, i32) {
    %c0_i32 = arith.constant 0 : i32
    %c0_i32_0 = arith.constant 0 : i32
    return %arg0, %c0_i32 : i32, i32
  }
  func.func @transform_1(%arg0: i32) -> (i32, i32) {
    %c0_i32 = arith.constant 0 : i32
    %c0_i32_0 = arith.constant 0 : i32
    %c0_i32_1 = arith.constant 0 : i32
    return %c0_i32, %c0_i32_0 : i32, i32
  }
  func.func @transform_2(%arg0: i32) -> (i32, i32) {
    %c0_i32 = arith.constant 0 : i32
    %c0_i32_0 = arith.constant 0 : i32
    %c0_i32_1 = arith.constant 0 : i32
    return %c0_i32, %c0_i32_0 : i32, i32
  }
  func.func @transform_3(%arg0: i32) -> (i32, i32) {
    %c0_i32 = arith.constant 0 : i32
    %c0_i32_0 = arith.constant 0 : i32
    %c0_i32_1 = arith.constant 0 : i32
    return %c0_i32, %c0_i32_0 : i32, i32
  }
  func.func @transform_4(%arg0: i32) -> (i32, i32) {
    %c0_i32 = arith.constant 0 : i32
    %c0_i32_0 = arith.constant 0 : i32
    %c0_i32_1 = arith.constant 0 : i32
    return %c0_i32, %c0_i32_0 : i32, i32
  }
  func.func @transform_5(%arg0: i32) -> (i32, i32) {
    %c0_i32 = arith.constant 0 : i32
    %c0_i32_0 = arith.constant 0 : i32
    %c0_i32_1 = arith.constant 0 : i32
    return %c0_i32, %c0_i32_0 : i32, i32
  }
  func.func @transform_6(%arg0: i32) -> (i32, i32) {
    %c0_i32 = arith.constant 0 : i32
    %c0_i32_0 = arith.constant 0 : i32
    %c0_i32_1 = arith.constant 0 : i32
    return %c0_i32, %c0_i32_0 : i32, i32
  }
  func.func @transform_7(%arg0: i32) -> (i32, i32) {
    %c0_i32 = arith.constant 0 : i32
    %c0_i32_0 = arith.constant 0 : i32
    return %arg0, %c0_i32 : i32, i32
  }
}

</mosaic_0001>

<sc_bundles>
// kernel: kernel.5.cloned.1.call-start
scs
__scs_entry_jumppad:
0x0: {  	(pc) =	sbr.rel $0x88, $3  }
0x1: {  	(tag) =	ssettag $0x0;
	lr =	simm.s32 $0x1  }
0x2: {  	[smem:$0x3F91] =	sst lr;
	_ =	strace $0xD0000000  }
0x3: {  	_ = 	snop  }
0x4: {  	_ = 	snop  }
0x5: {  	_ = 	snop  }
0x6: {  	_ = 	snop  }
0x7: {  	_ = 	snop  }
__scs_overlays_trampoline_lowered:
0x8: {  	[smem:$0x3FA0] =	sst s0  }
0x9: {  	[smem:$0x3FA1] =	sst s1  }
0xa: {  	[smem:$0x3FA2] =	sst s2  }
0xb: {  	[smem:$0x3FA3] =	sst s3  }
0xc: {  	[smem:$0x3FA4] =	sst s4  }
0xd: {  	[smem:$0x3FA5] =	sst s5  }
0xe: {  	[smem:$0x3FA6] =	sst s6  }
0xf: {  	[smem:$0x3FA7] =	sst s7  }
0x10: {  	[smem:$0x3FA8] =	sst s8  }
0x11: {  	[smem:$0x3FA9] =	sst s9;
	s0 =	simm.s32 @!p0 $0x0  }
0x12: {  	s1 =	sld [smem:$0x3F8F];
	s0 =	simm.s32 @p0 $0x1  }
0x13: {  	[smem:$0x3FAA] =	sst s0;
	s0 =	simm.s32 @!p1 $0x0  }
0x14: {  	s2 =	sld [smem:$0x3F8E];
	s0 =	simm.s32 @p1 $0x1  }
0x15: {  	[smem:$0x3FAB] =	sst s0;
	s0 =	simm.s32 @!p2 $0x0  }
0x16: {  	s3 =	sld [smem:$0x3FDB];
	s0 =	simm.s32 @p2 $0x1  }
0x17: {  	s4 =	simm.s32 $0x1BF5;
	[smem:$0x3FAD] =	sst s0  }
0x18: {  	s0 =	sld [smem:$0x3F90];
	_ =	swait.ge [sflag:s4], $0x0  }
0x19: {  	s7 =	sld [smem:$0x3F91]  }
0x1a: {  	s8 =	sadd.s32 $0xFFFFE003, lr  }
0x1b: {  	s9 =	sadd.s32 $0xFFFFFEF7, lr;
	s5 =	simm.s32 $0xFFFFFFFF;
	p2 =	slt.u32 s8, $0xFFFFF086  }
0x1c: {  	p1 =	slt.u32 s9, $0xF7A;
	s5 =	simm.s32 @!p2 $0x0  }
0x1d: {  	s5 =	simm.s32 @p1 $0x1;
	p0 =	seq.s32 s7, s2  }
0x1e: {  	s7 =	smul.u32 @!p0 $0xF7A, s2;
	p2 =	seq.s32 @!p0 s5, $0x0  }
0x1f: {  	s9 =	smul.u32 $0xF7A, s1;
	s8 =	simm.s32 @!p0 $0x1BF5;
	p2 =	por !p2, p0  }
0x20: {  	[sflag:s8] =	ssyncset.s32 @!p0 $0xFFFFF086;
	s6 =	sadd.s32 @!p0 s3, s7;
	s7 =	simm.s32 @!p0 $0x108  }
0x21: {  	s3 =	sadd.s32 s3, s9;
	s6 =	sadd.s32 @!p0 $0x88, s6;
	s7 =	simm.s32 @p2 $0x1082  }
0x22: {  	[simem:s7], [sflag:s8] =	dma.local @!p0 [hbm:s6], $0xF7A  }
0x23: {  	s9 =	sor.u32 $0xD0000000, s2;
	s6 =	simm.s32 $0x108;
	_ =	swait.ge @!p0 [sflag:s8], $0x0  }
0x24: {  	s3 =	sadd.s32 $0x88, s3;
	s6 =	simm.s32 @!p1 $0x1082;
	[sflag:s4] =	ssyncset.s32 $0xFFFFF086  }
0x25: {  	[simem:s6], [sflag:s4] =	dma.local [hbm:s3], $0xF7A  }
0x26: {  	[smem:$0x3F91] =	sst s1;
	(tag) =	ssettag s2;
	_ =	strace s9  }
0x27: {  	s1 =	sld [smem:$0x3FA1]  }
0x28: {  	s2 =	sld [smem:$0x3FA2]  }
0x29: {  	s4 =	sld [smem:$0x3FA4]  }
0x2a: {  	p0 =	seq.s32 s5, $0x0;
	s5 =	sld [smem:$0x3FA5]  }
0x2b: {  	s6 =	sld [smem:$0x3FA6]  }
0x2c: {  	s7 =	sld [smem:$0x3FA7]  }
0x2d: {  	s3 =	simm.s32 $0x108;
	s8 =	sld [smem:$0x3FA8]  }
0x2e: {  	s3 =	simm.s32 @!p0 $0x1082;
	s9 =	sld [smem:$0x3FA9]  }
0x2f: {  	lr =	sadd.s32 s0, s3;
	s0 =	sld [smem:$0x3FA0]  }
0x30: {  	s3 =	sld [smem:$0x3FA3]  }
0x31: {  	[smem:$0x3FAC] =	sst s10  }
0x32: {  	s10 =	sld [smem:$0x3FAA];
	_ =	sdelay $0x3  }
0x33: {  	p0 =	seq.s32 s10, $0x1;
	s10 =	sld [smem:$0x3FAC];
	_ =	sdelay $0x3  }
0x34: {  	[smem:$0x3FAC] =	sst s10  }
0x35: {  	s10 =	sld [smem:$0x3FAB];
	_ =	sdelay $0x3  }
0x36: {  	p1 =	seq.s32 s10, $0x1;
	s10 =	sld [smem:$0x3FAC];
	_ =	sdelay $0x3  }
0x37: {  	[smem:$0x3FAC] =	sst s10  }
0x38: {  	s10 =	sld [smem:$0x3FAD]  }
0x39: {  	_ = 	snop;
	(pc) =	sbr.ind lr, $3  }
0x3a: {  	_ = 	snop  }
0x3b: {  	_ = 	snop  }
0x3c: {  	p2 =	seq.s32 s10, $0x1;
	s10 =	sld [smem:$0x3FAC]  }
0x3d: {  	_ =	shalt  }
0x3e: {  	_ =	shalt  }
0x3f: {  	_ =	shalt  }
0x40: {  	_ =	shalt  }
0x41: {  	_ =	shalt  }
0x42: {  	_ =	shalt  }
0x43: {  	_ =	shalt  }
0x44: {  	_ =	shalt  }
0x45: {  	_ =	shalt  }
0x46: {  	_ =	shalt  }
0x47: {  	_ =	shalt  }
0x48: {  	_ =	shalt  }
0x49: {  	_ =	shalt  }
0x4a: {  	_ =	shalt  }
0x4b: {  	_ =	shalt  }
0x4c: {  	_ =	shalt  }
0x4d: {  	_ =	shalt  }
0x4e: {  	_ =	shalt  }
0x4f: {  	_ =	shalt  }
0x50: {  	_ =	shalt  }
0x51: {  	_ =	shalt  }
0x52: {  	_ =	shalt  }
0x53: {  	_ =	shalt  }
0x54: {  	_ =	shalt  }
0x55: {  	_ =	shalt  }
0x56: {  	_ =	shalt  }
0x57: {  	_ =	shalt  }
0x58: {  	_ =	shalt  }
0x59: {  	_ =	shalt  }
0x5a: {  	_ =	shalt  }
0x5b: {  	_ =	shalt  }
0x5c: {  	_ =	shalt  }
0x5d: {  	_ =	shalt  }
0x5e: {  	_ =	shalt  }
0x5f: {  	_ =	shalt  }
0x60: {  	_ =	shalt  }
0x61: {  	_ =	shalt  }
0x62: {  	_ =	shalt  }
0x63: {  	_ =	shalt  }
0x64: {  	_ =	shalt  }
0x65: {  	_ =	shalt  }
0x66: {  	_ =	shalt  }
0x67: {  	_ =	shalt  }
0x68: {  	_ =	shalt  }
0x69: {  	_ =	shalt  }
0x6a: {  	_ =	shalt  }
0x6b: {  	_ =	shalt  }
0x6c: {  	_ =	shalt  }
0x6d: {  	_ =	shalt  }
0x6e: {  	_ =	shalt  }
0x6f: {  	_ =	shalt  }
0x70: {  	_ =	shalt  }
0x71: {  	_ =	shalt  }
0x72: {  	_ =	shalt  }
0x73: {  	_ =	shalt  }
0x74: {  	_ =	shalt  }
0x75: {  	_ =	shalt  }
0x76: {  	_ =	shalt  }
0x77: {  	_ =	shalt  }
0x78: {  	_ =	shalt  }
0x79: {  	_ =	shalt  }
0x7a: {  	_ =	shalt  }
0x7b: {  	_ =	shalt  }
0x7c: {  	_ =	shalt  }
0x7d: {  	_ =	shalt  }
0x7e: {  	_ =	shalt  }
0x7f: {  	_ =	shalt  }
0x80: {  	_ =	shalt  }
0x81: {  	_ =	shalt  }
0x82: {  	_ =	shalt  }
0x83: {  	_ =	shalt  }
0x84: {  	_ =	shalt  }
0x85: {  	_ =	shalt  }
0x86: {  	_ =	shalt  }
0x87: {  	_ =	shalt  }
.Lfunc_end0:
.L_simem_size_0:
called_computation_lowered:
.L_overlay_start_0:
0x88: {  	s2 =	sld [smem:$0x3FD9]  }
0x89: {  	s3 =	sld [smem:$0x3FFE];
	_ =	sdelay $0x1  }
0x8a: {  	s1 =	srdreg.scid  }
0x8b: {  	s0 =	sand.u32 $0x1, s1  }
0x8c: {  	s17 =	sshll.u32 s0, $0xA;
	s2 =	sadd.s32 s3, s2  }
0x8d: {  	s2 =	sadd.s32 s2, s17  }
0x8e: {  	[smem:$0x3FB8] =	sst s2  }
0x8f: {  	_ = 	snop  }
0x90: {  	s2 =	sld [smem:$0x3FC0]  }
0x91: {  	s18 =	sld [smem:$0x3FD0];
	(tm) =	ssettm $0x1  }
0x92: {  	s4 =	sld [smem:$0x3FFB];
	_ =	sdelay $0x3  }
0x93: {  	_ =	strace s4  }
0x94: {  	s4 =	sld [smem:$0x3FFC];
	_ =	sdelay $0x3  }
0x95: {  	_ =	strace s4  }
0x96: {  	s4 =	sld [smem:$0x3FFD];
	_ =	sdelay $0x3  }
0x97: {  	_ =	strace s4  }
0x98: {  	_ =	strace $0x8FFFFFFF  }
0x99: {  	s19 =	sld [smem:$0x3FDB];
	_ =	sdelay $0x1  }
0x9a: {  	s5 =	simm.s32 $_scs_section_size  }
0x9b: {  	s6 =	simm.s32 $_size__tile_overlayer_lowered;
	s7 =	simm.s32 $_tile_overlayer_lowered  }
0x9c: {  	s22 =	simm.s32 $0x1BFF;
	s21 =	sshll.u32 s7, $0x1;
	s4 =	sadd.s32 s5, s19  }
0x9d: {  	s8 =	simm.s32 $0x0;
	s20 =	sshll.u32 s6, $0x1;
	s6 =	sadd.s32 s21, s4  }
0x9e: {  	[timem:s8], [sflag:s22] =	dma.local [hbm:s6], s20  }
0x9f: {  	_ =	swait.ge [sflag:s22], s20  }
0xa0: {  	s5 =	ssub.s32 $0x0, s20;
	[sflag:s22] =	ssyncset.done $0x0  }
0xa1: {  	[sflag:s22] =	ssyncadd.s32 s5;
	_ =	sdelay $0x1  }
0xa2: {  	s23 =	simm.s32 $0x1B8B  }
0xa3: {  	_ =	swait.ge [sflag:s23], $0x1  }
0xa4: {  	[sflag:s23] =	ssyncset.done $0x0  }
0xa5: {  	s25 =	simm.s32 $0x1B8E;
	s24 =	sld [smem:$0x3FFE];
	[sflag:s23] =	ssyncadd.s32 $0xFFFFFFFF  }
0xa6: {  	s26 =	simm.s32 $execute0_lowered;
	[smem:$0x3FD2] =	sst s25  }
0xa7: {  	s6 =	sshll.u32 s26, $0x1;
	_ =	strace $0x80000046;
	[dreg:$0x1] =	wrdreg $0xFFFFFFFF  }
0xa8: {  	s28 =	simm.s32 $_size_execute0_lowered;
	s4 =	sadd.s32 s4, s6;
	[dreg:$0x0] =	wrdreg $0x0  }
0xa9: {  	s6 =	sshll.u32 s28, $0x1;
	[dreg:$0x2] =	wrdreg s4  }
0xaa: {  	[dreg:$0x3] =	wrdreg s6  }
0xab: {  	[dreg:$0x4] =	wrdreg $0xC0  }
0xac: {  	_ =	task [dreg:s8], $0x5FFFF  }
0xad: {  	[dreg:$0x1] =	wrdreg $0xFFFFFFFF  }
0xae: {  	[dreg:$0x0] =	wrdreg $0x60  }
0xaf: {  	[dreg:$0x2] =	wrdreg s24  }
0xb0: {  	[dreg:$0x3] =	wrdreg s18  }
0xb1: {  	[dreg:$0x4] =	wrdreg s2  }
0xb2: {  	[dreg:$0x5] =	wrdreg $0x9  }
0xb3: {  	_ =	task.clear_ibuf [dreg:s8], $0x6FFFF;
	_ =	strace $0x90000046  }
0xb4: {  	s29 =	simm.s32 $0x9;
	_ =	strace $0x80000048  }
0xb5: {  	_ =	swait.ge [sflag:s29], $0x1  }
0xb6: {  	[sflag:s29] =	ssyncadd.s32 $0xFFFFFFFF  }
0xb7: {  	_ =	strace $0x90000048  }
0xb8: {  	_ =	sfence  }
0xb9: {  	s30 =	sld [smem:$0x0];
	_ =	sdelay $0x2  }
0xba: {  	s31 =	sshll.u32 s1, $0xD;
	s1 =	sshrl.u32 s1, $0x2  }
0xbb: {  	s3 =	sand.u32 $0x4000, s31;
	s1 =	sadd.s32 s1, s30  }
0xbc: {  	s0 =	sor.u32 s3, s0;
	s1 =	sshll.u32 s1, $0x11  }
0xbd: {  	s0 =	sor.u32 s1, s0  }
0xbe: {  	s0 =	sadd.s32 $0x8F2B, s0  }
0xbf: {  	[sflag:s0] =	ssyncadd.remote.s32 $0x1  }
0xc0: {  	_ =	sfence.sel $0xFFFF  }
0xc1: {  	[dreg:$0x0] =	wrdreg $0xFFFFFFFF;
	(pc) =	sbr.abs _section_cstart, $3  }
0xc2: {  	[dreg:$0x1] =	wrdreg $0xFFFFFFFF  }
0xc3: {  	_ =	task.clear_ibuf [dreg:s8], $0x2FFFF;
	_ =	strace $0x9FFFFFFF  }
0xc4: {  	(tm) =	ssettm $0x7FFFFFFF  }
0xc5: {  	_ =	shalt  }
tec
execute0_lowered:
.L_overlay_start_1:
0x0: {  	(tag) =	ssettag $0x1  }
0x1: {  	s0 =	rddreg [dreg:$0x0]  }
0x2: {  	s1 =	rddreg [dreg:$0x1];
	s3 =	simm.s32 $0x0  }
0x3: {  	s2 =	srdreg.scid;
	s8 =	stileid.u32;
	s14 =	simm.s32 $0x2  }
0x4: {  	s15 =	simm.s32 $0x2740;
	s16 =	simm.s32 $0x4E80;
	s18 =	simm.s32 $0x75D0  }
0x5: {  	s19 =	simm.s32 $0x75E0;
	s20 =	simm.s32 $0x75F0;
	s21 =	simm.s32 $0x7600  }
0x6: {  	s22 =	simm.s32 $0x7700;
	s23 =	simm.s32 $0x7800;
	s24 =	simm.s32 $0x7900  }
0x7: {  	s25 =	simm.s32 $0x1;
	s26 =	simm.s32 $0x7A00;
	[smem:$0x7FF] =	sst s3  }
0x8: {  	s4 =	sadd.s32 $0x5800, s0;
	s6 =	sadd.s32 $0x3E00, s0;
	s7 =	sadd.s32 $0x2400, s0  }
0x9: {  	v0 =	vlaneseq.u32;
	v1 =	vimm.s32 $0x0;
	s5 =	sadd.s32 $0x1E00, s0;
	s2 =	sand.u32 $0x1, s2;
	s28 =	sadd.s32 $0x1800, s0  }
0xa: {  	v2 =	vimm.s32 $0x1;
	v3 =	vimm.s32 $0x2;
	v4 =	vimm.s32 $0x3;
	s8 =	sshll.u32 s8, $0x1;
	s9 =	sadd.s32 $0x1200, s0;
	s29 =	ssub.s32 $0x2, s2  }
0xb: {  	v5 =	vimm.s32 $0x4;
	v6 =	vimm.s32 $0x5;
	v7 =	vimm.s32 $0x6;
	_ =	strace $0x80000047;
	[dreg:$0x4] =	wrdreg s5;
	s30 =	sshrl.u32 s29, $0x1  }
0xc: {  	v8 =	vimm.s32 $0x7;
	v9 =	vimm.s32 $0x8;
	v10 =	vimm.s32 $0x9;
	s11 =	sadd.s32 $0x7200, s0;
	[dreg:$0x5] =	wrdreg s28;
	s31 =	ssub.s32 s29, s30  }
0xd: {  	v11 =	vimm.s32 $0xA;
	v12 =	vimm.s32 $0xB;
	v13 =	vimm.s32 $0xC;
	[dreg:$0x6] =	wrdreg s9;
	s2 =	sor.u32 s2, s8;
	s0 =	smax.u32 s31, $0x1  }
0xe: {  	v14 =	vimm.s32 $0xD;
	v15 =	vimm.s32 $0xE;
	v16 =	vimm.s32 $0xF;
	s12 =	smul.u32 $0x620, s2;
	s2 =	simm.s32 $0x0;
	[dreg:$0x7] =	wrdreg s0  }
.LBB2_1:
0xf: {  	[dreg:$0x8] =	wrdreg s2  }
0x10: {  	s0 =	rddreg [dreg:$0x4]  }
0x11: {  	[tilespmem:s3], [sflag:$0x2] =	stream.linear.gather [hbm4b:s0+s3], $0x2740, $0x38;
	[tilespmem:$0x7B00] =	vst v63  }
0x12: {  	_ =	swait.ge [sflag:s14], $0x2740  }
0x13: {  	[sflag:s14] =	ssyncset.done $0x0  }
0x14: {  	s17 =	rddreg [dreg:$0x5];
	[sflag:s14] =	ssyncadd.s32 $0xFFFFD8C0  }
0x15: {  	[tilespmem:s15], [sflag:$0x2] =	stream.linear.gather [hbm4b:s17+s3], $0x2740, $0x38;
	[tilespmem:$0x7B00] =	vst v63  }
0x16: {  	_ =	swait.ge [sflag:s14], $0x2740  }
0x17: {  	[sflag:s14] =	ssyncset.done $0x0  }
0x18: {  	s28 =	rddreg [dreg:$0x6];
	[sflag:s14] =	ssyncadd.s32 $0xFFFFD8C0  }
0x19: {  	[tilespmem:s16], [sflag:$0x2] =	stream.linear.gather [hbm4b:s28+s3], $0x2740, $0x38;
	[tilespmem:$0x7B00] =	vst v63  }
0x1a: {  	_ =	swait.ge [sflag:s14], $0x2740  }
0x1b: {  	[sflag:s14] =	ssyncset.done $0x0  }
0x1c: {  	[sflag:s14] =	ssyncadd.s32 $0xFFFFD8C0  }
0x1d: {  	s31 =	simm.s32 $0x75C0;
	s30 =	rddreg [dreg:$0x2]  }
0x1e: {  	[tilespmem:s31], [sflag:$0x2] =	stream.linear.gather [hbm4b:s30+s3], $0x10, $0x38;
	[tilespmem:$0x7B00] =	vst v63  }
0x1f: {  	_ =	swait.ge [sflag:s14], $0x10  }
0x20: {  	[sflag:s14] =	ssyncset.done $0x0  }
0x21: {  	[sflag:s14] =	ssyncadd.s32 $0xFFFFFFF0  }
0x22: {  	s29 =	simm.s32 $0x0;
	v17 =	vld [tilespmem:$0x75C0]  }
.LBB2_2:
0x23: {  	s0 =	sshll.u32 s29, $0x4  }
0x24: {  	s30 =	sadd.s32 s12, s0  }
0x25: {  	s0 =	sshrl.u32 s30, $0x3  }
0x26: {  	s31 =	simm.s32 $0x0;
	s2 =	sadd.s32 s4, s0  }
0x27: {  	[tilespmem:s18], [sflag:$0x2] =	stream.linear.gather [hbm4b:s2+s31], $0x10, $0x38;
	[tilespmem:$0x7B00] =	vst v63  }
0x28: {  	_ =	swait.ge [sflag:s14], $0x10  }
0x29: {  	[sflag:s14] =	ssyncset.done $0x0  }
0x2a: {  	s28 =	sadd.s32 s6, s0;
	[sflag:s14] =	ssyncadd.s32 $0xFFFFFFF0  }
0x2b: {  	[tilespmem:s19], [sflag:$0x2] =	stream.linear.gather [hbm4b:s28+s31], $0x10, $0x38;
	[tilespmem:$0x7B00] =	vst v63  }
0x2c: {  	_ =	swait.ge [sflag:s14], $0x10  }
0x2d: {  	[sflag:s14] =	ssyncset.done $0x0  }
0x2e: {  	s0 =	sadd.s32 s7, s0;
	[sflag:s14] =	ssyncadd.s32 $0xFFFFFFF0  }
0x2f: {  	[tilespmem:s20], [sflag:$0x2] =	stream.linear.gather [hbm4b:s0+s31], $0x10, $0x38;
	[tilespmem:$0x7B00] =	vst v63  }
0x30: {  	_ =	swait.ge [sflag:s14], $0x10  }
0x31: {  	[sflag:s14] =	ssyncset.done $0x0  }
0x32: {  	[sflag:s14] =	ssyncadd.s32 $0xFFFFFFF0  }
0x33: {  	v18 =	vld [tilespmem:$0x75D0]  }
0x34: {  	v19 =	vld [tilespmem:$0x75E0]  }
0x35: {  	v20 =	vld [tilespmem:$0x75F0]  }
.LBB2_3:
0x36: {  	s8 =	simm.s32 $0x4EA0  }
0x37: {  	v34 =	vld [tilespmem:s8+$0x10]  }
0x38: {  	s0 =	sshll.u32 s31, $0x2;
	v35 =	vld [tilespmem:s8+$0x0]  }
0x39: {  	v23 =	vmov s0;
	v36 =	vld [tilespmem:s8+$0xFFFFFFF0];
	s2 =	sor.u32 $0x1, s0;
	s5 =	sor.u32 $0x2, s0  }
0x3a: {  	s9 =	simm.s32 $0x20;
	s0 =	sshllo.u32 s31, $0x2;
	v38 =	vld [tilespmem:s8+$0xFFFFFFE0];
	v30 =	vperm.xlane v18, v23;
	v26 =	vmov s2;
	v37 =	vmov s5  }
0x3b: {  	s17 =	simm.s32 $0x2760;
	v40 =	vld [tilespmem:s9+$0xFFFFFFE0];
	v39 =	vmov s0;
	v27 =	vperm.xlane v18, v26;
	v31 =	vperm.xlane v20, v23  }
0x3c: {  	v41 =	vld [tilespmem:s17+$0xFFFFFFE0];
	v24 =	vperm.xlane v18, v37;
	v22 =	vperm.xlane v18, v39  }
0x3d: {  	v28 =	vperm.xlane v20, v26;
	v25 =	vperm.xlane v20, v37;
	v33 =	vsub.f32 v34, v31  }
0x3e: {  	v32 =	vperm.xlane v19, v23;
	v42 =	vsub.f32 v36, v31;
	v43 =	vsub.f32 v35, v31  }
0x3f: {  	v29 =	vperm.xlane v19, v26;
	v44 =	vsub.f32 v36, v28;
	v45 =	vsub.f32 v36, v25  }
0x40: {  	v21 =	vperm.xlane v20, v39;
	v46 =	vsub.f32 v38, v31;
	v47 =	vsub.f32 v38, v28  }
0x41: {  	v26 =	vperm.xlane v19, v37;
	v60 =	vsub.f32 v40, v30;
	v49 =	vsub.f32 v41, v32  }
0x42: {  	v23 =	vperm.xlane v19, v39;
	v61 =	vsub.f32 v40, v27;
	v50 =	vsub.f32 v41, v29  }
0x43: {  	v52 =	vsub.f32 v40, v24;
	v53 =	vsub.f32 v41, v26;
	v37 =	vmul.f32 v60, v60  }
0x44: {  	v40 =	vsub.f32 v40, v22;
	v49 =	vmul.f32 v49, v49;
	v39 =	vmul.f32 v61, v61  }
0x45: {  	v41 =	vsub.f32 v41, v23;
	v50 =	vmul.f32 v50, v50;
	v46 =	vmul.f32 v46, v46  }
0x46: {  	v48 =	vsub.f32 v38, v25;
	v62 =	vmul.f32 v52, v52;
	v63 =	vmul.f32 v53, v53;
	v52 =	vld [tilespmem:s9+$0xFFFFFFF0]  }
0x47: {  	v38 =	vsub.f32 v38, v21;
	v40 =	vmul.f32 v40, v40;
	v41 =	vmul.f32 v41, v41  }
0x48: {  	v47 =	vmul.f32 v47, v47;
	v37 =	vadd.f32 v49, v37;
	v39 =	vadd.f32 v50, v39  }
0x49: {  	s10 =	simm.s32 $0x0;
	v48 =	vmul.f32 v48, v48;
	v56 =	vadd.f32 v63, v62;
	v57 =	vadd.f32 v41, v40  }
0x4a: {  	v51 =	vor.u32 s10, v0;
	v37 =	vadd.f32 v46, v37;
	v46 =	vld [tilespmem:s17+$0xFFFFFFF0];
	v39 =	vadd.f32 v47, v39  }
0x4b: {  	v38 =	vmul.f32 v38, v38;
	v58 =	vadd.f32 v48, v56;
	v59 =	vsub.f32 v52, v30  }
0x4c: {  	v61 =	vsub.f32 v52, v27;
	v63 =	vsub.f32 v52, v24;
	(xrf1) =	vsort.dscd.msk.f32 $0xffff, v37, v51  }
0x4d: {  	v54 =	vmul.f32 v44, v44;
	v56 =	vsub.f32 v52, v22;
	v37 =	vadd.f32 v38, v57  }
0x4e: {  	(xrf1) =	vsort.dscd.msk.f32 $0xffff, v39, v51;
	v38 =	vmul.f32 v59, v59;
	v41 =	vmul.f32 v61, v61  }
0x4f: {  	v57 =	vmul.f32 v63, v63;
	(xrf1) =	vsort.dscd.msk.f32 $0xffff, v58, v51;
	v60 =	vsub.f32 v46, v32  }
0x50: {  	v62 =	vsub.f32 v46, v29;
	(xrf1) =	vsort.dscd.msk.f32 $0xffff, v37, v51;
	v55 =	vsub.f32 v46, v26  }
0x51: {  	v48 =	vld [tilespmem:s9+$0x0];
	v58 =	vmul.f32 v56, v56;
	v46 =	vsub.f32 v46, v23;
	v40 =	vmul.f32 v60, v60  }
0x52: {  	v36 =	vsub.f32 v36, v21;
	v47 =	vmul.f32 v62, v62;
	v44 =	vmul.f32 v55, v55  }
0x53: {  	v51 =	vsub.f32 v34, v21;
	v46 =	vmul.f32 v46, v46;
	v38 =	vadd.f32 v40, v38  }
0x54: {  	v53 =	vmul.f32 v42, v42;
	v41 =	vadd.f32 v47, v41;
	v59 =	vadd.f32 v44, v57  }
0x55: {  	v60 =	vmul.f32 v45, v45;
	v44 =	vld [tilespmem:s17+$0x0];
	v61 =	vadd.f32 v46, v58;
	v40 =	vsub.f32 v35, v28  }
0x56: {  	v36 =	vmul.f32 v36, v36;
	v46 =	vsub.f32 v48, v30;
	v37 =	vadd.f32 v53, v38  }
0x57: {  	s28 =	simm.s32 $0x10;
	v33 =	vmul.f32 v33, v33;
	v41 =	vadd.f32 v54, v41;
	v38 =	vadd.f32 v60, v59  }
0x58: {  	v39 =	vor.u32 s28, v0;
	v36 =	vadd.f32 v36, v61;
	v60 =	vsub.f32 v48, v27  }
0x59: {  	v40 =	vmul.f32 v40, v40;
	(xrf1) =	vsort.dscd.msk.f32 $0xffff, v37, v39;
	v37 =	vsub.f32 v35, v25  }
0x5a: {  	v62 =	vimm.f32 $1.000000020e+30;
	v47 =	vmul.f32 v60, v60;
	(xrf1) =	vsort.dscd.msk.f32 $0xffff, v41, v39;
	v55 =	vsub.f32 v44, v32;
	v52, v63, _ =	vpop (xrf1)  }
0x5b: {  	v53 =	vimm.s32 $0x0;
	v61 =	vsub.f32 v44, v29;
	(xrf1) =	vsort.dscd.msk.f32 $0xffff, v38, v39;
	vm0 =	vle.f32 v62, v52  }
0x5c: {  	(xrf1) =	vsort.dscd.msk.f32 $0xffff, v36, v39;
	v54, v49, _ =	vpop (xrf1);
	v56 =	vsel vm0, v62, v52;
	v57 =	vsel vm0, v53, v63  }
0x5d: {  	vm5 =	vle.f32 v62, v54;
	v36, v39, _ =	vpop (xrf1);
	v52 =	vsub.f32 v44, v26;
	(xrf1) =	vsort.ascd.msk.f32 $0xffff, v56, v57  }
0x5e: {  	v58 =	vsel vm5, v62, v54;
	v59 =	vsel vm5, v53, v49;
	vm6 =	vle.f32 v62, v36;
	v42, v45, _ =	vpop (xrf1)  }
0x5f: {  	v54 =	vmul.f32 v55, v55;
	(xrf1) =	vsort.ascd.msk.f32 $0xffff, v58, v59;
	vm7 =	vle.f32 v62, v42  }
0x60: {  	v36 =	vsel vm6, v62, v36;
	v39 =	vsel vm6, v53, v39;
	v41 =	vsel vm7, v62, v42  }
0x61: {  	v38 =	vsel vm7, v53, v45;
	(xrf1) =	vsort.ascd.msk.f32 $0xffff, v36, v39;
	v62 =	vsub.f32 v48, v24  }
0x62: {  	v53 =	vmul.f32 v46, v46;
	v39 =	vmul.f32 v61, v61;
	(xrf1) =	vsort.ascd.msk.f32 $0xffff, v41, v38  }
0x63: {  	v44 =	vsub.f32 v44, v23;
	v41 =	vmul.f32 v52, v52;
	v42 =	vmul.f32 v62, v62  }
0x64: {  	v63 =	vmul.f32 v43, v43;
	v55 =	vsub.f32 v48, v22;
	v46 =	vld [tilespmem:s9+$0x10];
	v43 =	vadd.f32 v54, v53  }
0x65: {  	v44 =	vmul.f32 v44, v44;
	v39 =	vadd.f32 v39, v47;
	v41 =	vadd.f32 v41, v42;
	v42 =	vld [tilespmem:s17+$0x10]  }
0x66: {  	s13 =	simm.s32 $0x20;
	v35 =	vsub.f32 v35, v21;
	v37 =	vmul.f32 v37, v37;
	v38 =	vadd.f32 v63, v43  }
0x67: {  	v36 =	vor.u32 s13, v0;
	v56 =	vmul.f32 v55, v55;
	v39 =	vadd.f32 v40, v39;
	v57, v48, _ =	vpop (xrf1)  }
0x68: {  	v35 =	vmul.f32 v35, v35;
	v37 =	vadd.f32 v37, v41;
	(xrf1) =	vsort.dscd.msk.f32 $0xffff, v38, v36;
	v59, v58, _ =	vpop (xrf1)  }
0x69: {  	v60 =	vadd.f32 v44, v56;
	v41 =	vsub.f32 v34, v28;
	v44, v45, _ =	vpop (xrf1);
	(xrf1) =	vsort.dscd.msk.f32 $0xffff, v39, v36  }
0x6a: {  	v39 =	vsub.f32 v46, v30;
	v38, v50, _ =	vpop (xrf1);
	(xrf1) =	vsort.dscd.msk.f32 $0xffff, v37, v36;
	v37 =	vsub.f32 v42, v32  }
0x6b: {  	v35 =	vadd.f32 v35, v60;
	v40 =	vsub.f32 v34, v25;
	v49 =	vmul.f32 v41, v41;
	v62, v61, _ =	vpop (xrf1)  }
0x6c: {  	v39 =	vmul.f32 v39, v39;
	v37 =	vmul.f32 v37, v37;
	vm8 =	vle.f32 v62, v57  }
0x6d: {  	v63, v54, _ =	vpop (xrf1);
	(xrf1) =	vsort.dscd.msk.f32 $0xffff, v35, v36;
	v34 =	vsel vm8, v62, v57;
	v52 =	vsel vm8, v61, v48  }
0x6e: {  	vm9 =	vle.f32 v63, v59;
	v57 =	vsub.f32 v46, v27;
	v48 =	vsub.f32 v46, v24  }
0x6f: {  	v55, v56, _ =	vpop (xrf1);
	v53 =	vsel vm9, v63, v59;
	v54 =	vsel vm9, v54, v58;
	(xrf1) =	vsort.ascd.msk.f32 $0xffff, v34, v52  }
0x70: {  	vm10 =	vle.f32 v55, v44;
	v59, v58, _ =	vpop (xrf1);
	v63 =	vsub.f32 v42, v29;
	(xrf1) =	vsort.ascd.msk.f32 $0xffff, v53, v54  }
0x71: {  	v60 =	vsel vm10, v55, v44;
	v61 =	vsel vm10, v56, v45;
	vm11 =	vle.f32 v59, v38  }
0x72: {  	v35 =	vsel vm11, v59, v38;
	v62 =	vsel vm11, v58, v50;
	(xrf1) =	vsort.ascd.msk.f32 $0xffff, v60, v61  }
0x73: {  	v50 =	vsub.f32 v42, v26;
	v42 =	vsub.f32 v42, v23;
	(xrf1) =	vsort.ascd.msk.f32 $0xffff, v35, v62  }
0x74: {  	v52 =	vsub.f32 v46, v22;
	v53 =	vmul.f32 v57, v57;
	v43 =	vmul.f32 v48, v48  }
0x75: {  	s10 =	simm.s32 $0x4EE0;
	v39 =	vadd.f32 v37, v39;
	v54 =	vmul.f32 v63, v63;
	v42 =	vmul.f32 v42, v42  }
0x76: {  	v37 =	vld [tilespmem:s10+$0xFFFFFFF0];
	v41 =	vmul.f32 v52, v52;
	v38 =	vmul.f32 v50, v50  }
0x77: {  	s17 =	simm.s32 $0x30;
	v34 =	vld [tilespmem:s10+$0x10];
	v33 =	vadd.f32 v33, v39;
	v44 =	vadd.f32 v54, v53  }
0x78: {  	v55 =	vmul.f32 v40, v40;
	v56 =	vor.u32 s17, v0;
	v54 =	vld [tilespmem:s10+$0xFFFFFFE0];
	v38 =	vadd.f32 v38, v43  }
0x79: {  	v36 =	vld [tilespmem:s10+$0x0];
	v60 =	vmul.f32 v51, v51;
	v58, v46, _ =	vpop (xrf1);
	v35 =	vadd.f32 v49, v44;
	v59 =	vadd.f32 v42, v41  }
0x7a: {  	v38 =	vadd.f32 v55, v38;
	v41, v42, _ =	vpop (xrf1);
	(xrf1) =	vsort.dscd.msk.f32 $0xffff, v33, v56  }
0x7b: {  	s8 =	simm.s32 $0x60;
	v40 =	vsub.f32 v37, v28;
	v61 =	vadd.f32 v60, v59;
	v47, v48, _ =	vpop (xrf1);
	(xrf1) =	vsort.dscd.msk.f32 $0xffff, v35, v56  }
0x7c: {  	v45 =	vld [tilespmem:s8+$0xFFFFFFE0];
	v39 =	vsub.f32 v37, v25;
	v33 =	vsub.f32 v34, v31;
	v49, v50, _ =	vpop (xrf1);
	(xrf1) =	vsort.dscd.msk.f32 $0xffff, v38, v56  }
0x7d: {  	v43 =	vsub.f32 v54, v25;
	v44 =	vsub.f32 v54, v21;
	v62, v51, _ =	vpop (xrf1)  }
0x7e: {  	v35 =	vsub.f32 v36, v31;
	(xrf1) =	vsort.dscd.msk.f32 $0xffff, v61, v56;
	vm12 =	vle.f32 v62, v58;
	v63, v57, _ =	vpop (xrf1)  }
0x7f: {  	s17 =	simm.s32 $0x27A0;
	v58 =	vsel vm12, v62, v58;
	v59 =	vsel vm12, v51, v46;
	vm13 =	vle.f32 v63, v41  }
0x80: {  	v53 =	vld [tilespmem:s17+$0xFFFFFFE0];
	v60, v61, _ =	vpop (xrf1);
	v41 =	vsel vm13, v63, v41;
	v42 =	vsel vm13, v57, v42;
	(xrf1) =	vsort.ascd.msk.f32 $0xffff, v58, v59  }
0x81: {  	vm14 =	vle.f32 v60, v47;
	v62, v51, _ =	vpop (xrf1);
	v59 =	vsub.f32 v45, v30;
	(xrf1) =	vsort.ascd.msk.f32 $0xffff, v41, v42  }
0x82: {  	v63 =	vsel vm14, v60, v47;
	v52 =	vsel vm14, v61, v48;
	vm15 =	vle.f32 v62, v49  }
0x83: {  	v55 =	vsel vm15, v62, v49;
	v58 =	vsel vm15, v51, v50;
	(xrf1) =	vsort.ascd.msk.f32 $0xffff, v63, v52  }
0x84: {  	v38 =	vsub.f32 v37, v31;
	v57 =	vsub.f32 v54, v28;
	(xrf1) =	vsort.ascd.msk.f32 $0xffff, v55, v58  }
0x85: {  	v48 =	vsub.f32 v54, v31;
	v60 =	vsub.f32 v53, v32;
	v42 =	vmul.f32 v59, v59  }
0x86: {  	s28 =	simm.s32 $0x40;
	v61 =	vsub.f32 v45, v27;
	v62 =	vsub.f32 v53, v29  }
0x87: {  	v41 =	vor.u32 s28, v0;
	v50 =	vsub.f32 v45, v24;
	v63 =	vmul.f32 v60, v60  }
0x88: {  	v51 =	vsub.f32 v53, v26;
	v56 =	vmul.f32 v61, v61;
	v58 =	vmul.f32 v62, v62;
	v49, v47, _ =	vpop (xrf1)  }
0x89: {  	v52 =	vsub.f32 v45, v22;
	v53 =	vsub.f32 v53, v23;
	v55 =	vmul.f32 v48, v48;
	v48, v46, _ =	vpop (xrf1)  }
0x8a: {  	s9 =	simm.s32 $0x70;
	s13 =	simm.s32 $0xB0;
	v57 =	vmul.f32 v57, v57;
	v54 =	vadd.f32 v63, v42;
	v56 =	vadd.f32 v58, v56;
	v45, v42, _ =	vpop (xrf1)  }
.LBB2_4:
0x8b: {  	v43 =	vmul.f32 v43, v43  }
0x8c: {  	p0 =	sne.s32 s13, $0x2730;
	v59 =	vadd.f32 v55, v54;
	v44 =	vmul.f32 v44, v44;
	v55, v58, _ =	vpop (xrf1);
	v50 =	vmul.f32 v50, v50  }
0x8d: {  	v60 =	vmul.f32 v51, v51;
	v61 =	vadd.f32 v57, v56;
	v53 =	vmul.f32 v53, v53  }
0x8e: {  	v52 =	vmul.f32 v52, v52;
	(xrf1) =	vsort.dscd.msk.f32 $0xffff, v59, v41;
	v54, v57, _ =	vpop (xrf1)  }
0x8f: {  	v50 =	vadd.f32 v60, v50;
	(xrf1) =	vsort.dscd.msk.f32 $0xffff, v61, v41;
	vm0 =	vle.f32 v54, v49;
	v51, v56, _ =	vpop (xrf1)  }
0x90: {  	v49 =	vsel vm0, v54, v49;
	v47 =	vsel vm0, v57, v47;
	vm0 =	vle.f32 v51, v48  }
0x91: {  	v54 =	vld [tilespmem:s8+$0xFFFFFFF0];
	v48 =	vsel vm0, v51, v48;
	v46 =	vsel vm0, v56, v46;
	v51, v56, _ =	vpop (xrf1);
	(xrf1) =	vsort.ascd.msk.f32 $0xffff, v49, v47  }
0x92: {  	v47 =	vadd.f32 v53, v52;
	v49 =	vld [tilespmem:s17+$0xFFFFFFF0];
	vm0 =	vle.f32 v51, v45;
	v52, v53, _ =	vpop (xrf1);
	(xrf1) =	vsort.ascd.msk.f32 $0xffff, v48, v46  }
0x93: {  	v45 =	vsel vm0, v51, v45;
	v42 =	vsel vm0, v56, v42;
	vm0 =	vle.f32 v52, v55  }
0x94: {  	v46 =	vsel vm0, v52, v55;
	v48 =	vsel vm0, v53, v58;
	(xrf1) =	vsort.ascd.msk.f32 $0xffff, v45, v42  }
0x95: {  	v37 =	vsub.f32 v37, v21;
	v42 =	vadd.f32 v43, v50;
	(xrf1) =	vsort.ascd.msk.f32 $0xffff, v46, v48  }
0x96: {  	v38 =	vmul.f32 v38, v38;
	v43 =	vadd.f32 v44, v47;
	v44 =	vsub.f32 v54, v30  }
0x97: {  	s28 =	sadd.s32 $0xFFFFFFE0, s9;
	v46 =	vsub.f32 v54, v27;
	v45 =	vsub.f32 v49, v32;
	(xrf1) =	vsort.dscd.msk.f32 $0xffff, v42, v41  }
0x98: {  	v48 =	vsub.f32 v54, v24;
	v42 =	vor.u32 s28, v0;
	v47 =	vsub.f32 v49, v29;
	(xrf1) =	vsort.dscd.msk.f32 $0xffff, v43, v41  }
0x99: {  	v40 =	vmul.f32 v40, v40;
	v39 =	vmul.f32 v39, v39;
	v41 =	vsub.f32 v49, v26  }
0x9a: {  	v43 =	vmul.f32 v44, v44;
	v44 =	vmul.f32 v45, v45;
	v45 =	vsub.f32 v54, v22  }
0x9b: {  	v57 =	vmul.f32 v46, v46;
	v49 =	vsub.f32 v49, v23;
	v47 =	vmul.f32 v47, v47  }
0x9c: {  	v41 =	vmul.f32 v41, v41;
	v43 =	vadd.f32 v44, v43;
	v44 =	vmul.f32 v48, v48;
	v48, v50, _ =	vpop (xrf1)  }
0x9d: {  	v56 =	vmul.f32 v49, v49;
	v55 =	vadd.f32 v47, v57;
	v53 =	vmul.f32 v45, v45;
	v49 =	vld [tilespmem:s8+$0x0];
	v51, v52, _ =	vpop (xrf1)  }
0x9e: {  	v35 =	vmul.f32 v35, v35;
	v54 =	vadd.f32 v38, v43;
	v41 =	vadd.f32 v41, v44;
	v43 =	vld [tilespmem:s17+$0x0]  }
0x9f: {  	v37 =	vmul.f32 v37, v37;
	v40 =	vadd.f32 v40, v55;
	v44 =	vadd.f32 v56, v53;
	v45, v46, _ =	vpop (xrf1)  }
0xa0: {  	v55 =	vadd.f32 v39, v41;
	v41 =	vsub.f32 v36, v28;
	(xrf1) =	vsort.dscd.msk.f32 $0xffff, v54, v42;
	v38, v47, _ =	vpop (xrf1)  }
0xa1: {  	v56 =	vadd.f32 v37, v44;
	v44 =	vsub.f32 v36, v25;
	(xrf1) =	vsort.dscd.msk.f32 $0xffff, v40, v42  }
0xa2: {  	v36 =	vsub.f32 v36, v21;
	v40 =	vsub.f32 v49, v30;
	(xrf1) =	vsort.dscd.msk.f32 $0xffff, v55, v42;
	v39, v53, _ =	vpop (xrf1)  }
0xa3: {  	vm0 =	vle.f32 v45, v48;
	v54 =	vsub.f32 v43, v32;
	(xrf1) =	vsort.dscd.msk.f32 $0xffff, v56, v42;
	v37, v42, _ =	vpop (xrf1)  }
0xa4: {  	v55 =	vsel vm0, v45, v48;
	v48 =	vsel vm0, v46, v50;
	vm0 =	vle.f32 v38, v51  }
0xa5: {  	v51 =	vsel vm0, v38, v51;
	v50 =	vsel vm0, v47, v52;
	(xrf1) =	vsort.ascd.msk.f32 $0xffff, v55, v48;
	v45, v46, _ =	vpop (xrf1)  }
0xa6: {  	v48 =	vsub.f32 v49, v27;
	vm0 =	vle.f32 v39, v45;
	(xrf1) =	vsort.ascd.msk.f32 $0xffff, v51, v50;
	v38, v47, _ =	vpop (xrf1)  }
0xa7: {  	v39 =	vsel vm0, v39, v45;
	v45 =	vsel vm0, v53, v46;
	vm0 =	vle.f32 v37, v38  }
0xa8: {  	s28 =	sadd.s32 $0xFFFFFFF0, s9;
	v37 =	vsel vm0, v37, v38;
	v38 =	vsel vm0, v42, v47;
	(xrf1) =	vsort.ascd.msk.f32 $0xffff, v39, v45  }
0xa9: {  	v39 =	vor.u32 s28, v0;
	v42 =	vsub.f32 v43, v29;
	v45 =	vsub.f32 v49, v24;
	(xrf1) =	vsort.ascd.msk.f32 $0xffff, v37, v38  }
0xaa: {  	v47 =	vmul.f32 v48, v48;
	v37 =	vmul.f32 v41, v41;
	v38 =	vsub.f32 v43, v26  }
0xab: {  	v40 =	vmul.f32 v40, v40;
	v46 =	vsub.f32 v49, v22;
	v41 =	vmul.f32 v54, v54  }
0xac: {  	v33 =	vmul.f32 v33, v33;
	v43 =	vsub.f32 v43, v23;
	v42 =	vmul.f32 v42, v42  }
0xad: {  	v40 =	vadd.f32 v41, v40;
	v41 =	vmul.f32 v45, v45;
	v38 =	vmul.f32 v38, v38  }
0xae: {  	v54 =	vmul.f32 v46, v46;
	v52 =	vmul.f32 v43, v43;
	v42 =	vadd.f32 v42, v47;
	v46 =	vld [tilespmem:s8+$0x10];
	v47, v48, _ =	vpop (xrf1)  }
0xaf: {  	v35 =	vadd.f32 v35, v40;
	v38 =	vadd.f32 v38, v41;
	v40 =	vmul.f32 v44, v44;
	v41 =	vld [tilespmem:s17+$0x10];
	v44, v49, _ =	vpop (xrf1)  }
0xb0: {  	v36 =	vmul.f32 v36, v36;
	v53 =	vadd.f32 v37, v42;
	v42 =	vadd.f32 v52, v54;
	v43, v45, _ =	vpop (xrf1)  }
0xb1: {  	v38 =	vadd.f32 v40, v38;
	v40 =	vsub.f32 v34, v28;
	v50, v51, _ =	vpop (xrf1);
	(xrf1) =	vsort.dscd.msk.f32 $0xffff, v35, v39  }
0xb2: {  	v35 =	vadd.f32 v36, v42;
	v42 =	vsub.f32 v34, v25;
	(xrf1) =	vsort.dscd.msk.f32 $0xffff, v53, v39  }
0xb3: {  	v52 =	vsub.f32 v34, v21;
	v36 =	vsub.f32 v46, v30;
	v34, v37, _ =	vpop (xrf1);
	(xrf1) =	vsort.dscd.msk.f32 $0xffff, v38, v39  }
0xb4: {  	vm0 =	vle.f32 v34, v47;
	v38 =	vsub.f32 v41, v32;
	v53, v54, _ =	vpop (xrf1);
	(xrf1) =	vsort.dscd.msk.f32 $0xffff, v35, v39  }
0xb5: {  	v55 =	vsel vm0, v34, v47;
	v35 =	vsel vm0, v37, v48;
	vm0 =	vle.f32 v53, v44  }
0xb6: {  	v37 =	vsel vm0, v53, v44;
	v39 =	vsel vm0, v54, v49;
	v44, v47, _ =	vpop (xrf1);
	(xrf1) =	vsort.ascd.msk.f32 $0xffff, v55, v35  }
0xb7: {  	v35 =	vsub.f32 v46, v27;
	vm0 =	vle.f32 v44, v43;
	v34, v48, _ =	vpop (xrf1);
	(xrf1) =	vsort.ascd.msk.f32 $0xffff, v37, v39  }
0xb8: {  	v37 =	vsel vm0, v44, v43;
	v39 =	vsel vm0, v47, v45;
	vm0 =	vle.f32 v34, v50  }
0xb9: {  	v34 =	vsel vm0, v34, v50;
	v43 =	vsel vm0, v48, v51;
	(xrf1) =	vsort.ascd.msk.f32 $0xffff, v37, v39  }
0xba: {  	v44 =	vsub.f32 v46, v24;
	v39 =	vor.u32 s9, v0;
	v37 =	vsub.f32 v41, v29;
	s9 =	smov.u32 s13;
	(xrf1) =	vsort.ascd.msk.f32 $0xffff, v34, v43  }
0xbb: {  	v40 =	vmul.f32 v40, v40;
	v38 =	vmul.f32 v38, v38;
	v43 =	vsub.f32 v41, v26  }
0xbc: {  	s10 =	sadd.s32 $0x40, s10;
	v45 =	vmul.f32 v36, v36;
	v35 =	vmul.f32 v35, v35;
	v51 =	vsub.f32 v46, v22  }
0xbd: {  	v41 =	vsub.f32 v41, v23;
	v50 =	vmul.f32 v44, v44;
	v53 =	vmul.f32 v37, v37;
	v34 =	vld [tilespmem:s10+$0x10]  }
0xbe: {  	v38 =	vadd.f32 v38, v45;
	v49 =	vmul.f32 v43, v43;
	v36 =	vld [tilespmem:s10+$0x0]  }
0xbf: {  	v51 =	vmul.f32 v51, v51;
	v41 =	vmul.f32 v41, v41;
	v35 =	vadd.f32 v53, v35;
	v37 =	vld [tilespmem:s10+$0xFFFFFFF0];
	v46, v47, _ =	vpop (xrf1)  }
0xc0: {  	v42 =	vmul.f32 v42, v42;
	v33 =	vadd.f32 v33, v38;
	v38 =	vadd.f32 v49, v50;
	v43, v44, _ =	vpop (xrf1)  }
0xc1: {  	v35 =	vadd.f32 v40, v35;
	v40 =	vadd.f32 v41, v51;
	v41 =	vmul.f32 v52, v52;
	v45, v48, _ =	vpop (xrf1)  }
0xc2: {  	v54 =	vadd.f32 v42, v38;
	v49, v50, _ =	vpop (xrf1);
	(xrf1) =	vsort.dscd.msk.f32 $0xffff, v33, v39  }
0xc3: {  	v41 =	vadd.f32 v41, v40;
	v33 =	vsub.f32 v34, v31;
	(xrf1) =	vsort.dscd.msk.f32 $0xffff, v35, v39  }
0xc4: {  	v35 =	vsub.f32 v36, v31;
	v38 =	vsub.f32 v37, v31;
	v51, v52, _ =	vpop (xrf1);
	(xrf1) =	vsort.dscd.msk.f32 $0xffff, v54, v39  }
0xc5: {  	v40 =	vsub.f32 v37, v28;
	vm0 =	vle.f32 v51, v46;
	v42, v53, _ =	vpop (xrf1);
	(xrf1) =	vsort.dscd.msk.f32 $0xffff, v41, v39  }
0xc6: {  	s8 =	sadd.s32 $0x40, s8;
	v41 =	vld [tilespmem:s10+$0xFFFFFFE0];
	v39 =	vsel vm0, v51, v46;
	v54 =	vsel vm0, v52, v47;
	vm0 =	vle.f32 v42, v43  }
0xc7: {  	s17 =	sadd.s32 $0x40, s17;
	v52 =	vld [tilespmem:s8+$0xFFFFFFE0];
	v42 =	vsel vm0, v42, v43;
	v43 =	vsel vm0, v53, v44;
	v44, v47, _ =	vpop (xrf1);
	(xrf1) =	vsort.ascd.msk.f32 $0xffff, v39, v54  }
0xc8: {  	v39 =	vsub.f32 v37, v25;
	v53 =	vld [tilespmem:s17+$0xFFFFFFE0];
	vm0 =	vle.f32 v44, v45;
	v46, v51, _ =	vpop (xrf1);
	(xrf1) =	vsort.ascd.msk.f32 $0xffff, v42, v43  }
0xc9: {  	v42 =	vsel vm0, v44, v45;
	v43 =	vsel vm0, v47, v48;
	vm0 =	vle.f32 v46, v49  }
0xca: {  	v44 =	vsel vm0, v46, v49;
	v45 =	vsel vm0, v51, v50;
	(xrf1) =	vsort.ascd.msk.f32 $0xffff, v42, v43  }
0xcb: {  	v42 =	vsub.f32 v41, v31;
	v57 =	vsub.f32 v41, v28;
	(xrf1) =	vsort.ascd.msk.f32 $0xffff, v44, v45  }
0xcc: {  	v43 =	vsub.f32 v41, v25;
	v44 =	vsub.f32 v41, v21  }
0xcd: {  	s28 =	sadd.s32 $0xFFFFFFD0, s13;
	v45 =	vsub.f32 v52, v30;
	v62 =	vsub.f32 v53, v32  }
.Ltmp0:
0xce: {  	v41 =	vor.u32 s28, v0;
	v54 =	vsub.f32 v52, v27;
	v61 =	vsub.f32 v53, v29;
	(pc) =	sbr.rel @p0 .LBB2_4-.Ltmp0, $4  }
0xcf: {  	v50 =	vsub.f32 v52, v24;
	v60 =	vmul.f32 v45, v45;
	v59 =	vmul.f32 v62, v62  }
0xd0: {  	v51 =	vsub.f32 v53, v26;
	v56 =	vmul.f32 v54, v54;
	v58 =	vmul.f32 v61, v61;
	v49, v47, _ =	vpop (xrf1)  }
0xd1: {  	v52 =	vsub.f32 v52, v22;
	v55 =	vmul.f32 v42, v42;
	v54 =	vadd.f32 v59, v60;
	v48, v46, _ =	vpop (xrf1)  }
0xd2: {  	s13 =	sadd.s32 $0x40, s13;
	v57 =	vmul.f32 v57, v57;
	v53 =	vsub.f32 v53, v23;
	v56 =	vadd.f32 v58, v56;
	v45, v42, _ =	vpop (xrf1)  }
0xd3: {  	v50 =	vmul.f32 v50, v50  }
0xd4: {  	v51 =	vmul.f32 v51, v51;
	v43 =	vmul.f32 v43, v43  }
0xd5: {  	v54 =	vadd.f32 v55, v54;
	v44 =	vmul.f32 v44, v44;
	v52 =	vmul.f32 v52, v52  }
0xd6: {  	v55, v58, _ =	vpop (xrf1);
	v37 =	vsub.f32 v37, v21;
	v38 =	vmul.f32 v38, v38;
	v40 =	vmul.f32 v40, v40  }
0xd7: {  	v39 =	vmul.f32 v39, v39;
	v56 =	vadd.f32 v57, v56;
	v53 =	vmul.f32 v53, v53;
	v62, v61, _ =	vpop (xrf1)  }
0xd8: {  	v35 =	vmul.f32 v35, v35;
	(xrf1) =	vsort.dscd.msk.f32 $0xffff, v54, v41;
	v50 =	vadd.f32 v51, v50;
	v63, v60, _ =	vpop (xrf1)  }
0xd9: {  	vm0 =	vle.f32 v62, v49;
	(xrf1) =	vsort.dscd.msk.f32 $0xffff, v56, v41;
	vm8 =	vle.f32 v63, v48  }
0xda: {  	v56 =	vld [tilespmem:s8+$0xFFFFFFF0];
	v49 =	vsel vm0, v62, v49;
	v47 =	vsel vm0, v61, v47;
	v48 =	vsel vm8, v63, v48  }
0xdb: {  	v46 =	vsel vm8, v60, v46;
	v61, v62, _ =	vpop (xrf1);
	(xrf1) =	vsort.ascd.msk.f32 $0xffff, v49, v47;
	v63 =	vadd.f32 v53, v52  }
0xdc: {  	v49 =	vld [tilespmem:s17+$0xFFFFFFF0];
	v60 =	vadd.f32 v43, v50;
	vm9 =	vle.f32 v61, v45;
	v52, v53, _ =	vpop (xrf1);
	(xrf1) =	vsort.ascd.msk.f32 $0xffff, v48, v46  }
0xdd: {  	v45 =	vsel vm9, v61, v45;
	v42 =	vsel vm9, v62, v42;
	vm10 =	vle.f32 v52, v55  }
0xde: {  	v57 =	vsel vm10, v52, v55;
	v59 =	vsel vm10, v53, v58;
	(xrf1) =	vsort.ascd.msk.f32 $0xffff, v45, v42  }
0xdf: {  	v61 =	vadd.f32 v44, v63;
	v62 =	vsub.f32 v56, v30;
	(xrf1) =	vsort.ascd.msk.f32 $0xffff, v57, v59  }
0xe0: {  	v52 =	vsub.f32 v56, v27;
	v54 =	vsub.f32 v56, v24;
	(xrf1) =	vsort.dscd.msk.f32 $0xffff, v60, v41  }
0xe1: {  	v33 =	vmul.f32 v33, v33;
	v63 =	vsub.f32 v49, v32;
	v53 =	vsub.f32 v49, v29  }
0xe2: {  	v57 =	vmul.f32 v62, v62;
	v46 =	vmul.f32 v52, v52;
	(xrf1) =	vsort.dscd.msk.f32 $0xffff, v61, v41  }
0xe3: {  	v55 =	vsub.f32 v49, v26;
	v58 =	vmul.f32 v63, v63;
	v47 =	vmul.f32 v53, v53  }
0xe4: {  	v48 =	vld [tilespmem:s8+$0x0];
	v59 =	vsub.f32 v56, v22;
	v49 =	vsub.f32 v49, v23;
	v60 =	vmul.f32 v54, v54  }
0xe5: {  	v41 =	vmul.f32 v55, v55;
	v43 =	vadd.f32 v58, v57;
	v46 =	vadd.f32 v47, v46  }
0xe6: {  	v45 =	vmul.f32 v59, v59;
	v61 =	vmul.f32 v49, v49  }
0xe7: {  	s10 =	sadd.s32 $0xFFFFFFE0, s9;
	v37 =	vmul.f32 v37, v37;
	v41 =	vadd.f32 v41, v60;
	v38 =	vadd.f32 v38, v43  }
0xe8: {  	v42 =	vor.u32 s10, v0;
	v45 =	vadd.f32 v61, v45;
	v62, v63, _ =	vpop (xrf1);
	v40 =	vadd.f32 v40, v46  }
0xe9: {  	v52 =	vsub.f32 v48, v30;
	v49 =	vld [tilespmem:s17+$0x0];
	v39 =	vadd.f32 v39, v41;
	v46, v47, _ =	vpop (xrf1);
	(xrf1) =	vsort.dscd.msk.f32 $0xffff, v38, v42  }
0xea: {  	v41 =	vsub.f32 v36, v28;
	v37 =	vadd.f32 v37, v45;
	v57, v56, _ =	vpop (xrf1);
	(xrf1) =	vsort.dscd.msk.f32 $0xffff, v40, v42  }
0xeb: {  	v45 =	vsub.f32 v36, v25;
	v59, v58, _ =	vpop (xrf1);
	(xrf1) =	vsort.dscd.msk.f32 $0xffff, v39, v42;
	vm11 =	vle.f32 v57, v62  }
0xec: {  	(xrf1) =	vsort.dscd.msk.f32 $0xffff, v37, v42;
	v61 =	vsel vm11, v57, v62;
	v62 =	vsel vm11, v56, v63;
	v60, v53, _ =	vpop (xrf1)  }
0xed: {  	v36 =	vsub.f32 v36, v21;
	vm12 =	vle.f32 v59, v46;
	(xrf1) =	vsort.ascd.msk.f32 $0xffff, v61, v62;
	v63, v50, _ =	vpop (xrf1)  }
0xee: {  	v54 =	vsub.f32 v49, v32;
	v55 =	vsel vm12, v59, v46;
	v56 =	vsel vm12, v58, v47;
	v57, v58, _ =	vpop (xrf1)  }
0xef: {  	v51 =	vsub.f32 v49, v26;
	(xrf1) =	vsort.ascd.msk.f32 $0xffff, v55, v56;
	vm13 =	vle.f32 v60, v57  }
0xf0: {  	v36 =	vmul.f32 v36, v36;
	v38, v40, _ =	vpop (xrf1);
	v39 =	vsel vm13, v60, v57;
	v60 =	vsel vm13, v53, v58  }
0xf1: {  	v37 =	vmul.f32 v54, v54;
	vm14 =	vle.f32 v63, v38;
	(xrf1) =	vsort.ascd.msk.f32 $0xffff, v39, v60  }
0xf2: {  	v59 =	vsub.f32 v48, v27;
	v38 =	vsel vm14, v63, v38;
	v40 =	vsel vm14, v50, v40  }
0xf3: {  	v61 =	vsub.f32 v49, v29;
	v56 =	vsub.f32 v49, v23;
	(xrf1) =	vsort.ascd.msk.f32 $0xffff, v38, v40  }
0xf4: {  	v62 =	vsub.f32 v48, v24;
	v55 =	vmul.f32 v59, v59;
	v53 =	vmul.f32 v52, v52  }
0xf5: {  	v54 =	vsub.f32 v48, v22;
	v46 =	vld [tilespmem:s8+$0x10];
	v42 =	vmul.f32 v61, v61;
	v59 =	vmul.f32 v56, v56  }
0xf6: {  	v57 =	vmul.f32 v62, v62;
	v37 =	vadd.f32 v37, v53;
	v40 =	vmul.f32 v51, v51  }
0xf7: {  	v42 =	vadd.f32 v42, v55;
	v58 =	vmul.f32 v54, v54;
	v63 =	vmul.f32 v41, v41;
	v47, v48, _ =	vpop (xrf1)  }
0xf8: {  	s13 =	sadd.s32 $0xFFFFFFF0, s9;
	v61 =	vmul.f32 v45, v45;
	v35 =	vadd.f32 v35, v37;
	v60 =	vadd.f32 v40, v57;
	v41, v45, _ =	vpop (xrf1)  }
0xf9: {  	v39 =	vor.u32 s13, v0;
	v62 =	vadd.f32 v59, v58;
	v38 =	vadd.f32 v63, v42;
	v43, v44, _ =	vpop (xrf1)  }
0xfa: {  	v52 =	vsub.f32 v46, v30;
	v37 =	vadd.f32 v61, v60;
	(xrf1) =	vsort.dscd.msk.f32 $0xffff, v35, v39;
	v50, v51, _ =	vpop (xrf1)  }
0xfb: {  	v49 =	vld [tilespmem:s17+$0x10];
	v42 =	vsub.f32 v46, v27;
	v63 =	vadd.f32 v36, v62;
	(xrf1) =	vsort.dscd.msk.f32 $0xffff, v38, v39;
	v57, v56, _ =	vpop (xrf1)  }
0xfc: {  	v40 =	vsub.f32 v34, v28;
	(xrf1) =	vsort.dscd.msk.f32 $0xffff, v37, v39;
	vm15 =	vle.f32 v57, v47  }
0xfd: {  	(xrf1) =	vsort.dscd.msk.f32 $0xffff, v63, v39;
	v59, v58, _ =	vpop (xrf1);
	v60 =	vsel vm15, v57, v47;
	v61 =	vsel vm15, v56, v48  }
0xfe: {  	v36 =	vsub.f32 v34, v25;
	vm4 =	vle.f32 v59, v41;
	(xrf1) =	vsort.ascd.msk.f32 $0xffff, v60, v61  }
0xff: {  	v34 =	vsub.f32 v34, v21;
	v37 =	vsel vm4, v59, v41;
	v62 =	vsel vm4, v58, v45;
	v63, v48, _ =	vpop (xrf1)  }
0x100: {  	v35 =	vsub.f32 v49, v32;
	(xrf1) =	vsort.ascd.msk.f32 $0xffff, v37, v62;
	vm5 =	vle.f32 v63, v43  }
0x101: {  	v42 =	vmul.f32 v42, v42;
	v54, v53, _ =	vpop (xrf1);
	v55 =	vsel vm5, v63, v43;
	v56 =	vsel vm5, v48, v44  }
0x102: {  	v35 =	vmul.f32 v35, v35;
	vm6 =	vle.f32 v54, v50;
	(xrf1) =	vsort.ascd.msk.f32 $0xffff, v55, v56  }
0x103: {  	v62 =	vsub.f32 v49, v26;
	v57 =	vsel vm6, v54, v50;
	v58 =	vsel vm6, v53, v51  }
0x104: {  	v59 =	vsub.f32 v49, v29;
	v61 =	vmul.f32 v40, v40;
	(xrf1) =	vsort.ascd.msk.f32 $0xffff, v57, v58  }
0x105: {  	v60 =	vsub.f32 v46, v24;
	v40 =	vmul.f32 v62, v62;
	v63 =	vmul.f32 v52, v52  }
0x106: {  	v38 =	vmul.f32 v59, v59;
	v48 =	vsub.f32 v46, v22;
	v50 =	vsub.f32 v49, v23  }
0x107: {  	v36 =	vmul.f32 v36, v36;
	v51 =	vmul.f32 v60, v60;
	v35 =	vadd.f32 v35, v63  }
0x108: {  	v38 =	vadd.f32 v38, v42;
	v52 =	vmul.f32 v48, v48;
	v53 =	vmul.f32 v50, v50;
	v54, v55, _ =	vpop (xrf1)  }
0x109: {  	v34 =	vmul.f32 v34, v34;
	v56 =	vadd.f32 v40, v51;
	v33 =	vadd.f32 v33, v35;
	v40, v41, _ =	vpop (xrf1)  }
0x10a: {  	v37 =	vor.u32 s9, v0;
	v38 =	vadd.f32 v61, v38;
	v57 =	vadd.f32 v53, v52;
	v42, v43, _ =	vpop (xrf1)  }
0x10b: {  	v35 =	vadd.f32 v36, v56;
	(xrf1) =	vsort.dscd.msk.f32 $0xffff, v33, v37;
	v59, v58, _ =	vpop (xrf1)  }
0x10c: {  	v60 =	vadd.f32 v34, v57;
	(xrf1) =	vsort.dscd.msk.f32 $0xffff, v38, v37;
	v61, v62, _ =	vpop (xrf1)  }
0x10d: {  	(xrf1) =	vsort.dscd.msk.f32 $0xffff, v35, v37;
	vm7 =	vle.f32 v61, v54  }
0x10e: {  	(xrf1) =	vsort.dscd.msk.f32 $0xffff, v60, v37;
	v47, v63, _ =	vpop (xrf1);
	v48 =	vsel vm7, v61, v54;
	v49 =	vsel vm7, v62, v55  }
0x10f: {  	vm8 =	vle.f32 v47, v40;
	(xrf1) =	vsort.ascd.msk.f32 $0xffff, v48, v49  }
0x110: {  	v50 =	vsel vm8, v47, v40;
	v51 =	vsel vm8, v63, v41;
	v53, v52, _ =	vpop (xrf1)  }
0x111: {  	(xrf1) =	vsort.ascd.msk.f32 $0xffff, v50, v51;
	vm9 =	vle.f32 v53, v42  }
0x112: {  	v33, v34, _ =	vpop (xrf1);
	v35 =	vsel vm9, v53, v42;
	v37 =	vsel vm9, v52, v43  }
0x113: {  	vm10 =	vle.f32 v33, v59;
	(xrf1) =	vsort.ascd.msk.f32 $0xffff, v35, v37  }
0x114: {  	v33 =	vsel vm10, v33, v59;
	v34 =	vsel vm10, v34, v58  }
0x115: {  	(xrf1) =	vsort.ascd.msk.f32 $0xffff, v33, v34;
	_ =	sdelay $0x3  }
0x116: {  	v33, v34, _ =	vpop (xrf1)  }
0x117: {  	v54, v55, _ =	vpop (xrf1)  }
0x118: {  	v57, v56, _ =	vpop (xrf1)  }
0x119: {  	v59, v58, _ =	vpop (xrf1)  }
0x11a: {  	v60, v61, _ =	vpop (xrf1)  }
0x11b: {  	vm11 =	vle.f32 v60, v33  }
0x11c: {  	v63, v62, _ =	vpop (xrf1);
	v33 =	vsel vm11, v60, v33;
	v34 =	vsel vm11, v61, v34  }
0x11d: {  	vm12 =	vle.f32 v63, v54;
	(xrf1) =	vsort.ascd.msk.f32 $0xffff, v33, v34  }
0x11e: {  	v43 =	vsel vm12, v63, v54;
	v44 =	vsel vm12, v62, v55;
	v45, v46, _ =	vpop (xrf1)  }
0x11f: {  	(xrf1) =	vsort.ascd.msk.f32 $0xffff, v43, v44;
	vm13 =	vle.f32 v45, v57  }
0x120: {  	v33, v34, _ =	vpop (xrf1);
	v35 =	vsel vm13, v45, v57;
	v36 =	vsel vm13, v46, v56  }
0x121: {  	vm14 =	vle.f32 v33, v59;
	(xrf1) =	vsort.ascd.msk.f32 $0xffff, v35, v36  }
0x122: {  	v33 =	vsel vm14, v33, v59;
	v34 =	vsel vm14, v34, v58  }
0x123: {  	(xrf1) =	vsort.ascd.msk.f32 $0xffff, v33, v34;
	_ =	sdelay $0x7  }
0x124: {  	v47, v48, _ =	vpop (xrf1);
	_ =	sdelay $0x1  }
0x125: {  	v38, v37, _ =	vpop (xrf1)  }
0x126: {  	vm15 =	vmmov $0xffff  }
0x127: {  	[tilespmem:s21], [sflag:$0x1] =	stream.indirect_vreg.gather [hbm4b:s1+s3], $0x10, v48, vm15, $0xb8;
	v36, v35, _ =	vpop (xrf1);
	[tilespmem:$0x7B00] =	vst v63  }
0x128: {  	_ = 	snop  }
0x129: {  	v34, v33, _ =	vpop (xrf1);
	[tilespmem:s22], [sflag:$0x1] =	stream.indirect_vreg.gather [hbm4b:s1+s3], $0x10, v37, vm15, $0xb8;
	[tilespmem:$0x7B00] =	vst v63  }
0x12a: {  	_ = 	snop  }
0x12b: {  	[tilespmem:s23], [sflag:$0x1] =	stream.indirect_vreg.gather [hbm4b:s1+s3], $0x10, v35, vm15, $0xb8;
	[tilespmem:$0x7B00] =	vst v63  }
0x12c: {  	_ = 	snop  }
0x12d: {  	[tilespmem:s24], [sflag:$0x1] =	stream.indirect_vreg.gather [hbm4b:s1+s3], $0x10, v33, vm15, $0xb8;
	[tilespmem:$0x7B00] =	vst v63  }
0x12e: {  	_ =	swait.ge [sflag:s25], $0x100  }
0x12f: {  	[sflag:s25] =	ssyncset.done $0x0  }
0x130: {  	[sflag:s25] =	ssyncadd.s32 $0xFFFFFF00  }
0x131: {  	_ =	swait.ge [sflag:s25], $0x100  }
0x132: {  	[sflag:s25] =	ssyncset.done $0x0  }
0x133: {  	[sflag:s25] =	ssyncadd.s32 $0xFFFFFF00  }
0x134: {  	_ =	swait.ge [sflag:s25], $0x100  }
0x135: {  	[sflag:s25] =	ssyncset.done $0x0  }
0x136: {  	v39 =	vadd.f32 $9.999999930e-09, v47;
	[sflag:s25] =	ssyncadd.s32 $0xFFFFFF00  }
0x137: {  	_ =	swait.ge [sflag:s25], $0x100  }
0x138: {  	(erf) = vrcp.f32 v39;
	_ =	sdelay $0x7  }
0x139: {  	[sflag:s25] =	ssyncset.done $0x0  }
0x13a: {  	[sflag:s25] =	ssyncadd.s32 $0xFFFFFF00;
	v49 =	vpop (erf)  }
0x13b: {  	v50 =	vld.idx.msk [tilespmem:v48+s3+$0x0], $0xffff;
	v39 =	vmul.f32 v49, v39  }
0x13c: {  	v51 =	vld.idx.msk [tilespmem:v48+s15+$0x0], $0xffff  }
0x13d: {  	v40 =	vld.idx.msk [tilespmem:v48+s16+$0x0], $0xffff;
	v39 =	vsub.f32 $2.000000000e+00, v39;
	_ =	sdelay $0x1  }
0x13e: {  	v39 =	vmul.f32 v39, v49  }
0x13f: {  	v53 =	vor.u32 $0x10, v0;
	v57 =	vor.u32 $0x20, v0  }
0x140: {  	v52 =	vsub.f32 v30, v50;
	v55 =	vsub.f32 v32, v51;
	v41 =	vmul.f32 v39, v17  }
0x141: {  	v56 =	vsub.f32 v31, v40  }
0x142: {  	v54 =	vld.idx.msk [tilespmem:v0+s21+$0x0], $0xffff;
	v39 =	vmul.f32 v52, v41;
	v31 =	vmul.f32 v55, v41  }
0x143: {  	v30 =	vmul.f32 v56, v41  }
0x144: {  	v59 =	vld.idx.msk [tilespmem:v53+s21+$0x0], $0xffff;
	v58 =	vperm.xlane v39, v1;
	v61 =	vperm.xlane v31, v1  }
0x145: {  	v40 =	vld.idx.msk [tilespmem:v57+s21+$0x0], $0xffff;
	v62 =	vperm.xlane v30, v1;
	v50 =	vperm.xlane v39, v2  }
0x146: {  	v63 =	vor.u32 $0x30, v0;
	v51 =	vperm.xlane v31, v2;
	v55 =	vperm.xlane v30, v2  }
0x147: {  	v56 =	vperm.xlane v39, v3;
	v60 =	vmul.f32 v58, v54  }
0x148: {  	v42 =	vmul.f32 v61, v54;
	v43 =	vmul.f32 v62, v54  }
0x149: {  	v52 =	vmul.f32 v50, v59;
	v53 =	vmul.f32 v51, v59  }
0x14a: {  	v32 =	vmul.f32 v55, v59;
	v57 =	vmul.f32 v56, v40  }
0x14b: {  	v44 =	vld.idx.msk [tilespmem:v63+s21+$0x0], $0xffff;
	v54 =	vor.u32 $0x40, v0;
	v58 =	vperm.xlane v31, v3;
	v59 =	vperm.xlane v30, v3  }
0x14c: {  	v61 =	vperm.xlane v39, v4;
	v62 =	vperm.xlane v31, v4  }
0x14d: {  	v55 =	vperm.xlane v39, v5;
	v41 =	vadd.f32 $0.0e+00, v60;
	v42 =	vadd.f32 $0.0e+00, v42  }
0x14e: {  	v43 =	vadd.f32 $0.0e+00, v43;
	v60 =	vor.u32 $0x50, v0;
	v63 =	vmul.f32 v58, v40  }
0x14f: {  	v40 =	vmul.f32 v59, v40;
	v59 =	vperm.xlane v31, v5;
	v41 =	vadd.f32 v52, v41  }
0x150: {  	v42 =	vadd.f32 v53, v42;
	v32 =	vadd.f32 v32, v43;
	v43 =	vmul.f32 v61, v44;
	v47 =	vld.idx.msk [tilespmem:v54+s21+$0x0], $0xffff  }
0x151: {  	v52 =	vmul.f32 v62, v44;
	v53 =	vor.u32 $0x60, v0;
	v61 =	vor.u32 $0x70, v0  }
0x152: {  	v62 =	vperm.xlane v39, v6;
	v54 =	vperm.xlane v30, v4;
	v41 =	vadd.f32 v57, v41  }
0x153: {  	v42 =	vadd.f32 v63, v42;
	v32 =	vadd.f32 v40, v32;
	v63 =	vperm.xlane v31, v6  }
0x154: {  	v57 =	vmul.f32 v54, v44;
	v56 =	vadd.f32 v43, v41;
	v41 =	vld.idx.msk [tilespmem:v60+s21+$0x0], $0xffff;
	v60 =	vperm.xlane v30, v5  }
0x155: {  	v54 =	vor.u32 $0x80, v0;
	v42 =	vadd.f32 v52, v42;
	v58 =	vmul.f32 v55, v47  }
0x156: {  	v32 =	vadd.f32 v57, v32;
	v48 =	vld.idx.msk [tilespmem:v53+s21+$0x0], $0xffff;
	v51 =	vmul.f32 v59, v47;
	v52 =	vmul.f32 v60, v47  }
0x157: {  	v55 =	vperm.xlane v30, v6;
	v59 =	vperm.xlane v30, v7;
	v60 =	vor.u32 $0x90, v0  }
0x158: {  	v40 =	vadd.f32 v58, v56;
	v56 =	vperm.xlane v39, v7;
	v58 =	vperm.xlane v31, v7  }
0x159: {  	v42 =	vadd.f32 v51, v42;
	v43 =	vmul.f32 v62, v41;
	v53 =	vmul.f32 v63, v41  }
0x15a: {  	v32 =	vadd.f32 v52, v32;
	v47 =	vld.idx.msk [tilespmem:v54+s21+$0x0], $0xffff;
	v41 =	vmul.f32 v55, v41;
	v62 =	vperm.xlane v31, v8  }
0x15b: {  	v54 =	vor.u32 $0xA0, v0;
	v55 =	vperm.xlane v30, v8;
	v57 =	vmul.f32 v56, v48  }
0x15c: {  	v63 =	vmul.f32 v58, v48;
	v52 =	vmul.f32 v59, v48;
	v40 =	vadd.f32 v43, v40;
	v43 =	vld.idx.msk [tilespmem:v61+s21+$0x0], $0xffff  }
0x15d: {  	v56 =	vperm.xlane v39, v9;
	v42 =	vadd.f32 v53, v42;
	v32 =	vadd.f32 v41, v32  }
0x15e: {  	v61 =	vperm.xlane v39, v8;
	v58 =	vld.idx.msk [tilespmem:v60+s21+$0x0], $0xffff;
	v60 =	vperm.xlane v30, v9;
	v40 =	vadd.f32 v57, v40  }
0x15f: {  	v42 =	vadd.f32 v63, v42;
	v57 =	vperm.xlane v31, v9;
	v59 =	vmul.f32 v56, v47  }
0x160: {  	v32 =	vadd.f32 v52, v32;
	v63 =	vmul.f32 v60, v47;
	v52 =	vperm.xlane v31, v10  }
0x161: {  	v56 =	vperm.xlane v39, v11;
	v41 =	vmul.f32 v61, v43  }
0x162: {  	v44 =	vld.idx.msk [tilespmem:v54+s21+$0x0], $0xffff;
	v54 =	vor.u32 $0xC0, v0;
	v53 =	vmul.f32 v62, v43;
	v43 =	vmul.f32 v55, v43  }
0x163: {  	v61 =	vor.u32 $0xB0, v0;
	v62 =	vperm.xlane v39, v10;
	v55 =	vmul.f32 v52, v58  }
0x164: {  	v40 =	vadd.f32 v41, v40;
	v42 =	vadd.f32 v53, v42;
	v41 =	vmul.f32 v57, v47  }
0x165: {  	v32 =	vadd.f32 v43, v32;
	v43 =	vmul.f32 v62, v58;
	v53 =	vperm.xlane v30, v10  }
0x166: {  	v51 =	vor.u32 $0xE0, v0;
	v57 =	vperm.xlane v31, v11;
	v62 =	vperm.xlane v39, v12  }
0x167: {  	v48 =	vld.idx.msk [tilespmem:v54+s21+$0x0], $0xffff;
	v54 =	vperm.xlane v30, v12;
	v40 =	vadd.f32 v59, v40;
	v41 =	vadd.f32 v41, v42  }
0x168: {  	v32 =	vadd.f32 v63, v32;
	v45 =	vmul.f32 v53, v58;
	v58 =	vor.u32 $0xD0, v0;
	v49 =	vld.idx.msk [tilespmem:v61+s21+$0x0], $0xffff  }
0x169: {  	v59 =	vmul.f32 v56, v44;
	v61 =	vperm.xlane v30, v11;
	v40 =	vadd.f32 v43, v40  }
0x16a: {  	v60 =	vmul.f32 v57, v44;
	v63 =	vperm.xlane v31, v12;
	v41 =	vadd.f32 v55, v41  }
0x16b: {  	v32 =	vadd.f32 v45, v32;
	v53 =	vmul.f32 v61, v44;
	v40 =	vadd.f32 v59, v40  }
0x16c: {  	v41 =	vadd.f32 v60, v41;
	v59 =	vperm.xlane v31, v13;
	v60 =	vperm.xlane v30, v13  }
0x16d: {  	v61 =	vor.u32 $0xF0, v0;
	v46 =	vld.idx.msk [tilespmem:v58+s21+$0x0], $0xffff;
	v58 =	vperm.xlane v39, v13;
	v55 =	vmul.f32 v62, v49  }
0x16e: {  	v56 =	vmul.f32 v63, v49;
	v57 =	vmul.f32 v54, v49  }
0x16f: {  	v32 =	vadd.f32 v53, v32;
	v63 =	vperm.xlane v39, v14;
	v52 =	vmul.f32 v59, v48  }
0x170: {  	v51 =	vld.idx.msk [tilespmem:v51+s21+$0x0], $0xffff;
	v53 =	vmul.f32 v60, v48;
	v62 =	vmul.f32 v58, v48;
	v40 =	vadd.f32 v55, v40  }
0x171: {  	v41 =	vadd.f32 v56, v41;
	v55 =	vperm.xlane v31, v14;
	v56 =	vperm.xlane v30, v14  }
0x172: {  	v32 =	vadd.f32 v57, v32;
	v57 =	vperm.xlane v39, v15;
	v58 =	vld.idx.msk [tilespmem:v61+s21+$0x0], $0xffff;
	v61 =	vperm.xlane v31, v15  }
0x173: {  	v38 =	vadd.f32 $9.999999930e-09, v38;
	v39 =	vperm.xlane v39, v16;
	v31 =	vperm.xlane v31, v16  }
0x174: {  	v54 =	vmul.f32 v63, v46;
	v40 =	vadd.f32 v62, v40;
	v44 =	vmul.f32 v55, v46  }
0x175: {  	v41 =	vadd.f32 v52, v41;
	v59 =	vmul.f32 v56, v46;
	v60 =	vmul.f32 v57, v51  }
0x176: {  	v32 =	vadd.f32 v53, v32;
	v62 =	vperm.xlane v30, v15;
	v63 =	vmul.f32 v61, v51  }
0x177: {  	v30 =	vperm.xlane v30, v16;
	v40 =	vadd.f32 v54, v40;
	v41 =	vadd.f32 v44, v41  }
0x178: {  	v32 =	vadd.f32 v59, v32;
	v48 =	vmul.f32 v62, v51;
	v39 =	vmul.f32 v39, v58  }
0x179: {  	v31 =	vmul.f32 v31, v58;
	v40 =	vadd.f32 v60, v40;
	v41 =	vadd.f32 v63, v41  }
0x17a: {  	(erf) = vrcp.f32 v38;
	v32 =	vadd.f32 v48, v32  }
0x17b: {  	v30 =	vmul.f32 v30, v58;
	v39 =	vadd.f32 v39, v40;
	v31 =	vadd.f32 v31, v41;
	_ =	sdelay $0x1  }
0x17c: {  	v30 =	vadd.f32 v30, v32;
	v49 =	vmul.f32 v39, v39;
	v31 =	vmul.f32 v31, v31;
	_ =	sdelay $0x1  }
0x17d: {  	v30 =	vmul.f32 v30, v30;
	v31 =	vadd.f32 v31, v49;
	_ =	sdelay $0x1  }
0x17e: {  	s17 =	sshll.u32 s31, $0x6;
	v30 =	vadd.f32 v30, v31  }
0x17f: {  	s8 =	sand.u32 $0x3FFFFFC0, s17  }
0x180: {  	v50 =	vpop (erf);
	[tilespmem:s8+$0x7A00] =	vst v30  }
0x181: {  	v51 =	vmul.f32 v50, v38;
	v52 =	vld.idx.msk [tilespmem:v37+s3+$0x0], $0xffff  }
0x182: {  	v54 =	vld.idx.msk [tilespmem:v37+s15+$0x0], $0xffff  }
0x183: {  	v30 =	vsub.f32 $2.000000000e+00, v51;
	v55 =	vld.idx.msk [tilespmem:v37+s16+$0x0], $0xffff;
	_ =	sdelay $0x1  }
0x184: {  	v53 =	vor.u32 $0x100, v0;
	v30 =	vmul.f32 v30, v50  }
0x185: {  	v58 =	vor.u32 $0x110, v0  }
0x186: {  	v56 =	vmul.f32 v30, v17;
	v57 =	vsub.f32 v27, v52;
	v59 =	vsub.f32 v29, v54  }
0x187: {  	v61 =	vor.u32 $0x120, v0;
	v60 =	vsub.f32 v28, v55  }
0x188: {  	v30 =	vmul.f32 v57, v56;
	v28 =	vmul.f32 v59, v56  }
0x189: {  	v38 =	vld.idx.msk [tilespmem:v53+s21+$0x0], $0xffff;
	v27 =	vmul.f32 v60, v56  }
0x18a: {  	v63 =	vld.idx.msk [tilespmem:v58+s21+$0x0], $0xffff;
	v62 =	vperm.xlane v30, v1;
	v49 =	vperm.xlane v28, v1  }
0x18b: {  	v51 =	vor.u32 $0x130, v0;
	v50 =	vperm.xlane v27, v1;
	v52 =	vperm.xlane v30, v2  }
0x18c: {  	v31 =	vld.idx.msk [tilespmem:v61+s21+$0x0], $0xffff;
	v53 =	vperm.xlane v28, v2;
	v57 =	vperm.xlane v27, v2  }
0x18d: {  	v58 =	vperm.xlane v30, v3;
	v61 =	vperm.xlane v28, v3  }
0x18e: {  	v48 =	vmul.f32 v62, v38;
	v37 =	vmul.f32 v49, v38  }
0x18f: {  	v38 =	vmul.f32 v50, v38;
	v54 =	vmul.f32 v52, v63  }
0x190: {  	v56 =	vor.u32 $0x140, v0;
	v59 =	vld.idx.msk [tilespmem:v51+s21+$0x0], $0xffff;
	v55 =	vmul.f32 v53, v63;
	v29 =	vmul.f32 v57, v63  }
0x191: {  	v60 =	vmul.f32 v58, v31;
	v62 =	vperm.xlane v27, v3;
	v63 =	vor.u32 $0x150, v0  }
0x192: {  	v49 =	vperm.xlane v28, v4;
	v50 =	vmul.f32 v61, v31;
	v52 =	vor.u32 $0x160, v0  }
0x193: {  	v53 =	vperm.xlane v27, v4;
	v61 =	vor.u32 $0x170, v0;
	v32 =	vadd.f32 $0.0e+00, v48  }
0x194: {  	v37 =	vadd.f32 $0.0e+00, v37;
	v48 =	vperm.xlane v30, v4;
	v31 =	vmul.f32 v62, v31  }
0x195: {  	v42 =	vld.idx.msk [tilespmem:v56+s21+$0x0], $0xffff;
	v38 =	vadd.f32 $0.0e+00, v38;
	v51 =	vmul.f32 v49, v59;
	v57 =	vmul.f32 v53, v59  }
0x196: {  	v62 =	vperm.xlane v30, v6;
	v32 =	vadd.f32 v54, v32;
	v37 =	vadd.f32 v55, v37  }
0x197: {  	v29 =	vadd.f32 v29, v38;
	v38 =	vmul.f32 v48, v59;
	v54 =	vperm.xlane v30, v5  }
0x198: {  	v59 =	vperm.xlane v28, v5;
	v56 =	vld.idx.msk [tilespmem:v63+s21+$0x0], $0xffff;
	v63 =	vperm.xlane v28, v6  }
0x199: {  	v43 =	vld.idx.msk [tilespmem:v52+s21+$0x0], $0xffff;
	v52 =	vperm.xlane v30, v7;
	v32 =	vadd.f32 v60, v32;
	v37 =	vadd.f32 v50, v37  }
0x19a: {  	v29 =	vadd.f32 v31, v29;
	v58 =	vmul.f32 v54, v42;
	v60 =	vperm.xlane v27, v5  }
0x19b: {  	v47 =	vmul.f32 v59, v42;
	v50 =	vor.u32 $0x180, v0;
	v59 =	vperm.xlane v28, v8  }
0x19c: {  	v53 =	vld.idx.msk [tilespmem:v61+s21+$0x0], $0xffff;
	v55 =	vadd.f32 v38, v32;
	v37 =	vadd.f32 v51, v37;
	v51 =	vperm.xlane v27, v6  }
0x19d: {  	v29 =	vadd.f32 v57, v29;
	v48 =	vmul.f32 v60, v42;
	v38 =	vmul.f32 v62, v56  }
0x19e: {  	v57 =	vor.u32 $0x190, v0;
	v49 =	vmul.f32 v63, v56;
	v32 =	vmul.f32 v51, v56  }
0x19f: {  	v31 =	vadd.f32 v58, v55;
	v54 =	vmul.f32 v52, v43;
	v55 =	vperm.xlane v28, v7  }
0x1a0: {  	v37 =	vadd.f32 v47, v37;
	v56 =	vperm.xlane v27, v7;
	v58 =	vperm.xlane v30, v8  }
0x1a1: {  	v29 =	vadd.f32 v48, v29;
	v62 =	vmul.f32 v59, v53;
	v48 =	vperm.xlane v27, v8  }
0x1a2: {  	v63 =	vor.u32 $0x1A0, v0;
	v59 =	vperm.xlane v27, v10;
	v42 =	vld.idx.msk [tilespmem:v50+s21+$0x0], $0xffff;
	v50 =	vperm.xlane v28, v9  }
0x1a3: {  	v37 =	vadd.f32 v49, v37;
	v60 =	vmul.f32 v55, v43;
	v61 =	vmul.f32 v56, v43  }
0x1a4: {  	v29 =	vadd.f32 v32, v29;
	v32 =	vmul.f32 v58, v53;
	v49 =	vperm.xlane v30, v9  }
0x1a5: {  	v31 =	vadd.f32 v38, v31;
	v38 =	vmul.f32 v48, v53;
	v53 =	vperm.xlane v27, v9  }
0x1a6: {  	v55 =	vperm.xlane v30, v10;
	v58 =	vperm.xlane v28, v10  }
0x1a7: {  	v48 =	vor.u32 $0x1D0, v0;
	v51 =	vld.idx.msk [tilespmem:v57+s21+$0x0], $0xffff;
	v31 =	vadd.f32 v54, v31;
	v37 =	vadd.f32 v60, v37  }
0x1a8: {  	v29 =	vadd.f32 v61, v29;
	v54 =	vor.u32 $0x1B0, v0;
	v60 =	vor.u32 $0x1C0, v0  }
0x1a9: {  	v56 =	vld.idx.msk [tilespmem:v63+s21+$0x0], $0xffff;
	v63 =	vperm.xlane v28, v11;
	v31 =	vadd.f32 v32, v31;
	v52 =	vmul.f32 v49, v42  }
0x1aa: {  	v37 =	vadd.f32 v62, v37;
	v32 =	vmul.f32 v50, v42;
	v57 =	vmul.f32 v53, v42  }
0x1ab: {  	v29 =	vadd.f32 v38, v29;
	v62 =	vperm.xlane v30, v11;
	v53 =	vperm.xlane v28, v12  }
0x1ac: {  	v31 =	vadd.f32 v52, v31;
	v32 =	vadd.f32 v32, v37;
	v38 =	vmul.f32 v55, v51  }
0x1ad: {  	v29 =	vadd.f32 v57, v29;
	v61 =	vmul.f32 v58, v51;
	v40 =	vmul.f32 v59, v51  }
0x1ae: {  	v51 =	vperm.xlane v27, v11;
	v52 =	vperm.xlane v30, v12;
	v44 =	vld.idx.msk [tilespmem:v54+s21+$0x0], $0xffff;
	v54 =	vor.u32 $0x1E0, v0  }
0x1af: {  	v31 =	vadd.f32 v38, v31;
	v49 =	vmul.f32 v62, v56;
	v50 =	vmul.f32 v63, v56  }
0x1b0: {  	v43 =	vld.idx.msk [tilespmem:v60+s21+$0x0], $0xffff;
	v32 =	vadd.f32 v61, v32;
	v55 =	vmul.f32 v51, v56;
	v56 =	vperm.xlane v27, v12  }
0x1b1: {  	v59 =	vld.idx.msk [tilespmem:v48+s21+$0x0], $0xffff;
	v29 =	vadd.f32 v40, v29;
	v61 =	vperm.xlane v30, v13;
	v62 =	vperm.xlane v28, v13  }
0x1b2: {  	v63 =	vperm.xlane v27, v13;
	v32 =	vadd.f32 v50, v32;
	v50 =	vperm.xlane v30, v14  }
0x1b3: {  	v29 =	vadd.f32 v55, v29;
	v55 =	vperm.xlane v27, v14;
	v57 =	vmul.f32 v52, v44  }
0x1b4: {  	v48 =	vor.u32 $0x1F0, v0;
	v58 =	vmul.f32 v53, v44;
	v60 =	vmul.f32 v56, v44  }
0x1b5: {  	v31 =	vadd.f32 v49, v31;
	v49 =	vmul.f32 v61, v43;
	v51 =	vmul.f32 v62, v43  }
0x1b6: {  	v52 =	vmul.f32 v63, v43;
	v53 =	vmul.f32 v50, v59  }
0x1b7: {  	v46 =	vld.idx.msk [tilespmem:v54+s21+$0x0], $0xffff;
	v54 =	vperm.xlane v28, v14;
	v56 =	vperm.xlane v30, v15  }
0x1b8: {  	v36 =	vadd.f32 $9.999999930e-09, v36;
	v61 =	vperm.xlane v27, v15;
	v30 =	vperm.xlane v30, v16  }
0x1b9: {  	v27 =	vperm.xlane v27, v16;
	v31 =	vadd.f32 v57, v31;
	v32 =	vadd.f32 v58, v32;
	v57 =	vld.idx.msk [tilespmem:v48+s21+$0x0], $0xffff  }
0x1ba: {  	v29 =	vadd.f32 v60, v29;
	v39 =	vmul.f32 v54, v59;
	v58 =	vmul.f32 v55, v59  }
0x1bb: {  	v60 =	vperm.xlane v28, v15;
	v31 =	vadd.f32 v49, v31;
	v32 =	vadd.f32 v51, v32  }
0x1bc: {  	v28 =	vperm.xlane v28, v16;
	v29 =	vadd.f32 v52, v29;
	v59 =	vmul.f32 v56, v46  }
0x1bd: {  	v62 =	vmul.f32 v60, v46;
	v31 =	vadd.f32 v53, v31;
	v32 =	vadd.f32 v39, v32  }
0x1be: {  	v63 =	vmul.f32 v61, v46;
	v29 =	vadd.f32 v58, v29;
	v30 =	vmul.f32 v30, v57  }
0x1bf: {  	v28 =	vmul.f32 v28, v57;
	v31 =	vadd.f32 v59, v31;
	v32 =	vadd.f32 v62, v32  }
0x1c0: {  	(erf) = vrcp.f32 v36;
	v29 =	vadd.f32 v63, v29  }
0x1c1: {  	v27 =	vmul.f32 v27, v57;
	v30 =	vadd.f32 v30, v31;
	v28 =	vadd.f32 v28, v32;
	_ =	sdelay $0x1  }
0x1c2: {  	v27 =	vadd.f32 v27, v29;
	v41 =	vmul.f32 v30, v30;
	v28 =	vmul.f32 v28, v28;
	_ =	sdelay $0x1  }
0x1c3: {  	v27 =	vmul.f32 v27, v27;
	v28 =	vadd.f32 v28, v41;
	_ =	sdelay $0x1  }
0x1c4: {  	s2 =	sshll.u32 s2, $0x4;
	v27 =	vadd.f32 v27, v28  }
0x1c5: {  	s2 =	sand.u32 $0x3FFFFFF0, s2  }
0x1c6: {  	v42 =	vpop (erf);
	[tilespmem:s2+$0x7A00] =	vst v27  }
0x1c7: {  	v43 =	vmul.f32 v42, v36;
	v44 =	vld.idx.msk [tilespmem:v35+s3+$0x0], $0xffff  }
0x1c8: {  	v46 =	vld.idx.msk [tilespmem:v35+s15+$0x0], $0xffff  }
0x1c9: {  	v27 =	vsub.f32 $2.000000000e+00, v43;
	v47 =	vld.idx.msk [tilespmem:v35+s16+$0x0], $0xffff;
	_ =	sdelay $0x1  }
0x1ca: {  	v27 =	vmul.f32 v27, v42;
	_ =	sdelay $0x1  }
0x1cb: {  	v49 =	vmul.f32 v27, v17;
	v50 =	vsub.f32 v24, v44  }
0x1cc: {  	v45 =	vor.u32 $0x200, v0;
	v52 =	vsub.f32 v26, v46;
	v53 =	vsub.f32 v25, v47  }
0x1cd: {  	v27 =	vmul.f32 v50, v49  }
0x1ce: {  	v48 =	vor.u32 $0x210, v0;
	v25 =	vmul.f32 v52, v49;
	v24 =	vmul.f32 v53, v49  }
0x1cf: {  	v54 =	vor.u32 $0x220, v0;
	v55 =	vperm.xlane v27, v1  }
0x1d0: {  	v59 =	vor.u32 $0x230, v0;
	v58 =	vperm.xlane v25, v1;
	v35 =	vperm.xlane v24, v1  }
0x1d1: {  	v51 =	vld.idx.msk [tilespmem:v45+s21+$0x0], $0xffff;
	v44 =	vor.u32 $0x250, v0;
	v60 =	vperm.xlane v27, v2;
	v61 =	vperm.xlane v25, v2  }
0x1d2: {  	v40 =	vperm.xlane v24, v2;
	v41 =	vperm.xlane v27, v3  }
0x1d3: {  	v56 =	vld.idx.msk [tilespmem:v48+s21+$0x0], $0xffff;
	v42 =	vperm.xlane v25, v3;
	v43 =	vperm.xlane v24, v3  }
0x1d4: {  	v28 =	vld.idx.msk [tilespmem:v54+s21+$0x0], $0xffff;
	v46 =	vperm.xlane v27, v4;
	v47 =	vperm.xlane v25, v4  }
0x1d5: {  	v63 =	vor.u32 $0x240, v0;
	v32 =	vld.idx.msk [tilespmem:v59+s21+$0x0], $0xffff;
	v48 =	vperm.xlane v24, v4;
	v59 =	vperm.xlane v27, v6  }
0x1d6: {  	v53 =	vld.idx.msk [tilespmem:v44+s21+$0x0], $0xffff;
	v44 =	vperm.xlane v24, v6;
	v57 =	vmul.f32 v55, v51  }
0x1d7: {  	v30 =	vmul.f32 v58, v51;
	v29 =	vmul.f32 v35, v51  }
0x1d8: {  	v62 =	vmul.f32 v60, v56;
	v37 =	vmul.f32 v61, v56  }
0x1d9: {  	v31 =	vmul.f32 v40, v56;
	v35 =	vmul.f32 v41, v28  }
0x1da: {  	v36 =	vld.idx.msk [tilespmem:v63+s21+$0x0], $0xffff;
	v45 =	vmul.f32 v42, v28;
	v28 =	vmul.f32 v43, v28  }
0x1db: {  	v50 =	vmul.f32 v47, v32;
	v51 =	vperm.xlane v27, v5  }
0x1dc: {  	v49 =	vor.u32 $0x260, v0;
	v52 =	vmul.f32 v48, v32;
	v55 =	vperm.xlane v25, v5  }
0x1dd: {  	v56 =	vperm.xlane v24, v5;
	v61 =	vperm.xlane v25, v6  }
0x1de: {  	v47 =	vperm.xlane v25, v7;
	v43 =	vperm.xlane v25, v12;
	v26 =	vadd.f32 $0.0e+00, v57  }
0x1df: {  	v30 =	vadd.f32 $0.0e+00, v30;
	v29 =	vadd.f32 $0.0e+00, v29;
	v54 =	vmul.f32 v51, v36  }
0x1e0: {  	v57 =	vor.u32 $0x270, v0;
	v58 =	vmul.f32 v55, v36;
	v55 =	vperm.xlane v25, v8  }
0x1e1: {  	v60 =	vld.idx.msk [tilespmem:v49+s21+$0x0], $0xffff;
	v26 =	vadd.f32 v62, v26;
	v30 =	vadd.f32 v37, v30;
	v37 =	vmul.f32 v46, v32  }
0x1e2: {  	v29 =	vadd.f32 v31, v29;
	v63 =	vmul.f32 v59, v53;
	v46 =	vperm.xlane v27, v7  }
0x1e3: {  	v62 =	vor.u32 $0x280, v0;
	v32 =	vmul.f32 v44, v53;
	v59 =	vperm.xlane v27, v9  }
0x1e4: {  	v44 =	vperm.xlane v24, v9;
	v26 =	vadd.f32 v35, v26;
	v30 =	vadd.f32 v45, v30  }
0x1e5: {  	v28 =	vadd.f32 v28, v29;
	v29 =	vmul.f32 v56, v36;
	v45 =	vmul.f32 v61, v53  }
0x1e6: {  	v48 =	vor.u32 $0x290, v0;
	v49 =	vmul.f32 v46, v60;
	v51 =	vmul.f32 v47, v60  }
0x1e7: {  	v56 =	vperm.xlane v24, v8;
	v46 =	vor.u32 $0x2B0, v0;
	v26 =	vadd.f32 v37, v26;
	v37 =	vld.idx.msk [tilespmem:v57+s21+$0x0], $0xffff  }
0x1e8: {  	v30 =	vadd.f32 v50, v30;
	v28 =	vadd.f32 v52, v28;
	v57 =	vor.u32 $0x2A0, v0  }
0x1e9: {  	v36 =	vperm.xlane v25, v15;
	v50 =	vperm.xlane v24, v7;
	v26 =	vadd.f32 v54, v26  }
0x1ea: {  	v52 =	vld.idx.msk [tilespmem:v62+s21+$0x0], $0xffff;
	v30 =	vadd.f32 v58, v30;
	v28 =	vadd.f32 v29, v28;
	v54 =	vperm.xlane v27, v8  }
0x1eb: {  	v53 =	vmul.f32 v50, v60;
	v26 =	vadd.f32 v63, v26;
	v63 =	vperm.xlane v25, v9  }
0x1ec: {  	v40 =	vld.idx.msk [tilespmem:v48+s21+$0x0], $0xffff;
	v29 =	vadd.f32 v45, v30;
	v45 =	vperm.xlane v27, v10;
	v58 =	vmul.f32 v54, v37  }
0x1ed: {  	v28 =	vadd.f32 v32, v28;
	v60 =	vmul.f32 v55, v37;
	v61 =	vmul.f32 v56, v37;
	v48 =	vld.idx.msk [tilespmem:v57+s21+$0x0], $0xffff  }
0x1ee: {  	v54 =	vperm.xlane v27, v11;
	v57 =	vld.idx.msk [tilespmem:v46+s21+$0x0], $0xffff;
	v46 =	vperm.xlane v24, v12;
	v26 =	vadd.f32 v49, v26  }
0x1ef: {  	v29 =	vadd.f32 v51, v29;
	v62 =	vmul.f32 v59, v52;
	v47 =	vmul.f32 v63, v52  }
0x1f0: {  	v28 =	vadd.f32 v53, v28;
	v49 =	vmul.f32 v44, v52;
	v51 =	vperm.xlane v25, v10  }
0x1f1: {  	v50 =	vmul.f32 v45, v40;
	v52 =	vperm.xlane v24, v10;
	v53 =	vor.u32 $0x2C0, v0  }
0x1f2: {  	v59 =	vor.u32 $0x2D0, v0;
	v44 =	vor.u32 $0x2E0, v0;
	v55 =	vmul.f32 v51, v40  }
0x1f3: {  	v26 =	vadd.f32 v58, v26;
	v56 =	vmul.f32 v52, v40;
	v58 =	vperm.xlane v25, v11  }
0x1f4: {  	v29 =	vadd.f32 v60, v29;
	v60 =	vperm.xlane v24, v11;
	v52 =	vperm.xlane v24, v13  }
0x1f5: {  	v28 =	vadd.f32 v61, v28;
	v30 =	vmul.f32 v54, v48;
	v61 =	vmul.f32 v58, v48  }
0x1f6: {  	v26 =	vadd.f32 v62, v26;
	v62 =	vperm.xlane v27, v12;
	v31 =	vmul.f32 v60, v48  }
0x1f7: {  	v29 =	vadd.f32 v47, v29;
	v47 =	vmul.f32 v43, v57;
	v48 =	vperm.xlane v27, v13  }
0x1f8: {  	v28 =	vadd.f32 v49, v28;
	v32 =	vmul.f32 v46, v57;
	v49 =	vperm.xlane v25, v13  }
0x1f9: {  	v41 =	vadd.f32 $9.999999930e-09, v34;
	v54 =	vperm.xlane v27, v14;
	v58 =	vperm.xlane v24, v14;
	v63 =	vld.idx.msk [tilespmem:v53+s21+$0x0], $0xffff  }
0x1fa: {  	v60 =	vperm.xlane v27, v15;
	v26 =	vadd.f32 v50, v26;
	v29 =	vadd.f32 v55, v29  }
0x1fb: {  	v27 =	vperm.xlane v27, v16;
	v39 =	vld.idx.msk [tilespmem:v59+s21+$0x0], $0xffff;
	v28 =	vadd.f32 v56, v28;
	v50 =	vor.u32 $0x2F0, v0  }
0x1fc: {  	v38 =	vld.idx.msk [tilespmem:v44+s21+$0x0], $0xffff;
	v45 =	vmul.f32 v62, v57;
	v26 =	vadd.f32 v30, v26;
	v29 =	vadd.f32 v61, v29  }
0x1fd: {  	v56 =	vperm.xlane v25, v14;
	v25 =	vperm.xlane v25, v16;
	v28 =	vadd.f32 v31, v28  }
0x1fe: {  	v26 =	vadd.f32 v45, v26;
	v51 =	vmul.f32 v48, v63;
	v29 =	vadd.f32 v47, v29  }
0x1ff: {  	v53 =	vmul.f32 v49, v63;
	v28 =	vadd.f32 v32, v28;
	v55 =	vmul.f32 v52, v63  }
0x200: {  	v57 =	vmul.f32 v54, v39;
	v59 =	vmul.f32 v56, v39;
	v61 =	vld.idx.msk [tilespmem:v50+s21+$0x0], $0xffff;
	v26 =	vadd.f32 v51, v26  }
0x201: {  	v62 =	vmul.f32 v58, v39;
	v63 =	vmul.f32 v60, v38;
	v29 =	vadd.f32 v53, v29  }
0x202: {  	v39 =	vperm.xlane v24, v15;
	v28 =	vadd.f32 v55, v28;
	v26 =	vadd.f32 v57, v26  }
0x203: {  	v40 =	vmul.f32 v36, v38;
	v24 =	vperm.xlane v24, v16;
	v29 =	vadd.f32 v59, v29  }
0x204: {  	v30 =	vmul.f32 v39, v38;
	v28 =	vadd.f32 v62, v28;
	v26 =	vadd.f32 v63, v26  }
0x205: {  	v27 =	vmul.f32 v27, v61;
	v29 =	vadd.f32 v40, v29;
	v25 =	vmul.f32 v25, v61  }
0x206: {  	(erf) = vrcp.f32 v41;
	v28 =	vadd.f32 v30, v28  }
0x207: {  	v24 =	vmul.f32 v24, v61;
	v26 =	vadd.f32 v27, v26;
	v25 =	vadd.f32 v25, v29;
	_ =	sdelay $0x1  }
0x208: {  	v24 =	vadd.f32 v24, v28;
	v26 =	vmul.f32 v26, v26;
	v25 =	vmul.f32 v25, v25;
	_ =	sdelay $0x1  }
0x209: {  	v24 =	vmul.f32 v24, v24;
	v25 =	vadd.f32 v25, v26;
	_ =	sdelay $0x1  }
0x20a: {  	s28 =	sshll.u32 s5, $0x4;
	v24 =	vadd.f32 v24, v25  }
0x20b: {  	s2 =	sand.u32 $0x3FFFFFF0, s28  }
0x20c: {  	v42 =	vpop (erf);
	[tilespmem:s2+$0x7A00] =	vst v24  }
0x20d: {  	v43 =	vmul.f32 v42, v41;
	v44 =	vld.idx.msk [tilespmem:v33+s3+$0x0], $0xffff  }
0x20e: {  	v45 =	vld.idx.msk [tilespmem:v33+s15+$0x0], $0xffff  }
0x20f: {  	v25 =	vsub.f32 $2.000000000e+00, v43;
	v47 =	vld.idx.msk [tilespmem:v33+s16+$0x0], $0xffff;
	_ =	sdelay $0x1  }
0x210: {  	v24 =	vmul.f32 v25, v42;
	_ =	sdelay $0x1  }
0x211: {  	v24 =	vmul.f32 v24, v17;
	v22 =	vsub.f32 v22, v44;
	v49 =	vsub.f32 v23, v45  }
0x212: {  	v46 =	vor.u32 $0x300, v0;
	v21 =	vsub.f32 v21, v47  }
0x213: {  	v48 =	vor.u32 $0x310, v0;
	v23 =	vmul.f32 v22, v24;
	v22 =	vmul.f32 v49, v24  }
0x214: {  	v51 =	vor.u32 $0x320, v0;
	v21 =	vmul.f32 v21, v24  }
0x215: {  	v56 =	vor.u32 $0x330, v0;
	v52 =	vperm.xlane v23, v1;
	v53 =	vperm.xlane v22, v1  }
0x216: {  	v62 =	vor.u32 $0x340, v0;
	v57 =	vperm.xlane v21, v1;
	v58 =	vperm.xlane v23, v2  }
0x217: {  	v40 =	vor.u32 $0x350, v0;
	v50 =	vld.idx.msk [tilespmem:v46+s21+$0x0], $0xffff;
	v60 =	vperm.xlane v22, v2;
	v61 =	vperm.xlane v21, v2  }
0x218: {  	v29 =	vld.idx.msk [tilespmem:v48+s21+$0x0], $0xffff;
	v63 =	vperm.xlane v23, v3;
	v36 =	vperm.xlane v22, v3  }
0x219: {  	v25 =	vld.idx.msk [tilespmem:v51+s21+$0x0], $0xffff;
	v41 =	vperm.xlane v21, v3;
	v42 =	vperm.xlane v23, v4  }
0x21a: {  	v28 =	vld.idx.msk [tilespmem:v56+s21+$0x0], $0xffff;
	v45 =	vperm.xlane v22, v4;
	v46 =	vperm.xlane v21, v4  }
0x21b: {  	v43 =	vld.idx.msk [tilespmem:v62+s21+$0x0], $0xffff;
	v48 =	vperm.xlane v23, v5;
	v49 =	vperm.xlane v22, v5  }
0x21c: {  	v34 =	vld.idx.msk [tilespmem:v40+s21+$0x0], $0xffff;
	v62 =	vperm.xlane v22, v7;
	v40 =	vperm.xlane v23, v8  }
0x21d: {  	v54 =	vmul.f32 v52, v50;
	v55 =	vmul.f32 v53, v50  }
0x21e: {  	v27 =	vmul.f32 v57, v50;
	v59 =	vmul.f32 v58, v29  }
0x21f: {  	v37 =	vmul.f32 v60, v29;
	v29 =	vmul.f32 v61, v29  }
0x220: {  	v38 =	vmul.f32 v63, v25;
	v39 =	vmul.f32 v36, v25  }
0x221: {  	v25 =	vmul.f32 v41, v25;
	v44 =	vmul.f32 v42, v28  }
0x222: {  	v47 =	vor.u32 $0x360, v0;
	v50 =	vmul.f32 v45, v28;
	v28 =	vmul.f32 v46, v28  }
0x223: {  	v51 =	vmul.f32 v49, v43;
	v52 =	vor.u32 $0x370, v0;
	v53 =	vperm.xlane v21, v5  }
0x224: {  	v58 =	vperm.xlane v22, v6;
	v60 =	vor.u32 $0x380, v0;
	v61 =	vperm.xlane v23, v7  }
0x225: {  	v45 =	vor.u32 $0x3A0, v0;
	v46 =	vperm.xlane v23, v9;
	v24 =	vadd.f32 $0.0e+00, v54  }
0x226: {  	v26 =	vadd.f32 $0.0e+00, v55;
	v54 =	vperm.xlane v23, v6;
	v56 =	vmul.f32 v53, v43  }
0x227: {  	v27 =	vadd.f32 $0.0e+00, v27;
	v55 =	vld.idx.msk [tilespmem:v47+s21+$0x0], $0xffff;
	v63 =	vmul.f32 v58, v34;
	v47 =	vperm.xlane v22, v9  }
0x228: {  	v53 =	vperm.xlane v23, v10;
	v58 =	vor.u32 $0x3C0, v0;
	v24 =	vadd.f32 v59, v24  }
0x229: {  	v27 =	vadd.f32 v29, v27;
	v57 =	vmul.f32 v54, v34;
	v59 =	vperm.xlane v21, v6  }
0x22a: {  	v26 =	vadd.f32 v37, v26;
	v54 =	vperm.xlane v22, v10;
	v32 =	vld.idx.msk [tilespmem:v52+s21+$0x0], $0xffff;
	v52 =	vperm.xlane v21, v9  }
0x22b: {  	v24 =	vadd.f32 v38, v24;
	v25 =	vadd.f32 v25, v27;
	v27 =	vmul.f32 v48, v43  }
0x22c: {  	v26 =	vadd.f32 v39, v26;
	v36 =	vmul.f32 v59, v34;
	v39 =	vperm.xlane v21, v7  }
0x22d: {  	v41 =	vld.idx.msk [tilespmem:v60+s21+$0x0], $0xffff;
	v38 =	vor.u32 $0x390, v0;
	v43 =	vperm.xlane v22, v8;
	v59 =	vperm.xlane v23, v11  }
0x22e: {  	v37 =	vmul.f32 v62, v55;
	v62 =	vperm.xlane v22, v11;
	v24 =	vadd.f32 v44, v24  }
0x22f: {  	v26 =	vadd.f32 v50, v26;
	v25 =	vadd.f32 v28, v25;
	v28 =	vmul.f32 v61, v55  }
0x230: {  	v44 =	vperm.xlane v21, v8;
	v24 =	vadd.f32 v27, v24;
	v27 =	vmul.f32 v39, v55  }
0x231: {  	v26 =	vadd.f32 v51, v26;
	v42 =	vmul.f32 v40, v32;
	v48 =	vmul.f32 v43, v32  }
0x232: {  	v25 =	vadd.f32 v56, v25;
	v49 =	vmul.f32 v44, v32;
	v50 =	vmul.f32 v47, v41  }
0x233: {  	v51 =	vor.u32 $0x3B0, v0;
	v55 =	vld.idx.msk [tilespmem:v45+s21+$0x0], $0xffff;
	v39 =	vperm.xlane v22, v12;
	v43 =	vperm.xlane v21, v12  }
0x234: {  	v40 =	vor.u32 $0x3E0, v0;
	v44 =	vperm.xlane v23, v13;
	v45 =	vperm.xlane v22, v13  }
0x235: {  	v34 =	vld.idx.msk [tilespmem:v38+s21+$0x0], $0xffff;
	v38 =	vperm.xlane v23, v12;
	v24 =	vadd.f32 v57, v24;
	v25 =	vadd.f32 v36, v25  }
0x236: {  	v26 =	vadd.f32 v63, v26;
	v57 =	vperm.xlane v21, v10;
	v63 =	vperm.xlane v21, v11  }
0x237: {  	v33 =	vld.idx.msk [tilespmem:v58+s21+$0x0], $0xffff;
	v24 =	vadd.f32 v28, v24;
	v25 =	vadd.f32 v27, v25;
	v27 =	vmul.f32 v46, v41  }
0x238: {  	v26 =	vadd.f32 v37, v26;
	v28 =	vmul.f32 v52, v41;
	v37 =	vmul.f32 v62, v55  }
0x239: {  	v36 =	vor.u32 $0x3D0, v0;
	v30 =	vmul.f32 v63, v55;
	v62 =	vperm.xlane v21, v15  }
0x23a: {  	v24 =	vadd.f32 v42, v24;
	v26 =	vadd.f32 v48, v26;
	v56 =	vmul.f32 v53, v34  }
0x23b: {  	v25 =	vadd.f32 v49, v25;
	v61 =	vmul.f32 v57, v34;
	v48 =	vperm.xlane v21, v13  }
0x23c: {  	v60 =	vld.idx.msk [tilespmem:v51+s21+$0x0], $0xffff;
	v49 =	vmul.f32 v44, v33;
	v53 =	vperm.xlane v23, v14;
	v24 =	vadd.f32 v27, v24  }
0x23d: {  	v27 =	vmul.f32 v54, v34;
	v25 =	vadd.f32 v28, v25;
	v28 =	vmul.f32 v59, v55  }
0x23e: {  	v26 =	vadd.f32 v50, v26;
	v50 =	vmul.f32 v45, v33;
	v52 =	vmul.f32 v48, v33  }
0x23f: {  	v46 =	vor.u32 $0x3F0, v0;
	v54 =	vperm.xlane v22, v14;
	v55 =	vperm.xlane v21, v14  }
0x240: {  	v34 =	vld.idx.msk [tilespmem:v36+s21+$0x0], $0xffff;
	v21 =	vperm.xlane v21, v16;
	v24 =	vadd.f32 v56, v24;
	v26 =	vadd.f32 v27, v26  }
0x241: {  	v25 =	vadd.f32 v61, v25;
	v41 =	vmul.f32 v38, v60;
	v42 =	vmul.f32 v39, v60  }
0x242: {  	v51 =	vld.idx.msk [tilespmem:v40+s21+$0x0], $0xffff;
	v47 =	vmul.f32 v43, v60;
	v24 =	vadd.f32 v28, v24;
	v26 =	vadd.f32 v37, v26  }
0x243: {  	v56 =	vperm.xlane v23, v15;
	v61 =	vperm.xlane v22, v15;
	v25 =	vadd.f32 v30, v25  }
0x244: {  	v57 =	vld.idx.msk [tilespmem:v46+s21+$0x0], $0xffff;
	v23 =	vperm.xlane v23, v16;
	v24 =	vadd.f32 v41, v24;
	v26 =	vadd.f32 v42, v26  }
0x245: {  	v22 =	vperm.xlane v22, v16;
	v29 =	vmul.f32 v53, v34;
	v25 =	vadd.f32 v47, v25  }
0x246: {  	v58 =	vmul.f32 v54, v34;
	v24 =	vadd.f32 v49, v24;
	v26 =	vadd.f32 v50, v26  }
0x247: {  	v60 =	vmul.f32 v56, v51;
	v59 =	vmul.f32 v55, v34;
	v25 =	vadd.f32 v52, v25  }
0x248: {  	v63 =	vmul.f32 v61, v51;
	v24 =	vadd.f32 v29, v24;
	v26 =	vadd.f32 v58, v26  }
0x249: {  	v27 =	vmul.f32 v62, v51;
	v23 =	vmul.f32 v23, v57;
	v25 =	vadd.f32 v59, v25  }
0x24a: {  	v22 =	vmul.f32 v22, v57;
	v24 =	vadd.f32 v60, v24;
	v26 =	vadd.f32 v63, v26  }
0x24b: {  	v25 =	vadd.f32 v27, v25  }
0x24c: {  	v21 =	vmul.f32 v21, v57;
	v23 =	vadd.f32 v23, v24;
	v22 =	vadd.f32 v22, v26;
	_ =	sdelay $0x1  }
0x24d: {  	s31 =	sadd.s32 $0x1, s31;
	v21 =	vadd.f32 v21, v25;
	v23 =	vmul.f32 v23, v23;
	v22 =	vmul.f32 v22, v22  }
0x24e: {  	p0 =	sne.s32 s31, $0x4  }
.Ltmp1:
0x24f: {  	v21 =	vmul.f32 v21, v21;
	v22 =	vadd.f32 v22, v23;
	(pc) =	sbr.rel @p0 .LBB2_3-.Ltmp1, $4  }
0x250: {  	_ = 	snop  }
0x251: {  	s0 =	sshll.u32 s0, $0x4;
	v21 =	vadd.f32 v21, v22  }
0x252: {  	s0 =	sand.u32 $0x3FFFFFF0, s0  }
0x253: {  	[tilespmem:s0+$0x7A00] =	vst v21  }
0x254: {  	s29 =	sadd.s32 $0x1, s29  }
0x255: {  	s0 =	sshll.u32 s30, $0x1;
	p0 =	sne.s32 s29, $0x62  }
.Ltmp2:
0x256: {  	s0 =	sadd.s32 s11, s0;
	(pc) =	sbr.rel @p0 .LBB2_2-.Ltmp2, $4  }
0x257: {  	[hbm4b:s0+s3] =	stream.linear.scatter [tilespmem:s26], [sflag:$0x2], $0x100, $0x38;
	[tilespmem:$0x7B00] =	vst v63  }
0x258: {  	_ =	swait.ge [sflag:s14], $0x100  }
0x259: {  	[sflag:s14] =	ssyncset.done $0x0  }
0x25a: {  	[sflag:s14] =	ssyncadd.s32 $0xFFFFFF00  }
0x25b: {  	s2 =	rddreg [dreg:$0x8]  }
0x25c: {  	s0 =	rddreg [dreg:$0x7];
	s2 =	sadd.s32 $0x1, s2  }
0x25d: {  	p0 =	sne.s32 s2, s0  }
.Ltmp3:
0x25e: {  	_ = 	snop;
	(pc) =	sbr.rel @p0 .LBB2_1-.Ltmp3, $1  }
0x25f: {  	_ =	sdelay $0x3  }
0x260: {  	_ =	sfence.sel $0x180000  }
0x261: {  	[bflag:$0x0] =	sbarrier.arrive $0xFFFF  }
0x262: {  	_ =	strace $0x90000047  }
0x263: {  	s0 =	stileid.u32;
	[bflag:$0x2] =	sbarrier.arrive $0xFFFF  }
0x264: {  	p0 =	sne.s32 s0, $0x0;
	s0 =	rddreg [dreg:$0x3]  }
0x265: {  	s0 =	sadd.s32 @!p0 $0x100000, s0  }
0x266: {  	[sflag:s0] =	ssyncadd.tile.s32 @!p0 $0x1;
	_ =	shalt  }
.Lfunc_end2:
_tile_overlayer_lowered:
.L_overlay_start_2:
0x267: {  	(tag) =	ssettag $0x2  }
0x268: {  	s0 =	rddreg [dreg:$0x0];
	s2 =	stileid.u32  }
0x269: {  	s1 =	rddreg [dreg:$0x1];
	p0 =	sne.s32 s2, $0x0  }
0x26a: {  	s3 =	rddreg [dreg:$0x2];
	[bflag:$0x3] =	sbarrier.arrive $0xFFFF;
	s2 =	simm.s32 @!p0 $0x1C02  }
0x26b: {  	[timem:s3], [sflag:s2] =	dma.local @!p0 [hbm:s0], s1  }
0x26c: {  	s0 =	simm.s32 @!p0 $0x2  }
0x26d: {  	_ =	swait.ge @!p0 [sflag:s0], s1  }
0x26e: {  	s1 =	ssub.s32 @!p0 $0x0, s1;
	[sflag:s0] =	ssyncset.done @!p0 $0x0  }
0x26f: {  	[sflag:s0] =	ssyncadd.s32 @!p0 s1  }
0x270: {  	[bflag:$0x3] =	sbarrier.arrive $0xFFFF  }
0x271: {  	_ =	shalt  }

</sc_bundles>
